<compile_context>
chip_gen: v7x
topology: tpu7x:2x2x1
jax: 0.10.2.dev20260603
libtpu: 0.0.44.dev20260713+nightly
codegen_flags: <defaults>
</compile_context>

<pallas_src>
import functools

import jax
import jax.numpy as jnp
from jax import lax
from jax.experimental import pallas as pl
from jax.experimental.pallas import tpu as pltpu
from jax.experimental.pallas import tpu_sc as plsc

_NUM_EMBEDDINGS = 8192
_DIM = 32
_TOPK = 3
_COMMITMENT = 0.25

_ROWS_PER_BLOCK = 512
_N_TOKENS = 8192


def _topk_body(x_ref, ewt_ref, idx_ref, dsum_ref, e2_ref):
    i = pl.program_id(0)
    x = x_ref[...]
    ewt = ewt_ref[...]

    @pl.when(i == 0)
    def _init():
        e2_ref[...] = jnp.sum(ewt * ewt, axis=0, keepdims=True)
        dsum_ref[0, 0] = 0.0

    x2 = jnp.sum(x * x, axis=1, keepdims=True)
    dots = jnp.dot(x * -2.0, ewt, preferred_element_type=jnp.float32)
    dist = (x2 + e2_ref[...]) + dots

    R, K = dist.shape
    big_i = jnp.int32(2**30)
    inf = jnp.float32(jnp.inf)

    v1 = dist[:, 0:128]
    v2 = jnp.full((R, 128), inf)
    v3 = jnp.full((R, 128), inf)
    b1 = jnp.zeros((R, 128), jnp.int32)
    b2 = jnp.zeros((R, 128), jnp.int32)
    b3 = jnp.zeros((R, 128), jnp.int32)
    for c in range(1, K // 128):
        d = dist[:, c * 128:(c + 1) * 128]
        bc = jnp.int32(c)
        c1 = d < v1
        c2 = d < v2
        c3 = d < v3
        v3 = jnp.where(c2, v2, jnp.where(c3, d, v3))
        b3 = jnp.where(c2, b2, jnp.where(c3, bc, b3))
        v2 = jnp.where(c1, v1, jnp.where(c2, d, v2))
        b2 = jnp.where(c1, b1, jnp.where(c2, bc, b2))
        v1 = jnp.where(c1, d, v1)
        b1 = jnp.where(c1, bc, b1)

    lane = lax.broadcasted_iota(jnp.int32, (R, 128), 1)
    g1 = b1 * 128 + lane
    g2 = b2 * 128 + lane
    g3 = b3 * 128 + lane
    total = jnp.float32(0.0)
    picked = []
    for j in range(_TOPK):
        m = jnp.min(v1, axis=1, keepdims=True)
        mi = jnp.min(jnp.where(v1 == m, g1, big_i), axis=1, keepdims=True)
        picked.append(mi)
        total += jnp.sum(m)
        if j < _TOPK - 1:
            w = g1 == mi
            v1 = jnp.where(w, v2, v1)
            g1 = jnp.where(w, g2, g1)
            v2 = jnp.where(w, v3, v2)
            g2 = jnp.where(w, g3, g2)
            v3 = jnp.where(w, inf, v3)
    idx_ref[...] = jnp.concatenate(picked, axis=1)
    dsum_ref[0, 0] += total


def _run_topk(flat_x, ewt):
    grid = _N_TOKENS // _ROWS_PER_BLOCK
    return pl.pallas_call(
        _topk_body,
        grid=(grid,),
        in_specs=[
            pl.BlockSpec((_ROWS_PER_BLOCK, _DIM), lambda i: (i, 0)),
            pl.BlockSpec((_DIM, _NUM_EMBEDDINGS), lambda i: (0, 0)),
        ],
        out_specs=[
            pl.BlockSpec((_ROWS_PER_BLOCK, _TOPK), lambda i: (i, 0)),
            pl.BlockSpec(memory_space=pltpu.SMEM),
        ],
        out_shape=[
            jax.ShapeDtypeStruct((_N_TOKENS, _TOPK), jnp.int32),
            jax.ShapeDtypeStruct((1, 1), jnp.float32),
        ],
        scratch_shapes=[pltpu.VMEM((1, _NUM_EMBEDDINGS), jnp.float32)],
    )(flat_x, ewt)



_SC_WORKERS = 16
_IDX_TOTAL = _N_TOKENS * _TOPK
_IDX_PER_W = _IDX_TOTAL // _SC_WORKERS
_IDX_CHUNKS = _IDX_PER_W // 128
_BINS_PER_W = _NUM_EMBEDDINGS // _SC_WORKERS
_LANES = 16


def _sc_body(table_hbm, idx_hbm, gath_hbm, counts_hbm,
             idx_v, rows_v, ones_v, zc_v, cnt_v, bins_sh, sem):
    wid = lax.axis_index("s") * 1 + lax.axis_index("c")
    base = wid * _IDX_PER_W
    iota16 = lax.iota(jnp.int32, _LANES)
    zeros16 = jnp.zeros((_LANES,), jnp.int32)

    pltpu.sync_copy(idx_hbm.at[wid], idx_v)

    def _fill(r, _):
        def _fill_col(c, __):
            ones_v[r, pl.ds(c * _LANES, _LANES)] = jnp.ones((_LANES,), jnp.float32)
            zc_v[r, pl.ds(c * _LANES, _LANES)] = jnp.zeros((_LANES,), jnp.float32)
            return __
        return lax.fori_loop(0, 128 // _LANES, _fill_col, _)
    lax.fori_loop(0, 128, _fill, 0)

    for z in range(_BINS_PER_W // 128):
        pltpu.sync_copy(zc_v, bins_sh.at[pl.ds(wid * _BINS_PER_W + z * 128, 128)])

    for j in range(_IDX_CHUNKS):
        pltpu.async_copy(table_hbm.at[idx_v.at[j]], rows_v, sem).wait()
        pltpu.sync_copy(rows_v, gath_hbm.at[pl.ds(base + j * 128, 128)])

    plsc.subcore_barrier()
    for j in range(_IDX_CHUNKS):
        pltpu.sync_copy(ones_v, bins_sh.at[idx_v.at[j]], add=True)
    plsc.subcore_barrier()

    for z in range(_BINS_PER_W // 128):
        off = wid * _BINS_PER_W + z * 128
        pltpu.sync_copy(bins_sh.at[pl.ds(off, 128)], zc_v)
        for g in range(128 // _LANES):
            vals = plsc.load_gather(zc_v, [iota16 + g * _LANES, zeros16])
            cnt_v[pl.ds(g * _LANES, _LANES)] = vals
        pltpu.sync_copy(cnt_v, counts_hbm.at[pl.ds(off, 128)])


def _run_sc_gather(table_padded, idx3):
    mesh = plsc.VectorSubcoreMesh(core_axis_name="c", subcore_axis_name="s",
                                  num_cores=1)
    fn = functools.partial(
        pl.kernel, mesh=mesh,
        compiler_params=pltpu.CompilerParams(needs_layout_passes=False),
        out_type=[
            jax.ShapeDtypeStruct((_IDX_TOTAL, 128), jnp.float32),
            jax.ShapeDtypeStruct((_NUM_EMBEDDINGS,), jnp.float32),
        ],
        scratch_types=[
            pltpu.VMEM((_IDX_CHUNKS, 128), jnp.int32),
            pltpu.VMEM((128, 128), jnp.float32),
            pltpu.VMEM((128, 128), jnp.float32),
            pltpu.VMEM((128, 128), jnp.float32),
            pltpu.VMEM((128,), jnp.float32),
            pltpu.VMEM_SHARED((_NUM_EMBEDDINGS, 128), jnp.float32),
            pltpu.SemaphoreType.DMA,
        ],
    )(_sc_body)
    return fn(table_padded, idx3)



def _scalars_body(counts_ref, dsum_ref, loss_ref, perp_ref):
    c = counts_ref[...]
    p = c * jnp.float32(1.0 / _N_TOKENS)
    ent = jnp.sum(p * jnp.log(p + 1e-10))
    perp_ref[0, 0] = jnp.exp(-ent)
    a = dsum_ref[0, 0] * jnp.float32(1.0 / (_N_TOKENS * _TOPK * _DIM))
    loss_ref[0, 0] = a + _COMMITMENT * a


def _run_scalars(counts2d, dsum):
    return pl.pallas_call(
        _scalars_body,
        in_specs=[
            pl.BlockSpec((64, 128), lambda: (0, 0)),
            pl.BlockSpec(memory_space=pltpu.SMEM),
        ],
        out_specs=[
            pl.BlockSpec(memory_space=pltpu.SMEM),
            pl.BlockSpec(memory_space=pltpu.SMEM),
        ],
        out_shape=[
            jax.ShapeDtypeStruct((1, 1), jnp.float32),
            jax.ShapeDtypeStruct((1, 1), jnp.float32),
        ],
    )(counts2d, dsum)


def kernel(inputs, embedding_weight):
    B, T, C = inputs.shape
    flat_x = inputs.reshape(-1, C)
    ewt = embedding_weight.T

    enc_idx, dsum = _run_topk(flat_x, ewt)

    idx3 = enc_idx.reshape(_SC_WORKERS, _IDX_CHUNKS, 128)
    table_padded = jnp.pad(embedding_weight, ((0, 0), (0, 128 - _DIM)))
    gathered, counts = _run_sc_gather(table_padded, idx3)

    counts2d = counts.reshape(64, 128)
    loss, perp = _run_scalars(counts2d, dsum)

    quantized_st = gathered[:, :C].reshape(B, T, _TOPK, C)
    return (loss.reshape(()), quantized_st, perp.reshape(()),
            enc_idx.reshape(B, T, _TOPK))

# --- scband reference (transcript-rebuilt; emitter-appended) ---
"""Pipeline reference for scband-vector-quantizer-ema-78108275245195 (READ-ONLY COPY).

The authoritative reference and input builder live on the scoring server;
editing this copy changes nothing except your own understanding.
"""

import jax, jax.numpy as jnp
import numpy as np

NUM_EMBEDDINGS = 8192
EMBEDDING_DIM = 32
COMMITMENT_COST = 0.25
TOP_K = 3


def setup_inputs(seed: int = 0) -> dict:
    key = jax.random.key(seed)
    k1, k2 = jax.random.split(key)
    inputs = jax.random.normal(k1, (8, 1024, EMBEDDING_DIM), dtype=jnp.float32)
    embedding_weight = jax.random.normal(k2, (NUM_EMBEDDINGS, EMBEDDING_DIM), dtype=jnp.float32) * 0.02
    return {"inputs": inputs, "embedding_weight": embedding_weight}


def reference(inputs, embedding_weight):
    B, T, C = inputs.shape
    flat_input = inputs.reshape(-1, C)
    ew = embedding_weight[:NUM_EMBEDDINGS]
    distances = (jnp.sum(flat_input ** 2, axis=1, keepdims=True)
                 + jnp.sum(ew ** 2, axis=1)
                 - 2.0 * jnp.matmul(flat_input, ew.T))
    # torch.topk(distances, k, largest=False) == smallest-k -> top_k of negated distances
    _, encoding_indices = jax.lax.top_k(-distances, TOP_K)  # (B*T, top_k)
    N = flat_input.shape[0]
    encodings = jnp.zeros((N, NUM_EMBEDDINGS), dtype=jnp.float32)
    encodings = encodings.at[jnp.arange(N)[:, None], encoding_indices].set(1.0)
    quantized = jnp.take(embedding_weight, encoding_indices, axis=0)  # (B*T, top_k, C)
    quantized = quantized.reshape(B, T, TOP_K, C)
    inputs_rep = jnp.broadcast_to(inputs[:, :, None, :], (B, T, TOP_K, C))
    e_latent_loss = jnp.mean((jax.lax.stop_gradient(quantized) - inputs_rep) ** 2)
    q_latent_loss = jnp.mean((quantized - jax.lax.stop_gradient(inputs_rep)) ** 2)
    loss = q_latent_loss + COMMITMENT_COST * e_latent_loss
    quantized_st = inputs_rep + jax.lax.stop_gradient(quantized - inputs_rep)
    avg_probs = jnp.mean(encodings, axis=0)
    perplexity = jnp.exp(-jnp.sum(avg_probs * jnp.log(avg_probs + 1e-10)))
    enc_idx_out = encoding_indices.reshape(B, T, TOP_K)
    return (loss, quantized_st, perplexity, enc_idx_out)

if __name__ == "__main__":
    import jax
    _d = setup_inputs()
    print(jax.jit(kernel)(*tuple(_d.values())))

</pallas_src>

<mosaic_0001>
#map = affine_map<(d0, d1) -> (0, 0)>
#map1 = affine_map<(d0, d1) -> (0, 0, 0)>
#map2 = affine_map<(d0, d1) -> (0)>
module attributes {stable_mosaic.version = 14 : i64} {
  func.func @_sc_body(%arg0: i32, %arg1: i32, %arg2: memref<8192x128xf32, #tpu.memory_space<hbm>>, %arg3: memref<16x12x128xi32, #tpu.memory_space<hbm>>, %arg4: memref<24576x128xf32, #tpu.memory_space<hbm>>, %arg5: memref<8192xf32, #tpu.memory_space<hbm>>, %arg6: memref<12x128xi32, #tpu.memory_space<vmem>>, %arg7: memref<128x128xf32, #tpu.memory_space<vmem>>, %arg8: memref<128x128xf32, #tpu.memory_space<vmem>>, %arg9: memref<128x128xf32, #tpu.memory_space<vmem>>, %arg10: memref<128xf32, #tpu.memory_space<vmem>>, %arg11: memref<8192x128xf32, #tpu.memory_space<vmem_shared>>, %arg12: memref<!tpu.dma_semaphore, #tpu.memory_space<semaphore_mem>>) attributes {dimension_semantics = [#tpu.dimension_semantics<core_parallel>, #tpu.dimension_semantics<subcore_parallel>], iteration_bounds = array<i64: 1, 16>, scalar_prefetch = 0 : i64, scratch_operands = 7 : i64, tpu.core_type = #tpu.core_type<sc_vector_subcore>, window_params = [{transform_indices = #map}, {transform_indices = #map1}, {transform_indices = #map}, {transform_indices = #map2}]} {
    %mul3A = arith.constant 1 : i32
    %mul3A_0 = arith.muli %arg1, %mul3A : i32
    %add3A = arith.addi %mul3A_0, %arg0 : i32
    %mul3A_1 = arith.constant 1536 : i32
    %mul3A_2 = arith.muli %add3A, %mul3A_1 : i32
    %iota3A = tpu.iota {dimensions = array<i32: 0>} : vector<16xi32>
    %broadcast_in_dim3A = arith.constant 0 : i32
    %broadcast_in_dim3A_3 = vector.broadcast %broadcast_in_dim3A : i32 to vector<16xi32>
    "tpu.region"() ({
      %run_scoped3A_433 = tpu.sem_alloc : memref<!tpu.dma_semaphore, #tpu.memory_space<semaphore_mem>>
      %dma_start3A_434 = arith.constant 0 : i32
      %dma_start3A_435 = arith.constant 0 : i32
      %dma_start3A_436 = tpu.memref_slice %arg3[%add3A, %dma_start3A_434, %dma_start3A_435] : memref<16x12x128xi32, #tpu.memory_space<hbm>> -> memref<1x12x128xi32, #tpu.memory_space<hbm>>
      %dma_start3A_437 = tpu.memref_squeeze %dma_start3A_436 : memref<1x12x128xi32, #tpu.memory_space<hbm>> -> memref<12x128xi32, #tpu.memory_space<hbm>>
      %dma_start3A_438 = arith.constant 0 : i32
      %dma_start3A_439 = arith.constant 0 : i32
      %dma_start3A_440 = tpu.memref_slice %arg3[%add3A, %dma_start3A_438, %dma_start3A_439] : memref<16x12x128xi32, #tpu.memory_space<hbm>> -> memref<1x12x128xi32, #tpu.memory_space<hbm>>
      %dma_start3A_441 = tpu.memref_squeeze %dma_start3A_440 : memref<1x12x128xi32, #tpu.memory_space<hbm>> -> memref<12x128xi32, #tpu.memory_space<hbm>>
      tpu.enqueue_dma source(%dma_start3A_441 : memref<12x128xi32, #tpu.memory_space<hbm>>) target(%arg6 : memref<12x128xi32, #tpu.memory_space<vmem>>) target_semaphore(%run_scoped3A_433 : memref<!tpu.dma_semaphore, #tpu.memory_space<semaphore_mem>>)
      %dma_wait3A_442 = arith.constant 0 : i32
      %dma_wait3A_443 = arith.constant 0 : i32
      %dma_wait3A_444 = tpu.memref_slice %arg3[%add3A, %dma_wait3A_442, %dma_wait3A_443] : memref<16x12x128xi32, #tpu.memory_space<hbm>> -> memref<1x12x128xi32, #tpu.memory_space<hbm>>
      %dma_wait3A_445 = tpu.memref_squeeze %dma_wait3A_444 : memref<1x12x128xi32, #tpu.memory_space<hbm>> -> memref<12x128xi32, #tpu.memory_space<hbm>>
      %dma_wait3A_446 = arith.constant 0 : i32
      %dma_wait3A_447 = arith.constant 0 : i32
      %dma_wait3A_448 = tpu.memref_slice %arg3[%add3A, %dma_wait3A_446, %dma_wait3A_447] : memref<16x12x128xi32, #tpu.memory_space<hbm>> -> memref<1x12x128xi32, #tpu.memory_space<hbm>>
      %dma_wait3A_449 = tpu.memref_squeeze %dma_wait3A_448 : memref<1x12x128xi32, #tpu.memory_space<hbm>> -> memref<12x128xi32, #tpu.memory_space<hbm>>
      tpu.wait_dma2 semaphore(%run_scoped3A_433 : memref<!tpu.dma_semaphore, #tpu.memory_space<semaphore_mem>>) src(%dma_wait3A_449 : memref<12x128xi32, #tpu.memory_space<hbm>>) dst(%arg6 : memref<12x128xi32, #tpu.memory_space<vmem>>)
      tpu.yield
    }) : () -> ()
    %scan3A = arith.constant 0 : i32
    %scan3A_4 = arith.constant 0 : i32
    %scan3A_5 = arith.constant 128 : i32
    %scan3A_6 = arith.addi %scan3A_4, %scan3A_5 : i32
    %scan3A_7 = arith.constant 1 : i32
    scf.for %scan3A_433 = %scan3A_4 to %scan3A_6 step %scan3A_7  : i32 {
      %scan3A_434 = arith.constant 0 : i32
      %scan3A_435 = arith.constant 8 : i32
      %scan3A_436 = arith.addi %scan3A_434, %scan3A_435 : i32
      %scan3A_437 = arith.constant 1 : i32
      scf.for %scan3A_439 = %scan3A_434 to %scan3A_436 step %scan3A_437  : i32 {
        %broadcast_in_dim3A_440 = arith.constant 1.000000e+00 : f32
        %broadcast_in_dim3A_441 = vector.broadcast %broadcast_in_dim3A_440 : f32 to vector<16xf32>
        %mul3A_442 = arith.constant 16 : i32
        %mul3A_443 = arith.muli %scan3A_439, %mul3A_442 : i32
        %swap3A_444 = arith.index_cast %scan3A_433 : i32 to index
        %swap3A_445 = arith.index_cast %mul3A_443 : i32 to index
        %swap3A_446 = tpu.vector_load %arg8[%swap3A_444, %swap3A_445] {strides = array<i32>} : memref<128x128xf32, #tpu.memory_space<vmem>>, vector<16xf32>,
        tpu.vector_store %arg8[%swap3A_444, %swap3A_445], %broadcast_in_dim3A_441 {strides = array<i32>} : memref<128x128xf32, #tpu.memory_space<vmem>>, vector<16xf32>,
        %broadcast_in_dim3A_447 = arith.constant 0.000000e+00 : f32
        %broadcast_in_dim3A_448 = vector.broadcast %broadcast_in_dim3A_447 : f32 to vector<16xf32>
        %mul3A_449 = arith.constant 16 : i32
        %mul3A_450 = arith.muli %scan3A_439, %mul3A_449 : i32
        %swap3A_451 = arith.index_cast %scan3A_433 : i32 to index
        %swap3A_452 = arith.index_cast %mul3A_450 : i32 to index
        %swap3A_453 = tpu.vector_load %arg9[%swap3A_451, %swap3A_452] {strides = array<i32>} : memref<128x128xf32, #tpu.memory_space<vmem>>, vector<16xf32>,
        tpu.vector_store %arg9[%swap3A_451, %swap3A_452], %broadcast_in_dim3A_448 {strides = array<i32>} : memref<128x128xf32, #tpu.memory_space<vmem>>, vector<16xf32>,
      }
      %scan3A_438 = arith.constant 8 : i32
    }
    %scan3A_8 = arith.constant 128 : i32
    %mul3A_9 = arith.constant 512 : i32
    %mul3A_10 = arith.muli %add3A, %mul3A_9 : i32
    %add3A_11 = arith.constant 0 : i32
    %add3A_12 = arith.addi %mul3A_10, %add3A_11 : i32
    "tpu.region"() ({
      %run_scoped3A_433 = tpu.sem_alloc : memref<!tpu.dma_semaphore, #tpu.memory_space<semaphore_mem>>
      %dma_start3A_434 = arith.constant 0 : i32
      %dma_start3A_435 = tpu.memref_slice %arg11[%add3A_12, %dma_start3A_434] : memref<8192x128xf32, #tpu.memory_space<vmem_shared>> -> memref<128x128xf32, #tpu.memory_space<vmem_shared>>
      %dma_start3A_436 = arith.constant 0 : i32
      %dma_start3A_437 = tpu.memref_slice %arg11[%add3A_12, %dma_start3A_436] : memref<8192x128xf32, #tpu.memory_space<vmem_shared>> -> memref<128x128xf32, #tpu.memory_space<vmem_shared>>
      tpu.enqueue_dma source(%arg9 : memref<128x128xf32, #tpu.memory_space<vmem>>) target(%dma_start3A_437 : memref<128x128xf32, #tpu.memory_space<vmem_shared>>) target_semaphore(%run_scoped3A_433 : memref<!tpu.dma_semaphore, #tpu.memory_space<semaphore_mem>>)
      %dma_wait3A_438 = arith.constant 0 : i32
      %dma_wait3A_439 = tpu.memref_slice %arg11[%add3A_12, %dma_wait3A_438] : memref<8192x128xf32, #tpu.memory_space<vmem_shared>> -> memref<128x128xf32, #tpu.memory_space<vmem_shared>>
      %dma_wait3A_440 = arith.constant 0 : i32
      %dma_wait3A_441 = tpu.memref_slice %arg11[%add3A_12, %dma_wait3A_440] : memref<8192x128xf32, #tpu.memory_space<vmem_shared>> -> memref<128x128xf32, #tpu.memory_space<vmem_shared>>
      tpu.wait_dma2 semaphore(%run_scoped3A_433 : memref<!tpu.dma_semaphore, #tpu.memory_space<semaphore_mem>>) src(%arg9 : memref<128x128xf32, #tpu.memory_space<vmem>>) dst(%dma_wait3A_441 : memref<128x128xf32, #tpu.memory_space<vmem_shared>>)
      tpu.yield
    }) : () -> ()
    %mul3A_13 = arith.constant 512 : i32
    %mul3A_14 = arith.muli %add3A, %mul3A_13 : i32
    %add3A_15 = arith.constant 128 : i32
    %add3A_16 = arith.addi %mul3A_14, %add3A_15 : i32
    "tpu.region"() ({
      %run_scoped3A_433 = tpu.sem_alloc : memref<!tpu.dma_semaphore, #tpu.memory_space<semaphore_mem>>
      %dma_start3A_434 = arith.constant 0 : i32
      %dma_start3A_435 = tpu.memref_slice %arg11[%add3A_16, %dma_start3A_434] : memref<8192x128xf32, #tpu.memory_space<vmem_shared>> -> memref<128x128xf32, #tpu.memory_space<vmem_shared>>
      %dma_start3A_436 = arith.constant 0 : i32
      %dma_start3A_437 = tpu.memref_slice %arg11[%add3A_16, %dma_start3A_436] : memref<8192x128xf32, #tpu.memory_space<vmem_shared>> -> memref<128x128xf32, #tpu.memory_space<vmem_shared>>
      tpu.enqueue_dma source(%arg9 : memref<128x128xf32, #tpu.memory_space<vmem>>) target(%dma_start3A_437 : memref<128x128xf32, #tpu.memory_space<vmem_shared>>) target_semaphore(%run_scoped3A_433 : memref<!tpu.dma_semaphore, #tpu.memory_space<semaphore_mem>>)
      %dma_wait3A_438 = arith.constant 0 : i32
      %dma_wait3A_439 = tpu.memref_slice %arg11[%add3A_16, %dma_wait3A_438] : memref<8192x128xf32, #tpu.memory_space<vmem_shared>> -> memref<128x128xf32, #tpu.memory_space<vmem_shared>>
      %dma_wait3A_440 = arith.constant 0 : i32
      %dma_wait3A_441 = tpu.memref_slice %arg11[%add3A_16, %dma_wait3A_440] : memref<8192x128xf32, #tpu.memory_space<vmem_shared>> -> memref<128x128xf32, #tpu.memory_space<vmem_shared>>
      tpu.wait_dma2 semaphore(%run_scoped3A_433 : memref<!tpu.dma_semaphore, #tpu.memory_space<semaphore_mem>>) src(%arg9 : memref<128x128xf32, #tpu.memory_space<vmem>>) dst(%dma_wait3A_441 : memref<128x128xf32, #tpu.memory_space<vmem_shared>>)
      tpu.yield
    }) : () -> ()
    %mul3A_17 = arith.constant 512 : i32
    %mul3A_18 = arith.muli %add3A, %mul3A_17 : i32
    %add3A_19 = arith.constant 256 : i32
    %add3A_20 = arith.addi %mul3A_18, %add3A_19 : i32
    "tpu.region"() ({
      %run_scoped3A_433 = tpu.sem_alloc : memref<!tpu.dma_semaphore, #tpu.memory_space<semaphore_mem>>
      %dma_start3A_434 = arith.constant 0 : i32
      %dma_start3A_435 = tpu.memref_slice %arg11[%add3A_20, %dma_start3A_434] : memref<8192x128xf32, #tpu.memory_space<vmem_shared>> -> memref<128x128xf32, #tpu.memory_space<vmem_shared>>
      %dma_start3A_436 = arith.constant 0 : i32
      %dma_start3A_437 = tpu.memref_slice %arg11[%add3A_20, %dma_start3A_436] : memref<8192x128xf32, #tpu.memory_space<vmem_shared>> -> memref<128x128xf32, #tpu.memory_space<vmem_shared>>
      tpu.enqueue_dma source(%arg9 : memref<128x128xf32, #tpu.memory_space<vmem>>) target(%dma_start3A_437 : memref<128x128xf32, #tpu.memory_space<vmem_shared>>) target_semaphore(%run_scoped3A_433 : memref<!tpu.dma_semaphore, #tpu.memory_space<semaphore_mem>>)
      %dma_wait3A_438 = arith.constant 0 : i32
      %dma_wait3A_439 = tpu.memref_slice %arg11[%add3A_20, %dma_wait3A_438] : memref<8192x128xf32, #tpu.memory_space<vmem_shared>> -> memref<128x128xf32, #tpu.memory_space<vmem_shared>>
      %dma_wait3A_440 = arith.constant 0 : i32
      %dma_wait3A_441 = tpu.memref_slice %arg11[%add3A_20, %dma_wait3A_440] : memref<8192x128xf32, #tpu.memory_space<vmem_shared>> -> memref<128x128xf32, #tpu.memory_space<vmem_shared>>
      tpu.wait_dma2 semaphore(%run_scoped3A_433 : memref<!tpu.dma_semaphore, #tpu.memory_space<semaphore_mem>>) src(%arg9 : memref<128x128xf32, #tpu.memory_space<vmem>>) dst(%dma_wait3A_441 : memref<128x128xf32, #tpu.memory_space<vmem_shared>>)
      tpu.yield
    }) : () -> ()
    %mul3A_21 = arith.constant 512 : i32
    %mul3A_22 = arith.muli %add3A, %mul3A_21 : i32
    %add3A_23 = arith.constant 384 : i32
    %add3A_24 = arith.addi %mul3A_22, %add3A_23 : i32
    "tpu.region"() ({
      %run_scoped3A_433 = tpu.sem_alloc : memref<!tpu.dma_semaphore, #tpu.memory_space<semaphore_mem>>
      %dma_start3A_434 = arith.constant 0 : i32
      %dma_start3A_435 = tpu.memref_slice %arg11[%add3A_24, %dma_start3A_434] : memref<8192x128xf32, #tpu.memory_space<vmem_shared>> -> memref<128x128xf32, #tpu.memory_space<vmem_shared>>
      %dma_start3A_436 = arith.constant 0 : i32
      %dma_start3A_437 = tpu.memref_slice %arg11[%add3A_24, %dma_start3A_436] : memref<8192x128xf32, #tpu.memory_space<vmem_shared>> -> memref<128x128xf32, #tpu.memory_space<vmem_shared>>
      tpu.enqueue_dma source(%arg9 : memref<128x128xf32, #tpu.memory_space<vmem>>) target(%dma_start3A_437 : memref<128x128xf32, #tpu.memory_space<vmem_shared>>) target_semaphore(%run_scoped3A_433 : memref<!tpu.dma_semaphore, #tpu.memory_space<semaphore_mem>>)
      %dma_wait3A_438 = arith.constant 0 : i32
      %dma_wait3A_439 = tpu.memref_slice %arg11[%add3A_24, %dma_wait3A_438] : memref<8192x128xf32, #tpu.memory_space<vmem_shared>> -> memref<128x128xf32, #tpu.memory_space<vmem_shared>>
      %dma_wait3A_440 = arith.constant 0 : i32
      %dma_wait3A_441 = tpu.memref_slice %arg11[%add3A_24, %dma_wait3A_440] : memref<8192x128xf32, #tpu.memory_space<vmem_shared>> -> memref<128x128xf32, #tpu.memory_space<vmem_shared>>
      tpu.wait_dma2 semaphore(%run_scoped3A_433 : memref<!tpu.dma_semaphore, #tpu.memory_space<semaphore_mem>>) src(%arg9 : memref<128x128xf32, #tpu.memory_space<vmem>>) dst(%dma_wait3A_441 : memref<128x128xf32, #tpu.memory_space<vmem_shared>>)
      tpu.yield
    }) : () -> ()
    %dma_start3A = arith.constant 0 : i32
    %dma_start3A_25 = arith.constant 0 : i32
    %dma_start3A_26 = tpu.memref_slice %arg6[%dma_start3A, %dma_start3A_25] : memref<12x128xi32, #tpu.memory_space<vmem>> -> memref<1x128xi32, #tpu.memory_space<vmem>>
    %dma_start3A_27 = tpu.memref_squeeze %dma_start3A_26 : memref<1x128xi32, #tpu.memory_space<vmem>> -> memref<128xi32, #tpu.memory_space<vmem>>
    %dma_start3A_28 = arith.constant 0 : i32
    %dma_start3A_29 = arith.constant 0 : i32
    %dma_start3A_30 = tpu.memref_slice %arg2[%dma_start3A_28, %dma_start3A_29] : memref<8192x128xf32, #tpu.memory_space<hbm>> -> memref<8192x128xf32, #tpu.memory_space<hbm>>
    tpu.enqueue_indirect_dma source(%dma_start3A_30 : memref<8192x128xf32, #tpu.memory_space<hbm>>) target(%arg7 : memref<128x128xf32, #tpu.memory_space<vmem>>) offsets(%dma_start3A_27 : memref<128xi32, #tpu.memory_space<vmem>>) semaphore(%arg12 : memref<!tpu.dma_semaphore, #tpu.memory_space<semaphore_mem>>)
    %dma_wait3A = arith.constant 0 : i32
    %dma_wait3A_31 = arith.constant 0 : i32
    %dma_wait3A_32 = tpu.memref_slice %arg6[%dma_wait3A, %dma_wait3A_31] : memref<12x128xi32, #tpu.memory_space<vmem>> -> memref<1x128xi32, #tpu.memory_space<vmem>>
    %dma_wait3A_33 = tpu.memref_squeeze %dma_wait3A_32 : memref<1x128xi32, #tpu.memory_space<vmem>> -> memref<128xi32, #tpu.memory_space<vmem>>
    %dma_wait3A_34 = arith.constant 0 : i32
    %dma_wait3A_35 = arith.constant 0 : i32
    %dma_wait3A_36 = tpu.memref_slice %arg2[%dma_wait3A_34, %dma_wait3A_35] : memref<8192x128xf32, #tpu.memory_space<hbm>> -> memref<8192x128xf32, #tpu.memory_space<hbm>>
    tpu.wait_indirect_dma semaphore(%arg12 : memref<!tpu.dma_semaphore, #tpu.memory_space<semaphore_mem>>) src(%dma_wait3A_36 : memref<8192x128xf32, #tpu.memory_space<hbm>>) dst(%arg7 : memref<128x128xf32, #tpu.memory_space<vmem>>)
    %add3A_37 = arith.constant 0 : i32
    %add3A_38 = arith.addi %mul3A_2, %add3A_37 : i32
    "tpu.region"() ({
      %run_scoped3A_433 = tpu.sem_alloc : memref<!tpu.dma_semaphore, #tpu.memory_space<semaphore_mem>>
      %dma_start3A_434 = arith.constant 0 : i32
      %dma_start3A_435 = tpu.memref_slice %arg4[%add3A_38, %dma_start3A_434] : memref<24576x128xf32, #tpu.memory_space<hbm>> -> memref<128x128xf32, #tpu.memory_space<hbm>>
      %dma_start3A_436 = arith.constant 0 : i32
      %dma_start3A_437 = tpu.memref_slice %arg4[%add3A_38, %dma_start3A_436] : memref<24576x128xf32, #tpu.memory_space<hbm>> -> memref<128x128xf32, #tpu.memory_space<hbm>>
      tpu.enqueue_dma source(%arg7 : memref<128x128xf32, #tpu.memory_space<vmem>>) target(%dma_start3A_437 : memref<128x128xf32, #tpu.memory_space<hbm>>) target_semaphore(%run_scoped3A_433 : memref<!tpu.dma_semaphore, #tpu.memory_space<semaphore_mem>>)
      %dma_wait3A_438 = arith.constant 0 : i32
      %dma_wait3A_439 = tpu.memref_slice %arg4[%add3A_38, %dma_wait3A_438] : memref<24576x128xf32, #tpu.memory_space<hbm>> -> memref<128x128xf32, #tpu.memory_space<hbm>>
      %dma_wait3A_440 = arith.constant 0 : i32
      %dma_wait3A_441 = tpu.memref_slice %arg4[%add3A_38, %dma_wait3A_440] : memref<24576x128xf32, #tpu.memory_space<hbm>> -> memref<128x128xf32, #tpu.memory_space<hbm>>
      tpu.wait_dma2 semaphore(%run_scoped3A_433 : memref<!tpu.dma_semaphore, #tpu.memory_space<semaphore_mem>>) src(%arg7 : memref<128x128xf32, #tpu.memory_space<vmem>>) dst(%dma_wait3A_441 : memref<128x128xf32, #tpu.memory_space<hbm>>)
      tpu.yield
    }) : () -> ()
    %dma_start3A_39 = arith.constant 1 : i32
    %dma_start3A_40 = arith.constant 0 : i32
    %dma_start3A_41 = tpu.memref_slice %arg6[%dma_start3A_39, %dma_start3A_40] : memref<12x128xi32, #tpu.memory_space<vmem>> -> memref<1x128xi32, #tpu.memory_space<vmem>>
    %dma_start3A_42 = tpu.memref_squeeze %dma_start3A_41 : memref<1x128xi32, #tpu.memory_space<vmem>> -> memref<128xi32, #tpu.memory_space<vmem>>
    %dma_start3A_43 = arith.constant 0 : i32
    %dma_start3A_44 = arith.constant 0 : i32
    %dma_start3A_45 = tpu.memref_slice %arg2[%dma_start3A_43, %dma_start3A_44] : memref<8192x128xf32, #tpu.memory_space<hbm>> -> memref<8192x128xf32, #tpu.memory_space<hbm>>
    tpu.enqueue_indirect_dma source(%dma_start3A_45 : memref<8192x128xf32, #tpu.memory_space<hbm>>) target(%arg7 : memref<128x128xf32, #tpu.memory_space<vmem>>) offsets(%dma_start3A_42 : memref<128xi32, #tpu.memory_space<vmem>>) semaphore(%arg12 : memref<!tpu.dma_semaphore, #tpu.memory_space<semaphore_mem>>)
    %dma_wait3A_46 = arith.constant 1 : i32
    %dma_wait3A_47 = arith.constant 0 : i32
    %dma_wait3A_48 = tpu.memref_slice %arg6[%dma_wait3A_46, %dma_wait3A_47] : memref<12x128xi32, #tpu.memory_space<vmem>> -> memref<1x128xi32, #tpu.memory_space<vmem>>
    %dma_wait3A_49 = tpu.memref_squeeze %dma_wait3A_48 : memref<1x128xi32, #tpu.memory_space<vmem>> -> memref<128xi32, #tpu.memory_space<vmem>>
    %dma_wait3A_50 = arith.constant 0 : i32
    %dma_wait3A_51 = arith.constant 0 : i32
    %dma_wait3A_52 = tpu.memref_slice %arg2[%dma_wait3A_50, %dma_wait3A_51] : memref<8192x128xf32, #tpu.memory_space<hbm>> -> memref<8192x128xf32, #tpu.memory_space<hbm>>
    tpu.wait_indirect_dma semaphore(%arg12 : memref<!tpu.dma_semaphore, #tpu.memory_space<semaphore_mem>>) src(%dma_wait3A_52 : memref<8192x128xf32, #tpu.memory_space<hbm>>) dst(%arg7 : memref<128x128xf32, #tpu.memory_space<vmem>>)
    %add3A_53 = arith.constant 128 : i32
    %add3A_54 = arith.addi %mul3A_2, %add3A_53 : i32
    "tpu.region"() ({
      %run_scoped3A_433 = tpu.sem_alloc : memref<!tpu.dma_semaphore, #tpu.memory_space<semaphore_mem>>
      %dma_start3A_434 = arith.constant 0 : i32
      %dma_start3A_435 = tpu.memref_slice %arg4[%add3A_54, %dma_start3A_434] : memref<24576x128xf32, #tpu.memory_space<hbm>> -> memref<128x128xf32, #tpu.memory_space<hbm>>
      %dma_start3A_436 = arith.constant 0 : i32
      %dma_start3A_437 = tpu.memref_slice %arg4[%add3A_54, %dma_start3A_436] : memref<24576x128xf32, #tpu.memory_space<hbm>> -> memref<128x128xf32, #tpu.memory_space<hbm>>
      tpu.enqueue_dma source(%arg7 : memref<128x128xf32, #tpu.memory_space<vmem>>) target(%dma_start3A_437 : memref<128x128xf32, #tpu.memory_space<hbm>>) target_semaphore(%run_scoped3A_433 : memref<!tpu.dma_semaphore, #tpu.memory_space<semaphore_mem>>)
      %dma_wait3A_438 = arith.constant 0 : i32
      %dma_wait3A_439 = tpu.memref_slice %arg4[%add3A_54, %dma_wait3A_438] : memref<24576x128xf32, #tpu.memory_space<hbm>> -> memref<128x128xf32, #tpu.memory_space<hbm>>
      %dma_wait3A_440 = arith.constant 0 : i32
      %dma_wait3A_441 = tpu.memref_slice %arg4[%add3A_54, %dma_wait3A_440] : memref<24576x128xf32, #tpu.memory_space<hbm>> -> memref<128x128xf32, #tpu.memory_space<hbm>>
      tpu.wait_dma2 semaphore(%run_scoped3A_433 : memref<!tpu.dma_semaphore, #tpu.memory_space<semaphore_mem>>) src(%arg7 : memref<128x128xf32, #tpu.memory_space<vmem>>) dst(%dma_wait3A_441 : memref<128x128xf32, #tpu.memory_space<hbm>>)
      tpu.yield
    }) : () -> ()
    %dma_start3A_55 = arith.constant 2 : i32
    %dma_start3A_56 = arith.constant 0 : i32
    %dma_start3A_57 = tpu.memref_slice %arg6[%dma_start3A_55, %dma_start3A_56] : memref<12x128xi32, #tpu.memory_space<vmem>> -> memref<1x128xi32, #tpu.memory_space<vmem>>
    %dma_start3A_58 = tpu.memref_squeeze %dma_start3A_57 : memref<1x128xi32, #tpu.memory_space<vmem>> -> memref<128xi32, #tpu.memory_space<vmem>>
    %dma_start3A_59 = arith.constant 0 : i32
    %dma_start3A_60 = arith.constant 0 : i32
    %dma_start3A_61 = tpu.memref_slice %arg2[%dma_start3A_59, %dma_start3A_60] : memref<8192x128xf32, #tpu.memory_space<hbm>> -> memref<8192x128xf32, #tpu.memory_space<hbm>>
    tpu.enqueue_indirect_dma source(%dma_start3A_61 : memref<8192x128xf32, #tpu.memory_space<hbm>>) target(%arg7 : memref<128x128xf32, #tpu.memory_space<vmem>>) offsets(%dma_start3A_58 : memref<128xi32, #tpu.memory_space<vmem>>) semaphore(%arg12 : memref<!tpu.dma_semaphore, #tpu.memory_space<semaphore_mem>>)
    %dma_wait3A_62 = arith.constant 2 : i32
    %dma_wait3A_63 = arith.constant 0 : i32
    %dma_wait3A_64 = tpu.memref_slice %arg6[%dma_wait3A_62, %dma_wait3A_63] : memref<12x128xi32, #tpu.memory_space<vmem>> -> memref<1x128xi32, #tpu.memory_space<vmem>>
    %dma_wait3A_65 = tpu.memref_squeeze %dma_wait3A_64 : memref<1x128xi32, #tpu.memory_space<vmem>> -> memref<128xi32, #tpu.memory_space<vmem>>
    %dma_wait3A_66 = arith.constant 0 : i32
    %dma_wait3A_67 = arith.constant 0 : i32
    %dma_wait3A_68 = tpu.memref_slice %arg2[%dma_wait3A_66, %dma_wait3A_67] : memref<8192x128xf32, #tpu.memory_space<hbm>> -> memref<8192x128xf32, #tpu.memory_space<hbm>>
    tpu.wait_indirect_dma semaphore(%arg12 : memref<!tpu.dma_semaphore, #tpu.memory_space<semaphore_mem>>) src(%dma_wait3A_68 : memref<8192x128xf32, #tpu.memory_space<hbm>>) dst(%arg7 : memref<128x128xf32, #tpu.memory_space<vmem>>)
    %add3A_69 = arith.constant 256 : i32
    %add3A_70 = arith.addi %mul3A_2, %add3A_69 : i32
    "tpu.region"() ({
      %run_scoped3A_433 = tpu.sem_alloc : memref<!tpu.dma_semaphore, #tpu.memory_space<semaphore_mem>>
      %dma_start3A_434 = arith.constant 0 : i32
      %dma_start3A_435 = tpu.memref_slice %arg4[%add3A_70, %dma_start3A_434] : memref<24576x128xf32, #tpu.memory_space<hbm>> -> memref<128x128xf32, #tpu.memory_space<hbm>>
      %dma_start3A_436 = arith.constant 0 : i32
      %dma_start3A_437 = tpu.memref_slice %arg4[%add3A_70, %dma_start3A_436] : memref<24576x128xf32, #tpu.memory_space<hbm>> -> memref<128x128xf32, #tpu.memory_space<hbm>>
      tpu.enqueue_dma source(%arg7 : memref<128x128xf32, #tpu.memory_space<vmem>>) target(%dma_start3A_437 : memref<128x128xf32, #tpu.memory_space<hbm>>) target_semaphore(%run_scoped3A_433 : memref<!tpu.dma_semaphore, #tpu.memory_space<semaphore_mem>>)
      %dma_wait3A_438 = arith.constant 0 : i32
      %dma_wait3A_439 = tpu.memref_slice %arg4[%add3A_70, %dma_wait3A_438] : memref<24576x128xf32, #tpu.memory_space<hbm>> -> memref<128x128xf32, #tpu.memory_space<hbm>>
      %dma_wait3A_440 = arith.constant 0 : i32
      %dma_wait3A_441 = tpu.memref_slice %arg4[%add3A_70, %dma_wait3A_440] : memref<24576x128xf32, #tpu.memory_space<hbm>> -> memref<128x128xf32, #tpu.memory_space<hbm>>
      tpu.wait_dma2 semaphore(%run_scoped3A_433 : memref<!tpu.dma_semaphore, #tpu.memory_space<semaphore_mem>>) src(%arg7 : memref<128x128xf32, #tpu.memory_space<vmem>>) dst(%dma_wait3A_441 : memref<128x128xf32, #tpu.memory_space<hbm>>)
      tpu.yield
    }) : () -> ()
    %dma_start3A_71 = arith.constant 3 : i32
    %dma_start3A_72 = arith.constant 0 : i32
    %dma_start3A_73 = tpu.memref_slice %arg6[%dma_start3A_71, %dma_start3A_72] : memref<12x128xi32, #tpu.memory_space<vmem>> -> memref<1x128xi32, #tpu.memory_space<vmem>>
    %dma_start3A_74 = tpu.memref_squeeze %dma_start3A_73 : memref<1x128xi32, #tpu.memory_space<vmem>> -> memref<128xi32, #tpu.memory_space<vmem>>
    %dma_start3A_75 = arith.constant 0 : i32
    %dma_start3A_76 = arith.constant 0 : i32
    %dma_start3A_77 = tpu.memref_slice %arg2[%dma_start3A_75, %dma_start3A_76] : memref<8192x128xf32, #tpu.memory_space<hbm>> -> memref<8192x128xf32, #tpu.memory_space<hbm>>
    tpu.enqueue_indirect_dma source(%dma_start3A_77 : memref<8192x128xf32, #tpu.memory_space<hbm>>) target(%arg7 : memref<128x128xf32, #tpu.memory_space<vmem>>) offsets(%dma_start3A_74 : memref<128xi32, #tpu.memory_space<vmem>>) semaphore(%arg12 : memref<!tpu.dma_semaphore, #tpu.memory_space<semaphore_mem>>)
    %dma_wait3A_78 = arith.constant 3 : i32
    %dma_wait3A_79 = arith.constant 0 : i32
    %dma_wait3A_80 = tpu.memref_slice %arg6[%dma_wait3A_78, %dma_wait3A_79] : memref<12x128xi32, #tpu.memory_space<vmem>> -> memref<1x128xi32, #tpu.memory_space<vmem>>
    %dma_wait3A_81 = tpu.memref_squeeze %dma_wait3A_80 : memref<1x128xi32, #tpu.memory_space<vmem>> -> memref<128xi32, #tpu.memory_space<vmem>>
    %dma_wait3A_82 = arith.constant 0 : i32
    %dma_wait3A_83 = arith.constant 0 : i32
    %dma_wait3A_84 = tpu.memref_slice %arg2[%dma_wait3A_82, %dma_wait3A_83] : memref<8192x128xf32, #tpu.memory_space<hbm>> -> memref<8192x128xf32, #tpu.memory_space<hbm>>
    tpu.wait_indirect_dma semaphore(%arg12 : memref<!tpu.dma_semaphore, #tpu.memory_space<semaphore_mem>>) src(%dma_wait3A_84 : memref<8192x128xf32, #tpu.memory_space<hbm>>) dst(%arg7 : memref<128x128xf32, #tpu.memory_space<vmem>>)
    %add3A_85 = arith.constant 384 : i32
    %add3A_86 = arith.addi %mul3A_2, %add3A_85 : i32
    "tpu.region"() ({
      %run_scoped3A_433 = tpu.sem_alloc : memref<!tpu.dma_semaphore, #tpu.memory_space<semaphore_mem>>
      %dma_start3A_434 = arith.constant 0 : i32
      %dma_start3A_435 = tpu.memref_slice %arg4[%add3A_86, %dma_start3A_434] : memref<24576x128xf32, #tpu.memory_space<hbm>> -> memref<128x128xf32, #tpu.memory_space<hbm>>
      %dma_start3A_436 = arith.constant 0 : i32
      %dma_start3A_437 = tpu.memref_slice %arg4[%add3A_86, %dma_start3A_436] : memref<24576x128xf32, #tpu.memory_space<hbm>> -> memref<128x128xf32, #tpu.memory_space<hbm>>
      tpu.enqueue_dma source(%arg7 : memref<128x128xf32, #tpu.memory_space<vmem>>) target(%dma_start3A_437 : memref<128x128xf32, #tpu.memory_space<hbm>>) target_semaphore(%run_scoped3A_433 : memref<!tpu.dma_semaphore, #tpu.memory_space<semaphore_mem>>)
      %dma_wait3A_438 = arith.constant 0 : i32
      %dma_wait3A_439 = tpu.memref_slice %arg4[%add3A_86, %dma_wait3A_438] : memref<24576x128xf32, #tpu.memory_space<hbm>> -> memref<128x128xf32, #tpu.memory_space<hbm>>
      %dma_wait3A_440 = arith.constant 0 : i32
      %dma_wait3A_441 = tpu.memref_slice %arg4[%add3A_86, %dma_wait3A_440] : memref<24576x128xf32, #tpu.memory_space<hbm>> -> memref<128x128xf32, #tpu.memory_space<hbm>>
      tpu.wait_dma2 semaphore(%run_scoped3A_433 : memref<!tpu.dma_semaphore, #tpu.memory_space<semaphore_mem>>) src(%arg7 : memref<128x128xf32, #tpu.memory_space<vmem>>) dst(%dma_wait3A_441 : memref<128x128xf32, #tpu.memory_space<hbm>>)
      tpu.yield
    }) : () -> ()
    %dma_start3A_87 = arith.constant 4 : i32
    %dma_start3A_88 = arith.constant 0 : i32
    %dma_start3A_89 = tpu.memref_slice %arg6[%dma_start3A_87, %dma_start3A_88] : memref<12x128xi32, #tpu.memory_space<vmem>> -> memref<1x128xi32, #tpu.memory_space<vmem>>
    %dma_start3A_90 = tpu.memref_squeeze %dma_start3A_89 : memref<1x128xi32, #tpu.memory_space<vmem>> -> memref<128xi32, #tpu.memory_space<vmem>>
    %dma_start3A_91 = arith.constant 0 : i32
    %dma_start3A_92 = arith.constant 0 : i32
    %dma_start3A_93 = tpu.memref_slice %arg2[%dma_start3A_91, %dma_start3A_92] : memref<8192x128xf32, #tpu.memory_space<hbm>> -> memref<8192x128xf32, #tpu.memory_space<hbm>>
    tpu.enqueue_indirect_dma source(%dma_start3A_93 : memref<8192x128xf32, #tpu.memory_space<hbm>>) target(%arg7 : memref<128x128xf32, #tpu.memory_space<vmem>>) offsets(%dma_start3A_90 : memref<128xi32, #tpu.memory_space<vmem>>) semaphore(%arg12 : memref<!tpu.dma_semaphore, #tpu.memory_space<semaphore_mem>>)
    %dma_wait3A_94 = arith.constant 4 : i32
    %dma_wait3A_95 = arith.constant 0 : i32
    %dma_wait3A_96 = tpu.memref_slice %arg6[%dma_wait3A_94, %dma_wait3A_95] : memref<12x128xi32, #tpu.memory_space<vmem>> -> memref<1x128xi32, #tpu.memory_space<vmem>>
    %dma_wait3A_97 = tpu.memref_squeeze %dma_wait3A_96 : memref<1x128xi32, #tpu.memory_space<vmem>> -> memref<128xi32, #tpu.memory_space<vmem>>
    %dma_wait3A_98 = arith.constant 0 : i32
    %dma_wait3A_99 = arith.constant 0 : i32
    %dma_wait3A_100 = tpu.memref_slice %arg2[%dma_wait3A_98, %dma_wait3A_99] : memref<8192x128xf32, #tpu.memory_space<hbm>> -> memref<8192x128xf32, #tpu.memory_space<hbm>>
    tpu.wait_indirect_dma semaphore(%arg12 : memref<!tpu.dma_semaphore, #tpu.memory_space<semaphore_mem>>) src(%dma_wait3A_100 : memref<8192x128xf32, #tpu.memory_space<hbm>>) dst(%arg7 : memref<128x128xf32, #tpu.memory_space<vmem>>)
    %add3A_101 = arith.constant 512 : i32
    %add3A_102 = arith.addi %mul3A_2, %add3A_101 : i32
    "tpu.region"() ({
      %run_scoped3A_433 = tpu.sem_alloc : memref<!tpu.dma_semaphore, #tpu.memory_space<semaphore_mem>>
      %dma_start3A_434 = arith.constant 0 : i32
      %dma_start3A_435 = tpu.memref_slice %arg4[%add3A_102, %dma_start3A_434] : memref<24576x128xf32, #tpu.memory_space<hbm>> -> memref<128x128xf32, #tpu.memory_space<hbm>>
      %dma_start3A_436 = arith.constant 0 : i32
      %dma_start3A_437 = tpu.memref_slice %arg4[%add3A_102, %dma_start3A_436] : memref<24576x128xf32, #tpu.memory_space<hbm>> -> memref<128x128xf32, #tpu.memory_space<hbm>>
      tpu.enqueue_dma source(%arg7 : memref<128x128xf32, #tpu.memory_space<vmem>>) target(%dma_start3A_437 : memref<128x128xf32, #tpu.memory_space<hbm>>) target_semaphore(%run_scoped3A_433 : memref<!tpu.dma_semaphore, #tpu.memory_space<semaphore_mem>>)
      %dma_wait3A_438 = arith.constant 0 : i32
      %dma_wait3A_439 = tpu.memref_slice %arg4[%add3A_102, %dma_wait3A_438] : memref<24576x128xf32, #tpu.memory_space<hbm>> -> memref<128x128xf32, #tpu.memory_space<hbm>>
      %dma_wait3A_440 = arith.constant 0 : i32
      %dma_wait3A_441 = tpu.memref_slice %arg4[%add3A_102, %dma_wait3A_440] : memref<24576x128xf32, #tpu.memory_space<hbm>> -> memref<128x128xf32, #tpu.memory_space<hbm>>
      tpu.wait_dma2 semaphore(%run_scoped3A_433 : memref<!tpu.dma_semaphore, #tpu.memory_space<semaphore_mem>>) src(%arg7 : memref<128x128xf32, #tpu.memory_space<vmem>>) dst(%dma_wait3A_441 : memref<128x128xf32, #tpu.memory_space<hbm>>)
      tpu.yield
    }) : () -> ()
    %dma_start3A_103 = arith.constant 5 : i32
    %dma_start3A_104 = arith.constant 0 : i32
    %dma_start3A_105 = tpu.memref_slice %arg6[%dma_start3A_103, %dma_start3A_104] : memref<12x128xi32, #tpu.memory_space<vmem>> -> memref<1x128xi32, #tpu.memory_space<vmem>>
    %dma_start3A_106 = tpu.memref_squeeze %dma_start3A_105 : memref<1x128xi32, #tpu.memory_space<vmem>> -> memref<128xi32, #tpu.memory_space<vmem>>
    %dma_start3A_107 = arith.constant 0 : i32
    %dma_start3A_108 = arith.constant 0 : i32
    %dma_start3A_109 = tpu.memref_slice %arg2[%dma_start3A_107, %dma_start3A_108] : memref<8192x128xf32, #tpu.memory_space<hbm>> -> memref<8192x128xf32, #tpu.memory_space<hbm>>
    tpu.enqueue_indirect_dma source(%dma_start3A_109 : memref<8192x128xf32, #tpu.memory_space<hbm>>) target(%arg7 : memref<128x128xf32, #tpu.memory_space<vmem>>) offsets(%dma_start3A_106 : memref<128xi32, #tpu.memory_space<vmem>>) semaphore(%arg12 : memref<!tpu.dma_semaphore, #tpu.memory_space<semaphore_mem>>)
    %dma_wait3A_110 = arith.constant 5 : i32
    %dma_wait3A_111 = arith.constant 0 : i32
    %dma_wait3A_112 = tpu.memref_slice %arg6[%dma_wait3A_110, %dma_wait3A_111] : memref<12x128xi32, #tpu.memory_space<vmem>> -> memref<1x128xi32, #tpu.memory_space<vmem>>
    %dma_wait3A_113 = tpu.memref_squeeze %dma_wait3A_112 : memref<1x128xi32, #tpu.memory_space<vmem>> -> memref<128xi32, #tpu.memory_space<vmem>>
    %dma_wait3A_114 = arith.constant 0 : i32
    %dma_wait3A_115 = arith.constant 0 : i32
    %dma_wait3A_116 = tpu.memref_slice %arg2[%dma_wait3A_114, %dma_wait3A_115] : memref<8192x128xf32, #tpu.memory_space<hbm>> -> memref<8192x128xf32, #tpu.memory_space<hbm>>
    tpu.wait_indirect_dma semaphore(%arg12 : memref<!tpu.dma_semaphore, #tpu.memory_space<semaphore_mem>>) src(%dma_wait3A_116 : memref<8192x128xf32, #tpu.memory_space<hbm>>) dst(%arg7 : memref<128x128xf32, #tpu.memory_space<vmem>>)
    %add3A_117 = arith.constant 640 : i32
    %add3A_118 = arith.addi %mul3A_2, %add3A_117 : i32
    "tpu.region"() ({
      %run_scoped3A_433 = tpu.sem_alloc : memref<!tpu.dma_semaphore, #tpu.memory_space<semaphore_mem>>
      %dma_start3A_434 = arith.constant 0 : i32
      %dma_start3A_435 = tpu.memref_slice %arg4[%add3A_118, %dma_start3A_434] : memref<24576x128xf32, #tpu.memory_space<hbm>> -> memref<128x128xf32, #tpu.memory_space<hbm>>
      %dma_start3A_436 = arith.constant 0 : i32
      %dma_start3A_437 = tpu.memref_slice %arg4[%add3A_118, %dma_start3A_436] : memref<24576x128xf32, #tpu.memory_space<hbm>> -> memref<128x128xf32, #tpu.memory_space<hbm>>
      tpu.enqueue_dma source(%arg7 : memref<128x128xf32, #tpu.memory_space<vmem>>) target(%dma_start3A_437 : memref<128x128xf32, #tpu.memory_space<hbm>>) target_semaphore(%run_scoped3A_433 : memref<!tpu.dma_semaphore, #tpu.memory_space<semaphore_mem>>)
      %dma_wait3A_438 = arith.constant 0 : i32
      %dma_wait3A_439 = tpu.memref_slice %arg4[%add3A_118, %dma_wait3A_438] : memref<24576x128xf32, #tpu.memory_space<hbm>> -> memref<128x128xf32, #tpu.memory_space<hbm>>
      %dma_wait3A_440 = arith.constant 0 : i32
      %dma_wait3A_441 = tpu.memref_slice %arg4[%add3A_118, %dma_wait3A_440] : memref<24576x128xf32, #tpu.memory_space<hbm>> -> memref<128x128xf32, #tpu.memory_space<hbm>>
      tpu.wait_dma2 semaphore(%run_scoped3A_433 : memref<!tpu.dma_semaphore, #tpu.memory_space<semaphore_mem>>) src(%arg7 : memref<128x128xf32, #tpu.memory_space<vmem>>) dst(%dma_wait3A_441 : memref<128x128xf32, #tpu.memory_space<hbm>>)
      tpu.yield
    }) : () -> ()
    %dma_start3A_119 = arith.constant 6 : i32
    %dma_start3A_120 = arith.constant 0 : i32
    %dma_start3A_121 = tpu.memref_slice %arg6[%dma_start3A_119, %dma_start3A_120] : memref<12x128xi32, #tpu.memory_space<vmem>> -> memref<1x128xi32, #tpu.memory_space<vmem>>
    %dma_start3A_122 = tpu.memref_squeeze %dma_start3A_121 : memref<1x128xi32, #tpu.memory_space<vmem>> -> memref<128xi32, #tpu.memory_space<vmem>>
    %dma_start3A_123 = arith.constant 0 : i32
    %dma_start3A_124 = arith.constant 0 : i32
    %dma_start3A_125 = tpu.memref_slice %arg2[%dma_start3A_123, %dma_start3A_124] : memref<8192x128xf32, #tpu.memory_space<hbm>> -> memref<8192x128xf32, #tpu.memory_space<hbm>>
    tpu.enqueue_indirect_dma source(%dma_start3A_125 : memref<8192x128xf32, #tpu.memory_space<hbm>>) target(%arg7 : memref<128x128xf32, #tpu.memory_space<vmem>>) offsets(%dma_start3A_122 : memref<128xi32, #tpu.memory_space<vmem>>) semaphore(%arg12 : memref<!tpu.dma_semaphore, #tpu.memory_space<semaphore_mem>>)
    %dma_wait3A_126 = arith.constant 6 : i32
    %dma_wait3A_127 = arith.constant 0 : i32
    %dma_wait3A_128 = tpu.memref_slice %arg6[%dma_wait3A_126, %dma_wait3A_127] : memref<12x128xi32, #tpu.memory_space<vmem>> -> memref<1x128xi32, #tpu.memory_space<vmem>>
    %dma_wait3A_129 = tpu.memref_squeeze %dma_wait3A_128 : memref<1x128xi32, #tpu.memory_space<vmem>> -> memref<128xi32, #tpu.memory_space<vmem>>
    %dma_wait3A_130 = arith.constant 0 : i32
    %dma_wait3A_131 = arith.constant 0 : i32
    %dma_wait3A_132 = tpu.memref_slice %arg2[%dma_wait3A_130, %dma_wait3A_131] : memref<8192x128xf32, #tpu.memory_space<hbm>> -> memref<8192x128xf32, #tpu.memory_space<hbm>>
    tpu.wait_indirect_dma semaphore(%arg12 : memref<!tpu.dma_semaphore, #tpu.memory_space<semaphore_mem>>) src(%dma_wait3A_132 : memref<8192x128xf32, #tpu.memory_space<hbm>>) dst(%arg7 : memref<128x128xf32, #tpu.memory_space<vmem>>)
    %add3A_133 = arith.constant 768 : i32
    %add3A_134 = arith.addi %mul3A_2, %add3A_133 : i32
    "tpu.region"() ({
      %run_scoped3A_433 = tpu.sem_alloc : memref<!tpu.dma_semaphore, #tpu.memory_space<semaphore_mem>>
      %dma_start3A_434 = arith.constant 0 : i32
      %dma_start3A_435 = tpu.memref_slice %arg4[%add3A_134, %dma_start3A_434] : memref<24576x128xf32, #tpu.memory_space<hbm>> -> memref<128x128xf32, #tpu.memory_space<hbm>>
      %dma_start3A_436 = arith.constant 0 : i32
      %dma_start3A_437 = tpu.memref_slice %arg4[%add3A_134, %dma_start3A_436] : memref<24576x128xf32, #tpu.memory_space<hbm>> -> memref<128x128xf32, #tpu.memory_space<hbm>>
      tpu.enqueue_dma source(%arg7 : memref<128x128xf32, #tpu.memory_space<vmem>>) target(%dma_start3A_437 : memref<128x128xf32, #tpu.memory_space<hbm>>) target_semaphore(%run_scoped3A_433 : memref<!tpu.dma_semaphore, #tpu.memory_space<semaphore_mem>>)
      %dma_wait3A_438 = arith.constant 0 : i32
      %dma_wait3A_439 = tpu.memref_slice %arg4[%add3A_134, %dma_wait3A_438] : memref<24576x128xf32, #tpu.memory_space<hbm>> -> memref<128x128xf32, #tpu.memory_space<hbm>>
      %dma_wait3A_440 = arith.constant 0 : i32
      %dma_wait3A_441 = tpu.memref_slice %arg4[%add3A_134, %dma_wait3A_440] : memref<24576x128xf32, #tpu.memory_space<hbm>> -> memref<128x128xf32, #tpu.memory_space<hbm>>
      tpu.wait_dma2 semaphore(%run_scoped3A_433 : memref<!tpu.dma_semaphore, #tpu.memory_space<semaphore_mem>>) src(%arg7 : memref<128x128xf32, #tpu.memory_space<vmem>>) dst(%dma_wait3A_441 : memref<128x128xf32, #tpu.memory_space<hbm>>)
      tpu.yield
    }) : () -> ()
    %dma_start3A_135 = arith.constant 7 : i32
    %dma_start3A_136 = arith.constant 0 : i32
    %dma_start3A_137 = tpu.memref_slice %arg6[%dma_start3A_135, %dma_start3A_136] : memref<12x128xi32, #tpu.memory_space<vmem>> -> memref<1x128xi32, #tpu.memory_space<vmem>>
    %dma_start3A_138 = tpu.memref_squeeze %dma_start3A_137 : memref<1x128xi32, #tpu.memory_space<vmem>> -> memref<128xi32, #tpu.memory_space<vmem>>
    %dma_start3A_139 = arith.constant 0 : i32
    %dma_start3A_140 = arith.constant 0 : i32
    %dma_start3A_141 = tpu.memref_slice %arg2[%dma_start3A_139, %dma_start3A_140] : memref<8192x128xf32, #tpu.memory_space<hbm>> -> memref<8192x128xf32, #tpu.memory_space<hbm>>
    tpu.enqueue_indirect_dma source(%dma_start3A_141 : memref<8192x128xf32, #tpu.memory_space<hbm>>) target(%arg7 : memref<128x128xf32, #tpu.memory_space<vmem>>) offsets(%dma_start3A_138 : memref<128xi32, #tpu.memory_space<vmem>>) semaphore(%arg12 : memref<!tpu.dma_semaphore, #tpu.memory_space<semaphore_mem>>)
    %dma_wait3A_142 = arith.constant 7 : i32
    %dma_wait3A_143 = arith.constant 0 : i32
    %dma_wait3A_144 = tpu.memref_slice %arg6[%dma_wait3A_142, %dma_wait3A_143] : memref<12x128xi32, #tpu.memory_space<vmem>> -> memref<1x128xi32, #tpu.memory_space<vmem>>
    %dma_wait3A_145 = tpu.memref_squeeze %dma_wait3A_144 : memref<1x128xi32, #tpu.memory_space<vmem>> -> memref<128xi32, #tpu.memory_space<vmem>>
    %dma_wait3A_146 = arith.constant 0 : i32
    %dma_wait3A_147 = arith.constant 0 : i32
    %dma_wait3A_148 = tpu.memref_slice %arg2[%dma_wait3A_146, %dma_wait3A_147] : memref<8192x128xf32, #tpu.memory_space<hbm>> -> memref<8192x128xf32, #tpu.memory_space<hbm>>
    tpu.wait_indirect_dma semaphore(%arg12 : memref<!tpu.dma_semaphore, #tpu.memory_space<semaphore_mem>>) src(%dma_wait3A_148 : memref<8192x128xf32, #tpu.memory_space<hbm>>) dst(%arg7 : memref<128x128xf32, #tpu.memory_space<vmem>>)
    %add3A_149 = arith.constant 896 : i32
    %add3A_150 = arith.addi %mul3A_2, %add3A_149 : i32
    "tpu.region"() ({
      %run_scoped3A_433 = tpu.sem_alloc : memref<!tpu.dma_semaphore, #tpu.memory_space<semaphore_mem>>
      %dma_start3A_434 = arith.constant 0 : i32
      %dma_start3A_435 = tpu.memref_slice %arg4[%add3A_150, %dma_start3A_434] : memref<24576x128xf32, #tpu.memory_space<hbm>> -> memref<128x128xf32, #tpu.memory_space<hbm>>
      %dma_start3A_436 = arith.constant 0 : i32
      %dma_start3A_437 = tpu.memref_slice %arg4[%add3A_150, %dma_start3A_436] : memref<24576x128xf32, #tpu.memory_space<hbm>> -> memref<128x128xf32, #tpu.memory_space<hbm>>
      tpu.enqueue_dma source(%arg7 : memref<128x128xf32, #tpu.memory_space<vmem>>) target(%dma_start3A_437 : memref<128x128xf32, #tpu.memory_space<hbm>>) target_semaphore(%run_scoped3A_433 : memref<!tpu.dma_semaphore, #tpu.memory_space<semaphore_mem>>)
      %dma_wait3A_438 = arith.constant 0 : i32
      %dma_wait3A_439 = tpu.memref_slice %arg4[%add3A_150, %dma_wait3A_438] : memref<24576x128xf32, #tpu.memory_space<hbm>> -> memref<128x128xf32, #tpu.memory_space<hbm>>
      %dma_wait3A_440 = arith.constant 0 : i32
      %dma_wait3A_441 = tpu.memref_slice %arg4[%add3A_150, %dma_wait3A_440] : memref<24576x128xf32, #tpu.memory_space<hbm>> -> memref<128x128xf32, #tpu.memory_space<hbm>>
      tpu.wait_dma2 semaphore(%run_scoped3A_433 : memref<!tpu.dma_semaphore, #tpu.memory_space<semaphore_mem>>) src(%arg7 : memref<128x128xf32, #tpu.memory_space<vmem>>) dst(%dma_wait3A_441 : memref<128x128xf32, #tpu.memory_space<hbm>>)
      tpu.yield
    }) : () -> ()
    %dma_start3A_151 = arith.constant 8 : i32
    %dma_start3A_152 = arith.constant 0 : i32
    %dma_start3A_153 = tpu.memref_slice %arg6[%dma_start3A_151, %dma_start3A_152] : memref<12x128xi32, #tpu.memory_space<vmem>> -> memref<1x128xi32, #tpu.memory_space<vmem>>
    %dma_start3A_154 = tpu.memref_squeeze %dma_start3A_153 : memref<1x128xi32, #tpu.memory_space<vmem>> -> memref<128xi32, #tpu.memory_space<vmem>>
    %dma_start3A_155 = arith.constant 0 : i32
    %dma_start3A_156 = arith.constant 0 : i32
    %dma_start3A_157 = tpu.memref_slice %arg2[%dma_start3A_155, %dma_start3A_156] : memref<8192x128xf32, #tpu.memory_space<hbm>> -> memref<8192x128xf32, #tpu.memory_space<hbm>>
    tpu.enqueue_indirect_dma source(%dma_start3A_157 : memref<8192x128xf32, #tpu.memory_space<hbm>>) target(%arg7 : memref<128x128xf32, #tpu.memory_space<vmem>>) offsets(%dma_start3A_154 : memref<128xi32, #tpu.memory_space<vmem>>) semaphore(%arg12 : memref<!tpu.dma_semaphore, #tpu.memory_space<semaphore_mem>>)
    %dma_wait3A_158 = arith.constant 8 : i32
    %dma_wait3A_159 = arith.constant 0 : i32
    %dma_wait3A_160 = tpu.memref_slice %arg6[%dma_wait3A_158, %dma_wait3A_159] : memref<12x128xi32, #tpu.memory_space<vmem>> -> memref<1x128xi32, #tpu.memory_space<vmem>>
    %dma_wait3A_161 = tpu.memref_squeeze %dma_wait3A_160 : memref<1x128xi32, #tpu.memory_space<vmem>> -> memref<128xi32, #tpu.memory_space<vmem>>
    %dma_wait3A_162 = arith.constant 0 : i32
    %dma_wait3A_163 = arith.constant 0 : i32
    %dma_wait3A_164 = tpu.memref_slice %arg2[%dma_wait3A_162, %dma_wait3A_163] : memref<8192x128xf32, #tpu.memory_space<hbm>> -> memref<8192x128xf32, #tpu.memory_space<hbm>>
    tpu.wait_indirect_dma semaphore(%arg12 : memref<!tpu.dma_semaphore, #tpu.memory_space<semaphore_mem>>) src(%dma_wait3A_164 : memref<8192x128xf32, #tpu.memory_space<hbm>>) dst(%arg7 : memref<128x128xf32, #tpu.memory_space<vmem>>)
    %add3A_165 = arith.constant 1024 : i32
    %add3A_166 = arith.addi %mul3A_2, %add3A_165 : i32
    "tpu.region"() ({
      %run_scoped3A_433 = tpu.sem_alloc : memref<!tpu.dma_semaphore, #tpu.memory_space<semaphore_mem>>
      %dma_start3A_434 = arith.constant 0 : i32
      %dma_start3A_435 = tpu.memref_slice %arg4[%add3A_166, %dma_start3A_434] : memref<24576x128xf32, #tpu.memory_space<hbm>> -> memref<128x128xf32, #tpu.memory_space<hbm>>
      %dma_start3A_436 = arith.constant 0 : i32
      %dma_start3A_437 = tpu.memref_slice %arg4[%add3A_166, %dma_start3A_436] : memref<24576x128xf32, #tpu.memory_space<hbm>> -> memref<128x128xf32, #tpu.memory_space<hbm>>
      tpu.enqueue_dma source(%arg7 : memref<128x128xf32, #tpu.memory_space<vmem>>) target(%dma_start3A_437 : memref<128x128xf32, #tpu.memory_space<hbm>>) target_semaphore(%run_scoped3A_433 : memref<!tpu.dma_semaphore, #tpu.memory_space<semaphore_mem>>)
      %dma_wait3A_438 = arith.constant 0 : i32
      %dma_wait3A_439 = tpu.memref_slice %arg4[%add3A_166, %dma_wait3A_438] : memref<24576x128xf32, #tpu.memory_space<hbm>> -> memref<128x128xf32, #tpu.memory_space<hbm>>
      %dma_wait3A_440 = arith.constant 0 : i32
      %dma_wait3A_441 = tpu.memref_slice %arg4[%add3A_166, %dma_wait3A_440] : memref<24576x128xf32, #tpu.memory_space<hbm>> -> memref<128x128xf32, #tpu.memory_space<hbm>>
      tpu.wait_dma2 semaphore(%run_scoped3A_433 : memref<!tpu.dma_semaphore, #tpu.memory_space<semaphore_mem>>) src(%arg7 : memref<128x128xf32, #tpu.memory_space<vmem>>) dst(%dma_wait3A_441 : memref<128x128xf32, #tpu.memory_space<hbm>>)
      tpu.yield
    }) : () -> ()
    %dma_start3A_167 = arith.constant 9 : i32
    %dma_start3A_168 = arith.constant 0 : i32
    %dma_start3A_169 = tpu.memref_slice %arg6[%dma_start3A_167, %dma_start3A_168] : memref<12x128xi32, #tpu.memory_space<vmem>> -> memref<1x128xi32, #tpu.memory_space<vmem>>
    %dma_start3A_170 = tpu.memref_squeeze %dma_start3A_169 : memref<1x128xi32, #tpu.memory_space<vmem>> -> memref<128xi32, #tpu.memory_space<vmem>>
    %dma_start3A_171 = arith.constant 0 : i32
    %dma_start3A_172 = arith.constant 0 : i32
    %dma_start3A_173 = tpu.memref_slice %arg2[%dma_start3A_171, %dma_start3A_172] : memref<8192x128xf32, #tpu.memory_space<hbm>> -> memref<8192x128xf32, #tpu.memory_space<hbm>>
    tpu.enqueue_indirect_dma source(%dma_start3A_173 : memref<8192x128xf32, #tpu.memory_space<hbm>>) target(%arg7 : memref<128x128xf32, #tpu.memory_space<vmem>>) offsets(%dma_start3A_170 : memref<128xi32, #tpu.memory_space<vmem>>) semaphore(%arg12 : memref<!tpu.dma_semaphore, #tpu.memory_space<semaphore_mem>>)
    %dma_wait3A_174 = arith.constant 9 : i32
    %dma_wait3A_175 = arith.constant 0 : i32
    %dma_wait3A_176 = tpu.memref_slice %arg6[%dma_wait3A_174, %dma_wait3A_175] : memref<12x128xi32, #tpu.memory_space<vmem>> -> memref<1x128xi32, #tpu.memory_space<vmem>>
    %dma_wait3A_177 = tpu.memref_squeeze %dma_wait3A_176 : memref<1x128xi32, #tpu.memory_space<vmem>> -> memref<128xi32, #tpu.memory_space<vmem>>
    %dma_wait3A_178 = arith.constant 0 : i32
    %dma_wait3A_179 = arith.constant 0 : i32
    %dma_wait3A_180 = tpu.memref_slice %arg2[%dma_wait3A_178, %dma_wait3A_179] : memref<8192x128xf32, #tpu.memory_space<hbm>> -> memref<8192x128xf32, #tpu.memory_space<hbm>>
    tpu.wait_indirect_dma semaphore(%arg12 : memref<!tpu.dma_semaphore, #tpu.memory_space<semaphore_mem>>) src(%dma_wait3A_180 : memref<8192x128xf32, #tpu.memory_space<hbm>>) dst(%arg7 : memref<128x128xf32, #tpu.memory_space<vmem>>)
    %add3A_181 = arith.constant 1152 : i32
    %add3A_182 = arith.addi %mul3A_2, %add3A_181 : i32
    "tpu.region"() ({
      %run_scoped3A_433 = tpu.sem_alloc : memref<!tpu.dma_semaphore, #tpu.memory_space<semaphore_mem>>
      %dma_start3A_434 = arith.constant 0 : i32
      %dma_start3A_435 = tpu.memref_slice %arg4[%add3A_182, %dma_start3A_434] : memref<24576x128xf32, #tpu.memory_space<hbm>> -> memref<128x128xf32, #tpu.memory_space<hbm>>
      %dma_start3A_436 = arith.constant 0 : i32
      %dma_start3A_437 = tpu.memref_slice %arg4[%add3A_182, %dma_start3A_436] : memref<24576x128xf32, #tpu.memory_space<hbm>> -> memref<128x128xf32, #tpu.memory_space<hbm>>
      tpu.enqueue_dma source(%arg7 : memref<128x128xf32, #tpu.memory_space<vmem>>) target(%dma_start3A_437 : memref<128x128xf32, #tpu.memory_space<hbm>>) target_semaphore(%run_scoped3A_433 : memref<!tpu.dma_semaphore, #tpu.memory_space<semaphore_mem>>)
      %dma_wait3A_438 = arith.constant 0 : i32
      %dma_wait3A_439 = tpu.memref_slice %arg4[%add3A_182, %dma_wait3A_438] : memref<24576x128xf32, #tpu.memory_space<hbm>> -> memref<128x128xf32, #tpu.memory_space<hbm>>
      %dma_wait3A_440 = arith.constant 0 : i32
      %dma_wait3A_441 = tpu.memref_slice %arg4[%add3A_182, %dma_wait3A_440] : memref<24576x128xf32, #tpu.memory_space<hbm>> -> memref<128x128xf32, #tpu.memory_space<hbm>>
      tpu.wait_dma2 semaphore(%run_scoped3A_433 : memref<!tpu.dma_semaphore, #tpu.memory_space<semaphore_mem>>) src(%arg7 : memref<128x128xf32, #tpu.memory_space<vmem>>) dst(%dma_wait3A_441 : memref<128x128xf32, #tpu.memory_space<hbm>>)
      tpu.yield
    }) : () -> ()
    %dma_start3A_183 = arith.constant 10 : i32
    %dma_start3A_184 = arith.constant 0 : i32
    %dma_start3A_185 = tpu.memref_slice %arg6[%dma_start3A_183, %dma_start3A_184] : memref<12x128xi32, #tpu.memory_space<vmem>> -> memref<1x128xi32, #tpu.memory_space<vmem>>
    %dma_start3A_186 = tpu.memref_squeeze %dma_start3A_185 : memref<1x128xi32, #tpu.memory_space<vmem>> -> memref<128xi32, #tpu.memory_space<vmem>>
    %dma_start3A_187 = arith.constant 0 : i32
    %dma_start3A_188 = arith.constant 0 : i32
    %dma_start3A_189 = tpu.memref_slice %arg2[%dma_start3A_187, %dma_start3A_188] : memref<8192x128xf32, #tpu.memory_space<hbm>> -> memref<8192x128xf32, #tpu.memory_space<hbm>>
    tpu.enqueue_indirect_dma source(%dma_start3A_189 : memref<8192x128xf32, #tpu.memory_space<hbm>>) target(%arg7 : memref<128x128xf32, #tpu.memory_space<vmem>>) offsets(%dma_start3A_186 : memref<128xi32, #tpu.memory_space<vmem>>) semaphore(%arg12 : memref<!tpu.dma_semaphore, #tpu.memory_space<semaphore_mem>>)
    %dma_wait3A_190 = arith.constant 10 : i32
    %dma_wait3A_191 = arith.constant 0 : i32
    %dma_wait3A_192 = tpu.memref_slice %arg6[%dma_wait3A_190, %dma_wait3A_191] : memref<12x128xi32, #tpu.memory_space<vmem>> -> memref<1x128xi32, #tpu.memory_space<vmem>>
    %dma_wait3A_193 = tpu.memref_squeeze %dma_wait3A_192 : memref<1x128xi32, #tpu.memory_space<vmem>> -> memref<128xi32, #tpu.memory_space<vmem>>
    %dma_wait3A_194 = arith.constant 0 : i32
    %dma_wait3A_195 = arith.constant 0 : i32
    %dma_wait3A_196 = tpu.memref_slice %arg2[%dma_wait3A_194, %dma_wait3A_195] : memref<8192x128xf32, #tpu.memory_space<hbm>> -> memref<8192x128xf32, #tpu.memory_space<hbm>>
    tpu.wait_indirect_dma semaphore(%arg12 : memref<!tpu.dma_semaphore, #tpu.memory_space<semaphore_mem>>) src(%dma_wait3A_196 : memref<8192x128xf32, #tpu.memory_space<hbm>>) dst(%arg7 : memref<128x128xf32, #tpu.memory_space<vmem>>)
    %add3A_197 = arith.constant 1280 : i32
    %add3A_198 = arith.addi %mul3A_2, %add3A_197 : i32
    "tpu.region"() ({
      %run_scoped3A_433 = tpu.sem_alloc : memref<!tpu.dma_semaphore, #tpu.memory_space<semaphore_mem>>
      %dma_start3A_434 = arith.constant 0 : i32
      %dma_start3A_435 = tpu.memref_slice %arg4[%add3A_198, %dma_start3A_434] : memref<24576x128xf32, #tpu.memory_space<hbm>> -> memref<128x128xf32, #tpu.memory_space<hbm>>
      %dma_start3A_436 = arith.constant 0 : i32
      %dma_start3A_437 = tpu.memref_slice %arg4[%add3A_198, %dma_start3A_436] : memref<24576x128xf32, #tpu.memory_space<hbm>> -> memref<128x128xf32, #tpu.memory_space<hbm>>
      tpu.enqueue_dma source(%arg7 : memref<128x128xf32, #tpu.memory_space<vmem>>) target(%dma_start3A_437 : memref<128x128xf32, #tpu.memory_space<hbm>>) target_semaphore(%run_scoped3A_433 : memref<!tpu.dma_semaphore, #tpu.memory_space<semaphore_mem>>)
      %dma_wait3A_438 = arith.constant 0 : i32
      %dma_wait3A_439 = tpu.memref_slice %arg4[%add3A_198, %dma_wait3A_438] : memref<24576x128xf32, #tpu.memory_space<hbm>> -> memref<128x128xf32, #tpu.memory_space<hbm>>
      %dma_wait3A_440 = arith.constant 0 : i32
      %dma_wait3A_441 = tpu.memref_slice %arg4[%add3A_198, %dma_wait3A_440] : memref<24576x128xf32, #tpu.memory_space<hbm>> -> memref<128x128xf32, #tpu.memory_space<hbm>>
      tpu.wait_dma2 semaphore(%run_scoped3A_433 : memref<!tpu.dma_semaphore, #tpu.memory_space<semaphore_mem>>) src(%arg7 : memref<128x128xf32, #tpu.memory_space<vmem>>) dst(%dma_wait3A_441 : memref<128x128xf32, #tpu.memory_space<hbm>>)
      tpu.yield
    }) : () -> ()
    %dma_start3A_199 = arith.constant 11 : i32
    %dma_start3A_200 = arith.constant 0 : i32
    %dma_start3A_201 = tpu.memref_slice %arg6[%dma_start3A_199, %dma_start3A_200] : memref<12x128xi32, #tpu.memory_space<vmem>> -> memref<1x128xi32, #tpu.memory_space<vmem>>
    %dma_start3A_202 = tpu.memref_squeeze %dma_start3A_201 : memref<1x128xi32, #tpu.memory_space<vmem>> -> memref<128xi32, #tpu.memory_space<vmem>>
    %dma_start3A_203 = arith.constant 0 : i32
    %dma_start3A_204 = arith.constant 0 : i32
    %dma_start3A_205 = tpu.memref_slice %arg2[%dma_start3A_203, %dma_start3A_204] : memref<8192x128xf32, #tpu.memory_space<hbm>> -> memref<8192x128xf32, #tpu.memory_space<hbm>>
    tpu.enqueue_indirect_dma source(%dma_start3A_205 : memref<8192x128xf32, #tpu.memory_space<hbm>>) target(%arg7 : memref<128x128xf32, #tpu.memory_space<vmem>>) offsets(%dma_start3A_202 : memref<128xi32, #tpu.memory_space<vmem>>) semaphore(%arg12 : memref<!tpu.dma_semaphore, #tpu.memory_space<semaphore_mem>>)
    %dma_wait3A_206 = arith.constant 11 : i32
    %dma_wait3A_207 = arith.constant 0 : i32
    %dma_wait3A_208 = tpu.memref_slice %arg6[%dma_wait3A_206, %dma_wait3A_207] : memref<12x128xi32, #tpu.memory_space<vmem>> -> memref<1x128xi32, #tpu.memory_space<vmem>>
    %dma_wait3A_209 = tpu.memref_squeeze %dma_wait3A_208 : memref<1x128xi32, #tpu.memory_space<vmem>> -> memref<128xi32, #tpu.memory_space<vmem>>
    %dma_wait3A_210 = arith.constant 0 : i32
    %dma_wait3A_211 = arith.constant 0 : i32
    %dma_wait3A_212 = tpu.memref_slice %arg2[%dma_wait3A_210, %dma_wait3A_211] : memref<8192x128xf32, #tpu.memory_space<hbm>> -> memref<8192x128xf32, #tpu.memory_space<hbm>>
    tpu.wait_indirect_dma semaphore(%arg12 : memref<!tpu.dma_semaphore, #tpu.memory_space<semaphore_mem>>) src(%dma_wait3A_212 : memref<8192x128xf32, #tpu.memory_space<hbm>>) dst(%arg7 : memref<128x128xf32, #tpu.memory_space<vmem>>)
    %add3A_213 = arith.constant 1408 : i32
    %add3A_214 = arith.addi %mul3A_2, %add3A_213 : i32
    "tpu.region"() ({
      %run_scoped3A_433 = tpu.sem_alloc : memref<!tpu.dma_semaphore, #tpu.memory_space<semaphore_mem>>
      %dma_start3A_434 = arith.constant 0 : i32
      %dma_start3A_435 = tpu.memref_slice %arg4[%add3A_214, %dma_start3A_434] : memref<24576x128xf32, #tpu.memory_space<hbm>> -> memref<128x128xf32, #tpu.memory_space<hbm>>
      %dma_start3A_436 = arith.constant 0 : i32
      %dma_start3A_437 = tpu.memref_slice %arg4[%add3A_214, %dma_start3A_436] : memref<24576x128xf32, #tpu.memory_space<hbm>> -> memref<128x128xf32, #tpu.memory_space<hbm>>
      tpu.enqueue_dma source(%arg7 : memref<128x128xf32, #tpu.memory_space<vmem>>) target(%dma_start3A_437 : memref<128x128xf32, #tpu.memory_space<hbm>>) target_semaphore(%run_scoped3A_433 : memref<!tpu.dma_semaphore, #tpu.memory_space<semaphore_mem>>)
      %dma_wait3A_438 = arith.constant 0 : i32
      %dma_wait3A_439 = tpu.memref_slice %arg4[%add3A_214, %dma_wait3A_438] : memref<24576x128xf32, #tpu.memory_space<hbm>> -> memref<128x128xf32, #tpu.memory_space<hbm>>
      %dma_wait3A_440 = arith.constant 0 : i32
      %dma_wait3A_441 = tpu.memref_slice %arg4[%add3A_214, %dma_wait3A_440] : memref<24576x128xf32, #tpu.memory_space<hbm>> -> memref<128x128xf32, #tpu.memory_space<hbm>>
      tpu.wait_dma2 semaphore(%run_scoped3A_433 : memref<!tpu.dma_semaphore, #tpu.memory_space<semaphore_mem>>) src(%arg7 : memref<128x128xf32, #tpu.memory_space<vmem>>) dst(%dma_wait3A_441 : memref<128x128xf32, #tpu.memory_space<hbm>>)
      tpu.yield
    }) : () -> ()
    %barrier3A = arith.constant 0 : index
    tpu.barrier barrier_id(%barrier3A)
    %run_scoped3A = arith.constant 0 : i32
    "tpu.region"() ({
      %run_scoped3A_433 = tpu.sem_alloc : memref<!tpu.dma_semaphore, #tpu.memory_space<semaphore_mem>>
      %dma_start3A_434 = arith.constant 0 : i32
      %dma_start3A_435 = tpu.memref_slice %arg6[%run_scoped3A, %dma_start3A_434] : memref<12x128xi32, #tpu.memory_space<vmem>> -> memref<1x128xi32, #tpu.memory_space<vmem>>
      %dma_start3A_436 = tpu.memref_squeeze %dma_start3A_435 : memref<1x128xi32, #tpu.memory_space<vmem>> -> memref<128xi32, #tpu.memory_space<vmem>>
      %dma_start3A_437 = arith.constant 0 : i32
      %dma_start3A_438 = arith.constant 0 : i32
      %dma_start3A_439 = tpu.memref_slice %arg11[%dma_start3A_437, %dma_start3A_438] : memref<8192x128xf32, #tpu.memory_space<vmem_shared>> -> memref<8192x128xf32, #tpu.memory_space<vmem_shared>>
      tpu.enqueue_indirect_dma source(%arg8 : memref<128x128xf32, #tpu.memory_space<vmem>>) target(%dma_start3A_439 : memref<8192x128xf32, #tpu.memory_space<vmem_shared>>) offsets(%dma_start3A_436 : memref<128xi32, #tpu.memory_space<vmem>>) semaphore(%run_scoped3A_433 : memref<!tpu.dma_semaphore, #tpu.memory_space<semaphore_mem>>) {add = true}
      %dma_wait3A_440 = arith.constant 0 : i32
      %dma_wait3A_441 = tpu.memref_slice %arg6[%run_scoped3A, %dma_wait3A_440] : memref<12x128xi32, #tpu.memory_space<vmem>> -> memref<1x128xi32, #tpu.memory_space<vmem>>
      %dma_wait3A_442 = tpu.memref_squeeze %dma_wait3A_441 : memref<1x128xi32, #tpu.memory_space<vmem>> -> memref<128xi32, #tpu.memory_space<vmem>>
      %dma_wait3A_443 = arith.constant 0 : i32
      %dma_wait3A_444 = arith.constant 0 : i32
      %dma_wait3A_445 = tpu.memref_slice %arg11[%dma_wait3A_443, %dma_wait3A_444] : memref<8192x128xf32, #tpu.memory_space<vmem_shared>> -> memref<8192x128xf32, #tpu.memory_space<vmem_shared>>
      tpu.wait_indirect_dma semaphore(%run_scoped3A_433 : memref<!tpu.dma_semaphore, #tpu.memory_space<semaphore_mem>>) src(%arg8 : memref<128x128xf32, #tpu.memory_space<vmem>>) dst(%dma_wait3A_445 : memref<8192x128xf32, #tpu.memory_space<vmem_shared>>)
      tpu.yield
    }) : () -> ()
    %run_scoped3A_215 = arith.constant 1 : i32
    "tpu.region"() ({
      %run_scoped3A_433 = tpu.sem_alloc : memref<!tpu.dma_semaphore, #tpu.memory_space<semaphore_mem>>
      %dma_start3A_434 = arith.constant 0 : i32
      %dma_start3A_435 = tpu.memref_slice %arg6[%run_scoped3A_215, %dma_start3A_434] : memref<12x128xi32, #tpu.memory_space<vmem>> -> memref<1x128xi32, #tpu.memory_space<vmem>>
      %dma_start3A_436 = tpu.memref_squeeze %dma_start3A_435 : memref<1x128xi32, #tpu.memory_space<vmem>> -> memref<128xi32, #tpu.memory_space<vmem>>
      %dma_start3A_437 = arith.constant 0 : i32
      %dma_start3A_438 = arith.constant 0 : i32
      %dma_start3A_439 = tpu.memref_slice %arg11[%dma_start3A_437, %dma_start3A_438] : memref<8192x128xf32, #tpu.memory_space<vmem_shared>> -> memref<8192x128xf32, #tpu.memory_space<vmem_shared>>
      tpu.enqueue_indirect_dma source(%arg8 : memref<128x128xf32, #tpu.memory_space<vmem>>) target(%dma_start3A_439 : memref<8192x128xf32, #tpu.memory_space<vmem_shared>>) offsets(%dma_start3A_436 : memref<128xi32, #tpu.memory_space<vmem>>) semaphore(%run_scoped3A_433 : memref<!tpu.dma_semaphore, #tpu.memory_space<semaphore_mem>>) {add = true}
      %dma_wait3A_440 = arith.constant 0 : i32
      %dma_wait3A_441 = tpu.memref_slice %arg6[%run_scoped3A_215, %dma_wait3A_440] : memref<12x128xi32, #tpu.memory_space<vmem>> -> memref<1x128xi32, #tpu.memory_space<vmem>>
      %dma_wait3A_442 = tpu.memref_squeeze %dma_wait3A_441 : memref<1x128xi32, #tpu.memory_space<vmem>> -> memref<128xi32, #tpu.memory_space<vmem>>
      %dma_wait3A_443 = arith.constant 0 : i32
      %dma_wait3A_444 = arith.constant 0 : i32
      %dma_wait3A_445 = tpu.memref_slice %arg11[%dma_wait3A_443, %dma_wait3A_444] : memref<8192x128xf32, #tpu.memory_space<vmem_shared>> -> memref<8192x128xf32, #tpu.memory_space<vmem_shared>>
      tpu.wait_indirect_dma semaphore(%run_scoped3A_433 : memref<!tpu.dma_semaphore, #tpu.memory_space<semaphore_mem>>) src(%arg8 : memref<128x128xf32, #tpu.memory_space<vmem>>) dst(%dma_wait3A_445 : memref<8192x128xf32, #tpu.memory_space<vmem_shared>>)
      tpu.yield
    }) : () -> ()
    %run_scoped3A_216 = arith.constant 2 : i32
    "tpu.region"() ({
      %run_scoped3A_433 = tpu.sem_alloc : memref<!tpu.dma_semaphore, #tpu.memory_space<semaphore_mem>>
      %dma_start3A_434 = arith.constant 0 : i32
      %dma_start3A_435 = tpu.memref_slice %arg6[%run_scoped3A_216, %dma_start3A_434] : memref<12x128xi32, #tpu.memory_space<vmem>> -> memref<1x128xi32, #tpu.memory_space<vmem>>
      %dma_start3A_436 = tpu.memref_squeeze %dma_start3A_435 : memref<1x128xi32, #tpu.memory_space<vmem>> -> memref<128xi32, #tpu.memory_space<vmem>>
      %dma_start3A_437 = arith.constant 0 : i32
      %dma_start3A_438 = arith.constant 0 : i32
      %dma_start3A_439 = tpu.memref_slice %arg11[%dma_start3A_437, %dma_start3A_438] : memref<8192x128xf32, #tpu.memory_space<vmem_shared>> -> memref<8192x128xf32, #tpu.memory_space<vmem_shared>>
      tpu.enqueue_indirect_dma source(%arg8 : memref<128x128xf32, #tpu.memory_space<vmem>>) target(%dma_start3A_439 : memref<8192x128xf32, #tpu.memory_space<vmem_shared>>) offsets(%dma_start3A_436 : memref<128xi32, #tpu.memory_space<vmem>>) semaphore(%run_scoped3A_433 : memref<!tpu.dma_semaphore, #tpu.memory_space<semaphore_mem>>) {add = true}
      %dma_wait3A_440 = arith.constant 0 : i32
      %dma_wait3A_441 = tpu.memref_slice %arg6[%run_scoped3A_216, %dma_wait3A_440] : memref<12x128xi32, #tpu.memory_space<vmem>> -> memref<1x128xi32, #tpu.memory_space<vmem>>
      %dma_wait3A_442 = tpu.memref_squeeze %dma_wait3A_441 : memref<1x128xi32, #tpu.memory_space<vmem>> -> memref<128xi32, #tpu.memory_space<vmem>>
      %dma_wait3A_443 = arith.constant 0 : i32
      %dma_wait3A_444 = arith.constant 0 : i32
      %dma_wait3A_445 = tpu.memref_slice %arg11[%dma_wait3A_443, %dma_wait3A_444] : memref<8192x128xf32, #tpu.memory_space<vmem_shared>> -> memref<8192x128xf32, #tpu.memory_space<vmem_shared>>
      tpu.wait_indirect_dma semaphore(%run_scoped3A_433 : memref<!tpu.dma_semaphore, #tpu.memory_space<semaphore_mem>>) src(%arg8 : memref<128x128xf32, #tpu.memory_space<vmem>>) dst(%dma_wait3A_445 : memref<8192x128xf32, #tpu.memory_space<vmem_shared>>)
      tpu.yield
    }) : () -> ()
    %run_scoped3A_217 = arith.constant 3 : i32
    "tpu.region"() ({
      %run_scoped3A_433 = tpu.sem_alloc : memref<!tpu.dma_semaphore, #tpu.memory_space<semaphore_mem>>
      %dma_start3A_434 = arith.constant 0 : i32
      %dma_start3A_435 = tpu.memref_slice %arg6[%run_scoped3A_217, %dma_start3A_434] : memref<12x128xi32, #tpu.memory_space<vmem>> -> memref<1x128xi32, #tpu.memory_space<vmem>>
      %dma_start3A_436 = tpu.memref_squeeze %dma_start3A_435 : memref<1x128xi32, #tpu.memory_space<vmem>> -> memref<128xi32, #tpu.memory_space<vmem>>
      %dma_start3A_437 = arith.constant 0 : i32
      %dma_start3A_438 = arith.constant 0 : i32
      %dma_start3A_439 = tpu.memref_slice %arg11[%dma_start3A_437, %dma_start3A_438] : memref<8192x128xf32, #tpu.memory_space<vmem_shared>> -> memref<8192x128xf32, #tpu.memory_space<vmem_shared>>
      tpu.enqueue_indirect_dma source(%arg8 : memref<128x128xf32, #tpu.memory_space<vmem>>) target(%dma_start3A_439 : memref<8192x128xf32, #tpu.memory_space<vmem_shared>>) offsets(%dma_start3A_436 : memref<128xi32, #tpu.memory_space<vmem>>) semaphore(%run_scoped3A_433 : memref<!tpu.dma_semaphore, #tpu.memory_space<semaphore_mem>>) {add = true}
      %dma_wait3A_440 = arith.constant 0 : i32
      %dma_wait3A_441 = tpu.memref_slice %arg6[%run_scoped3A_217, %dma_wait3A_440] : memref<12x128xi32, #tpu.memory_space<vmem>> -> memref<1x128xi32, #tpu.memory_space<vmem>>
      %dma_wait3A_442 = tpu.memref_squeeze %dma_wait3A_441 : memref<1x128xi32, #tpu.memory_space<vmem>> -> memref<128xi32, #tpu.memory_space<vmem>>
      %dma_wait3A_443 = arith.constant 0 : i32
      %dma_wait3A_444 = arith.constant 0 : i32
      %dma_wait3A_445 = tpu.memref_slice %arg11[%dma_wait3A_443, %dma_wait3A_444] : memref<8192x128xf32, #tpu.memory_space<vmem_shared>> -> memref<8192x128xf32, #tpu.memory_space<vmem_shared>>
      tpu.wait_indirect_dma semaphore(%run_scoped3A_433 : memref<!tpu.dma_semaphore, #tpu.memory_space<semaphore_mem>>) src(%arg8 : memref<128x128xf32, #tpu.memory_space<vmem>>) dst(%dma_wait3A_445 : memref<8192x128xf32, #tpu.memory_space<vmem_shared>>)
      tpu.yield
    }) : () -> ()
    %run_scoped3A_218 = arith.constant 4 : i32
    "tpu.region"() ({
      %run_scoped3A_433 = tpu.sem_alloc : memref<!tpu.dma_semaphore, #tpu.memory_space<semaphore_mem>>
      %dma_start3A_434 = arith.constant 0 : i32
      %dma_start3A_435 = tpu.memref_slice %arg6[%run_scoped3A_218, %dma_start3A_434] : memref<12x128xi32, #tpu.memory_space<vmem>> -> memref<1x128xi32, #tpu.memory_space<vmem>>
      %dma_start3A_436 = tpu.memref_squeeze %dma_start3A_435 : memref<1x128xi32, #tpu.memory_space<vmem>> -> memref<128xi32, #tpu.memory_space<vmem>>
      %dma_start3A_437 = arith.constant 0 : i32
      %dma_start3A_438 = arith.constant 0 : i32
      %dma_start3A_439 = tpu.memref_slice %arg11[%dma_start3A_437, %dma_start3A_438] : memref<8192x128xf32, #tpu.memory_space<vmem_shared>> -> memref<8192x128xf32, #tpu.memory_space<vmem_shared>>
      tpu.enqueue_indirect_dma source(%arg8 : memref<128x128xf32, #tpu.memory_space<vmem>>) target(%dma_start3A_439 : memref<8192x128xf32, #tpu.memory_space<vmem_shared>>) offsets(%dma_start3A_436 : memref<128xi32, #tpu.memory_space<vmem>>) semaphore(%run_scoped3A_433 : memref<!tpu.dma_semaphore, #tpu.memory_space<semaphore_mem>>) {add = true}
      %dma_wait3A_440 = arith.constant 0 : i32
      %dma_wait3A_441 = tpu.memref_slice %arg6[%run_scoped3A_218, %dma_wait3A_440] : memref<12x128xi32, #tpu.memory_space<vmem>> -> memref<1x128xi32, #tpu.memory_space<vmem>>
      %dma_wait3A_442 = tpu.memref_squeeze %dma_wait3A_441 : memref<1x128xi32, #tpu.memory_space<vmem>> -> memref<128xi32, #tpu.memory_space<vmem>>
      %dma_wait3A_443 = arith.constant 0 : i32
      %dma_wait3A_444 = arith.constant 0 : i32
      %dma_wait3A_445 = tpu.memref_slice %arg11[%dma_wait3A_443, %dma_wait3A_444] : memref<8192x128xf32, #tpu.memory_space<vmem_shared>> -> memref<8192x128xf32, #tpu.memory_space<vmem_shared>>
      tpu.wait_indirect_dma semaphore(%run_scoped3A_433 : memref<!tpu.dma_semaphore, #tpu.memory_space<semaphore_mem>>) src(%arg8 : memref<128x128xf32, #tpu.memory_space<vmem>>) dst(%dma_wait3A_445 : memref<8192x128xf32, #tpu.memory_space<vmem_shared>>)
      tpu.yield
    }) : () -> ()
    %run_scoped3A_219 = arith.constant 5 : i32
    "tpu.region"() ({
      %run_scoped3A_433 = tpu.sem_alloc : memref<!tpu.dma_semaphore, #tpu.memory_space<semaphore_mem>>
      %dma_start3A_434 = arith.constant 0 : i32
      %dma_start3A_435 = tpu.memref_slice %arg6[%run_scoped3A_219, %dma_start3A_434] : memref<12x128xi32, #tpu.memory_space<vmem>> -> memref<1x128xi32, #tpu.memory_space<vmem>>
      %dma_start3A_436 = tpu.memref_squeeze %dma_start3A_435 : memref<1x128xi32, #tpu.memory_space<vmem>> -> memref<128xi32, #tpu.memory_space<vmem>>
      %dma_start3A_437 = arith.constant 0 : i32
      %dma_start3A_438 = arith.constant 0 : i32
      %dma_start3A_439 = tpu.memref_slice %arg11[%dma_start3A_437, %dma_start3A_438] : memref<8192x128xf32, #tpu.memory_space<vmem_shared>> -> memref<8192x128xf32, #tpu.memory_space<vmem_shared>>
      tpu.enqueue_indirect_dma source(%arg8 : memref<128x128xf32, #tpu.memory_space<vmem>>) target(%dma_start3A_439 : memref<8192x128xf32, #tpu.memory_space<vmem_shared>>) offsets(%dma_start3A_436 : memref<128xi32, #tpu.memory_space<vmem>>) semaphore(%run_scoped3A_433 : memref<!tpu.dma_semaphore, #tpu.memory_space<semaphore_mem>>) {add = true}
      %dma_wait3A_440 = arith.constant 0 : i32
      %dma_wait3A_441 = tpu.memref_slice %arg6[%run_scoped3A_219, %dma_wait3A_440] : memref<12x128xi32, #tpu.memory_space<vmem>> -> memref<1x128xi32, #tpu.memory_space<vmem>>
      %dma_wait3A_442 = tpu.memref_squeeze %dma_wait3A_441 : memref<1x128xi32, #tpu.memory_space<vmem>> -> memref<128xi32, #tpu.memory_space<vmem>>
      %dma_wait3A_443 = arith.constant 0 : i32
      %dma_wait3A_444 = arith.constant 0 : i32
      %dma_wait3A_445 = tpu.memref_slice %arg11[%dma_wait3A_443, %dma_wait3A_444] : memref<8192x128xf32, #tpu.memory_space<vmem_shared>> -> memref<8192x128xf32, #tpu.memory_space<vmem_shared>>
      tpu.wait_indirect_dma semaphore(%run_scoped3A_433 : memref<!tpu.dma_semaphore, #tpu.memory_space<semaphore_mem>>) src(%arg8 : memref<128x128xf32, #tpu.memory_space<vmem>>) dst(%dma_wait3A_445 : memref<8192x128xf32, #tpu.memory_space<vmem_shared>>)
      tpu.yield
    }) : () -> ()
    %run_scoped3A_220 = arith.constant 6 : i32
    "tpu.region"() ({
      %run_scoped3A_433 = tpu.sem_alloc : memref<!tpu.dma_semaphore, #tpu.memory_space<semaphore_mem>>
      %dma_start3A_434 = arith.constant 0 : i32
      %dma_start3A_435 = tpu.memref_slice %arg6[%run_scoped3A_220, %dma_start3A_434] : memref<12x128xi32, #tpu.memory_space<vmem>> -> memref<1x128xi32, #tpu.memory_space<vmem>>
      %dma_start3A_436 = tpu.memref_squeeze %dma_start3A_435 : memref<1x128xi32, #tpu.memory_space<vmem>> -> memref<128xi32, #tpu.memory_space<vmem>>
      %dma_start3A_437 = arith.constant 0 : i32
      %dma_start3A_438 = arith.constant 0 : i32
      %dma_start3A_439 = tpu.memref_slice %arg11[%dma_start3A_437, %dma_start3A_438] : memref<8192x128xf32, #tpu.memory_space<vmem_shared>> -> memref<8192x128xf32, #tpu.memory_space<vmem_shared>>
      tpu.enqueue_indirect_dma source(%arg8 : memref<128x128xf32, #tpu.memory_space<vmem>>) target(%dma_start3A_439 : memref<8192x128xf32, #tpu.memory_space<vmem_shared>>) offsets(%dma_start3A_436 : memref<128xi32, #tpu.memory_space<vmem>>) semaphore(%run_scoped3A_433 : memref<!tpu.dma_semaphore, #tpu.memory_space<semaphore_mem>>) {add = true}
      %dma_wait3A_440 = arith.constant 0 : i32
      %dma_wait3A_441 = tpu.memref_slice %arg6[%run_scoped3A_220, %dma_wait3A_440] : memref<12x128xi32, #tpu.memory_space<vmem>> -> memref<1x128xi32, #tpu.memory_space<vmem>>
      %dma_wait3A_442 = tpu.memref_squeeze %dma_wait3A_441 : memref<1x128xi32, #tpu.memory_space<vmem>> -> memref<128xi32, #tpu.memory_space<vmem>>
      %dma_wait3A_443 = arith.constant 0 : i32
      %dma_wait3A_444 = arith.constant 0 : i32
      %dma_wait3A_445 = tpu.memref_slice %arg11[%dma_wait3A_443, %dma_wait3A_444] : memref<8192x128xf32, #tpu.memory_space<vmem_shared>> -> memref<8192x128xf32, #tpu.memory_space<vmem_shared>>
      tpu.wait_indirect_dma semaphore(%run_scoped3A_433 : memref<!tpu.dma_semaphore, #tpu.memory_space<semaphore_mem>>) src(%arg8 : memref<128x128xf32, #tpu.memory_space<vmem>>) dst(%dma_wait3A_445 : memref<8192x128xf32, #tpu.memory_space<vmem_shared>>)
      tpu.yield
    }) : () -> ()
    %run_scoped3A_221 = arith.constant 7 : i32
    "tpu.region"() ({
      %run_scoped3A_433 = tpu.sem_alloc : memref<!tpu.dma_semaphore, #tpu.memory_space<semaphore_mem>>
      %dma_start3A_434 = arith.constant 0 : i32
      %dma_start3A_435 = tpu.memref_slice %arg6[%run_scoped3A_221, %dma_start3A_434] : memref<12x128xi32, #tpu.memory_space<vmem>> -> memref<1x128xi32, #tpu.memory_space<vmem>>
      %dma_start3A_436 = tpu.memref_squeeze %dma_start3A_435 : memref<1x128xi32, #tpu.memory_space<vmem>> -> memref<128xi32, #tpu.memory_space<vmem>>
      %dma_start3A_437 = arith.constant 0 : i32
      %dma_start3A_438 = arith.constant 0 : i32
      %dma_start3A_439 = tpu.memref_slice %arg11[%dma_start3A_437, %dma_start3A_438] : memref<8192x128xf32, #tpu.memory_space<vmem_shared>> -> memref<8192x128xf32, #tpu.memory_space<vmem_shared>>
      tpu.enqueue_indirect_dma source(%arg8 : memref<128x128xf32, #tpu.memory_space<vmem>>) target(%dma_start3A_439 : memref<8192x128xf32, #tpu.memory_space<vmem_shared>>) offsets(%dma_start3A_436 : memref<128xi32, #tpu.memory_space<vmem>>) semaphore(%run_scoped3A_433 : memref<!tpu.dma_semaphore, #tpu.memory_space<semaphore_mem>>) {add = true}
      %dma_wait3A_440 = arith.constant 0 : i32
      %dma_wait3A_441 = tpu.memref_slice %arg6[%run_scoped3A_221, %dma_wait3A_440] : memref<12x128xi32, #tpu.memory_space<vmem>> -> memref<1x128xi32, #tpu.memory_space<vmem>>
      %dma_wait3A_442 = tpu.memref_squeeze %dma_wait3A_441 : memref<1x128xi32, #tpu.memory_space<vmem>> -> memref<128xi32, #tpu.memory_space<vmem>>
      %dma_wait3A_443 = arith.constant 0 : i32
      %dma_wait3A_444 = arith.constant 0 : i32
      %dma_wait3A_445 = tpu.memref_slice %arg11[%dma_wait3A_443, %dma_wait3A_444] : memref<8192x128xf32, #tpu.memory_space<vmem_shared>> -> memref<8192x128xf32, #tpu.memory_space<vmem_shared>>
      tpu.wait_indirect_dma semaphore(%run_scoped3A_433 : memref<!tpu.dma_semaphore, #tpu.memory_space<semaphore_mem>>) src(%arg8 : memref<128x128xf32, #tpu.memory_space<vmem>>) dst(%dma_wait3A_445 : memref<8192x128xf32, #tpu.memory_space<vmem_shared>>)
      tpu.yield
    }) : () -> ()
    %run_scoped3A_222 = arith.constant 8 : i32
    "tpu.region"() ({
      %run_scoped3A_433 = tpu.sem_alloc : memref<!tpu.dma_semaphore, #tpu.memory_space<semaphore_mem>>
      %dma_start3A_434 = arith.constant 0 : i32
      %dma_start3A_435 = tpu.memref_slice %arg6[%run_scoped3A_222, %dma_start3A_434] : memref<12x128xi32, #tpu.memory_space<vmem>> -> memref<1x128xi32, #tpu.memory_space<vmem>>
      %dma_start3A_436 = tpu.memref_squeeze %dma_start3A_435 : memref<1x128xi32, #tpu.memory_space<vmem>> -> memref<128xi32, #tpu.memory_space<vmem>>
      %dma_start3A_437 = arith.constant 0 : i32
      %dma_start3A_438 = arith.constant 0 : i32
      %dma_start3A_439 = tpu.memref_slice %arg11[%dma_start3A_437, %dma_start3A_438] : memref<8192x128xf32, #tpu.memory_space<vmem_shared>> -> memref<8192x128xf32, #tpu.memory_space<vmem_shared>>
      tpu.enqueue_indirect_dma source(%arg8 : memref<128x128xf32, #tpu.memory_space<vmem>>) target(%dma_start3A_439 : memref<8192x128xf32, #tpu.memory_space<vmem_shared>>) offsets(%dma_start3A_436 : memref<128xi32, #tpu.memory_space<vmem>>) semaphore(%run_scoped3A_433 : memref<!tpu.dma_semaphore, #tpu.memory_space<semaphore_mem>>) {add = true}
      %dma_wait3A_440 = arith.constant 0 : i32
      %dma_wait3A_441 = tpu.memref_slice %arg6[%run_scoped3A_222, %dma_wait3A_440] : memref<12x128xi32, #tpu.memory_space<vmem>> -> memref<1x128xi32, #tpu.memory_space<vmem>>
      %dma_wait3A_442 = tpu.memref_squeeze %dma_wait3A_441 : memref<1x128xi32, #tpu.memory_space<vmem>> -> memref<128xi32, #tpu.memory_space<vmem>>
      %dma_wait3A_443 = arith.constant 0 : i32
      %dma_wait3A_444 = arith.constant 0 : i32
      %dma_wait3A_445 = tpu.memref_slice %arg11[%dma_wait3A_443, %dma_wait3A_444] : memref<8192x128xf32, #tpu.memory_space<vmem_shared>> -> memref<8192x128xf32, #tpu.memory_space<vmem_shared>>
      tpu.wait_indirect_dma semaphore(%run_scoped3A_433 : memref<!tpu.dma_semaphore, #tpu.memory_space<semaphore_mem>>) src(%arg8 : memref<128x128xf32, #tpu.memory_space<vmem>>) dst(%dma_wait3A_445 : memref<8192x128xf32, #tpu.memory_space<vmem_shared>>)
      tpu.yield
    }) : () -> ()
    %run_scoped3A_223 = arith.constant 9 : i32
    "tpu.region"() ({
      %run_scoped3A_433 = tpu.sem_alloc : memref<!tpu.dma_semaphore, #tpu.memory_space<semaphore_mem>>
      %dma_start3A_434 = arith.constant 0 : i32
      %dma_start3A_435 = tpu.memref_slice %arg6[%run_scoped3A_223, %dma_start3A_434] : memref<12x128xi32, #tpu.memory_space<vmem>> -> memref<1x128xi32, #tpu.memory_space<vmem>>
      %dma_start3A_436 = tpu.memref_squeeze %dma_start3A_435 : memref<1x128xi32, #tpu.memory_space<vmem>> -> memref<128xi32, #tpu.memory_space<vmem>>
      %dma_start3A_437 = arith.constant 0 : i32
      %dma_start3A_438 = arith.constant 0 : i32
      %dma_start3A_439 = tpu.memref_slice %arg11[%dma_start3A_437, %dma_start3A_438] : memref<8192x128xf32, #tpu.memory_space<vmem_shared>> -> memref<8192x128xf32, #tpu.memory_space<vmem_shared>>
      tpu.enqueue_indirect_dma source(%arg8 : memref<128x128xf32, #tpu.memory_space<vmem>>) target(%dma_start3A_439 : memref<8192x128xf32, #tpu.memory_space<vmem_shared>>) offsets(%dma_start3A_436 : memref<128xi32, #tpu.memory_space<vmem>>) semaphore(%run_scoped3A_433 : memref<!tpu.dma_semaphore, #tpu.memory_space<semaphore_mem>>) {add = true}
      %dma_wait3A_440 = arith.constant 0 : i32
      %dma_wait3A_441 = tpu.memref_slice %arg6[%run_scoped3A_223, %dma_wait3A_440] : memref<12x128xi32, #tpu.memory_space<vmem>> -> memref<1x128xi32, #tpu.memory_space<vmem>>
      %dma_wait3A_442 = tpu.memref_squeeze %dma_wait3A_441 : memref<1x128xi32, #tpu.memory_space<vmem>> -> memref<128xi32, #tpu.memory_space<vmem>>
      %dma_wait3A_443 = arith.constant 0 : i32
      %dma_wait3A_444 = arith.constant 0 : i32
      %dma_wait3A_445 = tpu.memref_slice %arg11[%dma_wait3A_443, %dma_wait3A_444] : memref<8192x128xf32, #tpu.memory_space<vmem_shared>> -> memref<8192x128xf32, #tpu.memory_space<vmem_shared>>
      tpu.wait_indirect_dma semaphore(%run_scoped3A_433 : memref<!tpu.dma_semaphore, #tpu.memory_space<semaphore_mem>>) src(%arg8 : memref<128x128xf32, #tpu.memory_space<vmem>>) dst(%dma_wait3A_445 : memref<8192x128xf32, #tpu.memory_space<vmem_shared>>)
      tpu.yield
    }) : () -> ()
    %run_scoped3A_224 = arith.constant 10 : i32
    "tpu.region"() ({
      %run_scoped3A_433 = tpu.sem_alloc : memref<!tpu.dma_semaphore, #tpu.memory_space<semaphore_mem>>
      %dma_start3A_434 = arith.constant 0 : i32
      %dma_start3A_435 = tpu.memref_slice %arg6[%run_scoped3A_224, %dma_start3A_434] : memref<12x128xi32, #tpu.memory_space<vmem>> -> memref<1x128xi32, #tpu.memory_space<vmem>>
      %dma_start3A_436 = tpu.memref_squeeze %dma_start3A_435 : memref<1x128xi32, #tpu.memory_space<vmem>> -> memref<128xi32, #tpu.memory_space<vmem>>
      %dma_start3A_437 = arith.constant 0 : i32
      %dma_start3A_438 = arith.constant 0 : i32
      %dma_start3A_439 = tpu.memref_slice %arg11[%dma_start3A_437, %dma_start3A_438] : memref<8192x128xf32, #tpu.memory_space<vmem_shared>> -> memref<8192x128xf32, #tpu.memory_space<vmem_shared>>
      tpu.enqueue_indirect_dma source(%arg8 : memref<128x128xf32, #tpu.memory_space<vmem>>) target(%dma_start3A_439 : memref<8192x128xf32, #tpu.memory_space<vmem_shared>>) offsets(%dma_start3A_436 : memref<128xi32, #tpu.memory_space<vmem>>) semaphore(%run_scoped3A_433 : memref<!tpu.dma_semaphore, #tpu.memory_space<semaphore_mem>>) {add = true}
      %dma_wait3A_440 = arith.constant 0 : i32
      %dma_wait3A_441 = tpu.memref_slice %arg6[%run_scoped3A_224, %dma_wait3A_440] : memref<12x128xi32, #tpu.memory_space<vmem>> -> memref<1x128xi32, #tpu.memory_space<vmem>>
      %dma_wait3A_442 = tpu.memref_squeeze %dma_wait3A_441 : memref<1x128xi32, #tpu.memory_space<vmem>> -> memref<128xi32, #tpu.memory_space<vmem>>
      %dma_wait3A_443 = arith.constant 0 : i32
      %dma_wait3A_444 = arith.constant 0 : i32
      %dma_wait3A_445 = tpu.memref_slice %arg11[%dma_wait3A_443, %dma_wait3A_444] : memref<8192x128xf32, #tpu.memory_space<vmem_shared>> -> memref<8192x128xf32, #tpu.memory_space<vmem_shared>>
      tpu.wait_indirect_dma semaphore(%run_scoped3A_433 : memref<!tpu.dma_semaphore, #tpu.memory_space<semaphore_mem>>) src(%arg8 : memref<128x128xf32, #tpu.memory_space<vmem>>) dst(%dma_wait3A_445 : memref<8192x128xf32, #tpu.memory_space<vmem_shared>>)
      tpu.yield
    }) : () -> ()
    %run_scoped3A_225 = arith.constant 11 : i32
    "tpu.region"() ({
      %run_scoped3A_433 = tpu.sem_alloc : memref<!tpu.dma_semaphore, #tpu.memory_space<semaphore_mem>>
      %dma_start3A_434 = arith.constant 0 : i32
      %dma_start3A_435 = tpu.memref_slice %arg6[%run_scoped3A_225, %dma_start3A_434] : memref<12x128xi32, #tpu.memory_space<vmem>> -> memref<1x128xi32, #tpu.memory_space<vmem>>
      %dma_start3A_436 = tpu.memref_squeeze %dma_start3A_435 : memref<1x128xi32, #tpu.memory_space<vmem>> -> memref<128xi32, #tpu.memory_space<vmem>>
      %dma_start3A_437 = arith.constant 0 : i32
      %dma_start3A_438 = arith.constant 0 : i32
      %dma_start3A_439 = tpu.memref_slice %arg11[%dma_start3A_437, %dma_start3A_438] : memref<8192x128xf32, #tpu.memory_space<vmem_shared>> -> memref<8192x128xf32, #tpu.memory_space<vmem_shared>>
      tpu.enqueue_indirect_dma source(%arg8 : memref<128x128xf32, #tpu.memory_space<vmem>>) target(%dma_start3A_439 : memref<8192x128xf32, #tpu.memory_space<vmem_shared>>) offsets(%dma_start3A_436 : memref<128xi32, #tpu.memory_space<vmem>>) semaphore(%run_scoped3A_433 : memref<!tpu.dma_semaphore, #tpu.memory_space<semaphore_mem>>) {add = true}
      %dma_wait3A_440 = arith.constant 0 : i32
      %dma_wait3A_441 = tpu.memref_slice %arg6[%run_scoped3A_225, %dma_wait3A_440] : memref<12x128xi32, #tpu.memory_space<vmem>> -> memref<1x128xi32, #tpu.memory_space<vmem>>
      %dma_wait3A_442 = tpu.memref_squeeze %dma_wait3A_441 : memref<1x128xi32, #tpu.memory_space<vmem>> -> memref<128xi32, #tpu.memory_space<vmem>>
      %dma_wait3A_443 = arith.constant 0 : i32
      %dma_wait3A_444 = arith.constant 0 : i32
      %dma_wait3A_445 = tpu.memref_slice %arg11[%dma_wait3A_443, %dma_wait3A_444] : memref<8192x128xf32, #tpu.memory_space<vmem_shared>> -> memref<8192x128xf32, #tpu.memory_space<vmem_shared>>
      tpu.wait_indirect_dma semaphore(%run_scoped3A_433 : memref<!tpu.dma_semaphore, #tpu.memory_space<semaphore_mem>>) src(%arg8 : memref<128x128xf32, #tpu.memory_space<vmem>>) dst(%dma_wait3A_445 : memref<8192x128xf32, #tpu.memory_space<vmem_shared>>)
      tpu.yield
    }) : () -> ()
    %barrier3A_226 = arith.constant 0 : index
    tpu.barrier barrier_id(%barrier3A_226)
    %mul3A_227 = arith.constant 512 : i32
    %mul3A_228 = arith.muli %add3A, %mul3A_227 : i32
    %add3A_229 = arith.constant 0 : i32
    %add3A_230 = arith.addi %mul3A_228, %add3A_229 : i32
    "tpu.region"() ({
      %run_scoped3A_433 = tpu.sem_alloc : memref<!tpu.dma_semaphore, #tpu.memory_space<semaphore_mem>>
      %dma_start3A_434 = arith.constant 0 : i32
      %dma_start3A_435 = tpu.memref_slice %arg11[%add3A_230, %dma_start3A_434] : memref<8192x128xf32, #tpu.memory_space<vmem_shared>> -> memref<128x128xf32, #tpu.memory_space<vmem_shared>>
      %dma_start3A_436 = arith.constant 0 : i32
      %dma_start3A_437 = tpu.memref_slice %arg11[%add3A_230, %dma_start3A_436] : memref<8192x128xf32, #tpu.memory_space<vmem_shared>> -> memref<128x128xf32, #tpu.memory_space<vmem_shared>>
      tpu.enqueue_dma source(%dma_start3A_437 : memref<128x128xf32, #tpu.memory_space<vmem_shared>>) target(%arg9 : memref<128x128xf32, #tpu.memory_space<vmem>>) target_semaphore(%run_scoped3A_433 : memref<!tpu.dma_semaphore, #tpu.memory_space<semaphore_mem>>)
      %dma_wait3A_438 = arith.constant 0 : i32
      %dma_wait3A_439 = tpu.memref_slice %arg11[%add3A_230, %dma_wait3A_438] : memref<8192x128xf32, #tpu.memory_space<vmem_shared>> -> memref<128x128xf32, #tpu.memory_space<vmem_shared>>
      %dma_wait3A_440 = arith.constant 0 : i32
      %dma_wait3A_441 = tpu.memref_slice %arg11[%add3A_230, %dma_wait3A_440] : memref<8192x128xf32, #tpu.memory_space<vmem_shared>> -> memref<128x128xf32, #tpu.memory_space<vmem_shared>>
      tpu.wait_dma2 semaphore(%run_scoped3A_433 : memref<!tpu.dma_semaphore, #tpu.memory_space<semaphore_mem>>) src(%dma_wait3A_441 : memref<128x128xf32, #tpu.memory_space<vmem_shared>>) dst(%arg9 : memref<128x128xf32, #tpu.memory_space<vmem>>)
      tpu.yield
    }) : () -> ()
    %add3A_231 = arith.constant 0 : i32
    %add3A_232 = vector.broadcast %add3A_231 : i32 to vector<16xi32>
    %add3A_233 = arith.addi %iota3A, %add3A_232 : vector<16xi32>
    %gather3A = tpu.vector_load_idx %arg9[%add3A_233, %broadcast_in_dim3A_3] : memref<128x128xf32, #tpu.memory_space<vmem>>[vector<16xi32>, vector<16xi32>], vector<16xf32>,
    %swap3A = arith.constant 0 : index
    %swap3A_234 = tpu.vector_load %arg10[%swap3A] {strides = array<i32>} : memref<128xf32, #tpu.memory_space<vmem>>, vector<16xf32>,
    tpu.vector_store %arg10[%swap3A], %gather3A {strides = array<i32>} : memref<128xf32, #tpu.memory_space<vmem>>, vector<16xf32>,
    %add3A_235 = arith.constant 16 : i32
    %add3A_236 = vector.broadcast %add3A_235 : i32 to vector<16xi32>
    %add3A_237 = arith.addi %iota3A, %add3A_236 : vector<16xi32>
    %gather3A_238 = tpu.vector_load_idx %arg9[%add3A_237, %broadcast_in_dim3A_3] : memref<128x128xf32, #tpu.memory_space<vmem>>[vector<16xi32>, vector<16xi32>], vector<16xf32>,
    %swap3A_239 = arith.constant 16 : index
    %swap3A_240 = tpu.vector_load %arg10[%swap3A_239] {strides = array<i32>} : memref<128xf32, #tpu.memory_space<vmem>>, vector<16xf32>,
    tpu.vector_store %arg10[%swap3A_239], %gather3A_238 {strides = array<i32>} : memref<128xf32, #tpu.memory_space<vmem>>, vector<16xf32>,
    %add3A_241 = arith.constant 32 : i32
    %add3A_242 = vector.broadcast %add3A_241 : i32 to vector<16xi32>
    %add3A_243 = arith.addi %iota3A, %add3A_242 : vector<16xi32>
    %gather3A_244 = tpu.vector_load_idx %arg9[%add3A_243, %broadcast_in_dim3A_3] : memref<128x128xf32, #tpu.memory_space<vmem>>[vector<16xi32>, vector<16xi32>], vector<16xf32>,
    %swap3A_245 = arith.constant 32 : index
    %swap3A_246 = tpu.vector_load %arg10[%swap3A_245] {strides = array<i32>} : memref<128xf32, #tpu.memory_space<vmem>>, vector<16xf32>,
    tpu.vector_store %arg10[%swap3A_245], %gather3A_244 {strides = array<i32>} : memref<128xf32, #tpu.memory_space<vmem>>, vector<16xf32>,
    %add3A_247 = arith.constant 48 : i32
    %add3A_248 = vector.broadcast %add3A_247 : i32 to vector<16xi32>
    %add3A_249 = arith.addi %iota3A, %add3A_248 : vector<16xi32>
    %gather3A_250 = tpu.vector_load_idx %arg9[%add3A_249, %broadcast_in_dim3A_3] : memref<128x128xf32, #tpu.memory_space<vmem>>[vector<16xi32>, vector<16xi32>], vector<16xf32>,
    %swap3A_251 = arith.constant 48 : index
    %swap3A_252 = tpu.vector_load %arg10[%swap3A_251] {strides = array<i32>} : memref<128xf32, #tpu.memory_space<vmem>>, vector<16xf32>,
    tpu.vector_store %arg10[%swap3A_251], %gather3A_250 {strides = array<i32>} : memref<128xf32, #tpu.memory_space<vmem>>, vector<16xf32>,
    %add3A_253 = arith.constant 64 : i32
    %add3A_254 = vector.broadcast %add3A_253 : i32 to vector<16xi32>
    %add3A_255 = arith.addi %iota3A, %add3A_254 : vector<16xi32>
    %gather3A_256 = tpu.vector_load_idx %arg9[%add3A_255, %broadcast_in_dim3A_3] : memref<128x128xf32, #tpu.memory_space<vmem>>[vector<16xi32>, vector<16xi32>], vector<16xf32>,
    %swap3A_257 = arith.constant 64 : index
    %swap3A_258 = tpu.vector_load %arg10[%swap3A_257] {strides = array<i32>} : memref<128xf32, #tpu.memory_space<vmem>>, vector<16xf32>,
    tpu.vector_store %arg10[%swap3A_257], %gather3A_256 {strides = array<i32>} : memref<128xf32, #tpu.memory_space<vmem>>, vector<16xf32>,
    %add3A_259 = arith.constant 80 : i32
    %add3A_260 = vector.broadcast %add3A_259 : i32 to vector<16xi32>
    %add3A_261 = arith.addi %iota3A, %add3A_260 : vector<16xi32>
    %gather3A_262 = tpu.vector_load_idx %arg9[%add3A_261, %broadcast_in_dim3A_3] : memref<128x128xf32, #tpu.memory_space<vmem>>[vector<16xi32>, vector<16xi32>], vector<16xf32>,
    %swap3A_263 = arith.constant 80 : index
    %swap3A_264 = tpu.vector_load %arg10[%swap3A_263] {strides = array<i32>} : memref<128xf32, #tpu.memory_space<vmem>>, vector<16xf32>,
    tpu.vector_store %arg10[%swap3A_263], %gather3A_262 {strides = array<i32>} : memref<128xf32, #tpu.memory_space<vmem>>, vector<16xf32>,
    %add3A_265 = arith.constant 96 : i32
    %add3A_266 = vector.broadcast %add3A_265 : i32 to vector<16xi32>
    %add3A_267 = arith.addi %iota3A, %add3A_266 : vector<16xi32>
    %gather3A_268 = tpu.vector_load_idx %arg9[%add3A_267, %broadcast_in_dim3A_3] : memref<128x128xf32, #tpu.memory_space<vmem>>[vector<16xi32>, vector<16xi32>], vector<16xf32>,
    %swap3A_269 = arith.constant 96 : index
    %swap3A_270 = tpu.vector_load %arg10[%swap3A_269] {strides = array<i32>} : memref<128xf32, #tpu.memory_space<vmem>>, vector<16xf32>,
    tpu.vector_store %arg10[%swap3A_269], %gather3A_268 {strides = array<i32>} : memref<128xf32, #tpu.memory_space<vmem>>, vector<16xf32>,
    %add3A_271 = arith.constant 112 : i32
    %add3A_272 = vector.broadcast %add3A_271 : i32 to vector<16xi32>
    %add3A_273 = arith.addi %iota3A, %add3A_272 : vector<16xi32>
    %gather3A_274 = tpu.vector_load_idx %arg9[%add3A_273, %broadcast_in_dim3A_3] : memref<128x128xf32, #tpu.memory_space<vmem>>[vector<16xi32>, vector<16xi32>], vector<16xf32>,
    %swap3A_275 = arith.constant 112 : index
    %swap3A_276 = tpu.vector_load %arg10[%swap3A_275] {strides = array<i32>} : memref<128xf32, #tpu.memory_space<vmem>>, vector<16xf32>,
    tpu.vector_store %arg10[%swap3A_275], %gather3A_274 {strides = array<i32>} : memref<128xf32, #tpu.memory_space<vmem>>, vector<16xf32>,
    "tpu.region"() ({
      %run_scoped3A_433 = tpu.sem_alloc : memref<!tpu.dma_semaphore, #tpu.memory_space<semaphore_mem>>
      %dma_start3A_434 = tpu.memref_slice %arg5[%add3A_230] : memref<8192xf32, #tpu.memory_space<hbm>> -> memref<128xf32, #tpu.memory_space<hbm>>
      %dma_start3A_435 = tpu.memref_slice %arg5[%add3A_230] : memref<8192xf32, #tpu.memory_space<hbm>> -> memref<128xf32, #tpu.memory_space<hbm>>
      tpu.enqueue_dma source(%arg10 : memref<128xf32, #tpu.memory_space<vmem>>) target(%dma_start3A_435 : memref<128xf32, #tpu.memory_space<hbm>>) target_semaphore(%run_scoped3A_433 : memref<!tpu.dma_semaphore, #tpu.memory_space<semaphore_mem>>)
      %dma_wait3A_436 = tpu.memref_slice %arg5[%add3A_230] : memref<8192xf32, #tpu.memory_space<hbm>> -> memref<128xf32, #tpu.memory_space<hbm>>
      %dma_wait3A_437 = tpu.memref_slice %arg5[%add3A_230] : memref<8192xf32, #tpu.memory_space<hbm>> -> memref<128xf32, #tpu.memory_space<hbm>>
      tpu.wait_dma2 semaphore(%run_scoped3A_433 : memref<!tpu.dma_semaphore, #tpu.memory_space<semaphore_mem>>) src(%arg10 : memref<128xf32, #tpu.memory_space<vmem>>) dst(%dma_wait3A_437 : memref<128xf32, #tpu.memory_space<hbm>>)
      tpu.yield
    }) : () -> ()
    %mul3A_277 = arith.constant 512 : i32
    %mul3A_278 = arith.muli %add3A, %mul3A_277 : i32
    %add3A_279 = arith.constant 128 : i32
    %add3A_280 = arith.addi %mul3A_278, %add3A_279 : i32
    "tpu.region"() ({
      %run_scoped3A_433 = tpu.sem_alloc : memref<!tpu.dma_semaphore, #tpu.memory_space<semaphore_mem>>
      %dma_start3A_434 = arith.constant 0 : i32
      %dma_start3A_435 = tpu.memref_slice %arg11[%add3A_280, %dma_start3A_434] : memref<8192x128xf32, #tpu.memory_space<vmem_shared>> -> memref<128x128xf32, #tpu.memory_space<vmem_shared>>
      %dma_start3A_436 = arith.constant 0 : i32
      %dma_start3A_437 = tpu.memref_slice %arg11[%add3A_280, %dma_start3A_436] : memref<8192x128xf32, #tpu.memory_space<vmem_shared>> -> memref<128x128xf32, #tpu.memory_space<vmem_shared>>
      tpu.enqueue_dma source(%dma_start3A_437 : memref<128x128xf32, #tpu.memory_space<vmem_shared>>) target(%arg9 : memref<128x128xf32, #tpu.memory_space<vmem>>) target_semaphore(%run_scoped3A_433 : memref<!tpu.dma_semaphore, #tpu.memory_space<semaphore_mem>>)
      %dma_wait3A_438 = arith.constant 0 : i32
      %dma_wait3A_439 = tpu.memref_slice %arg11[%add3A_280, %dma_wait3A_438] : memref<8192x128xf32, #tpu.memory_space<vmem_shared>> -> memref<128x128xf32, #tpu.memory_space<vmem_shared>>
      %dma_wait3A_440 = arith.constant 0 : i32
      %dma_wait3A_441 = tpu.memref_slice %arg11[%add3A_280, %dma_wait3A_440] : memref<8192x128xf32, #tpu.memory_space<vmem_shared>> -> memref<128x128xf32, #tpu.memory_space<vmem_shared>>
      tpu.wait_dma2 semaphore(%run_scoped3A_433 : memref<!tpu.dma_semaphore, #tpu.memory_space<semaphore_mem>>) src(%dma_wait3A_441 : memref<128x128xf32, #tpu.memory_space<vmem_shared>>) dst(%arg9 : memref<128x128xf32, #tpu.memory_space<vmem>>)
      tpu.yield
    }) : () -> ()
    %add3A_281 = arith.constant 0 : i32
    %add3A_282 = vector.broadcast %add3A_281 : i32 to vector<16xi32>
    %add3A_283 = arith.addi %iota3A, %add3A_282 : vector<16xi32>
    %gather3A_284 = tpu.vector_load_idx %arg9[%add3A_283, %broadcast_in_dim3A_3] : memref<128x128xf32, #tpu.memory_space<vmem>>[vector<16xi32>, vector<16xi32>], vector<16xf32>,
    %swap3A_285 = arith.constant 0 : index
    %swap3A_286 = tpu.vector_load %arg10[%swap3A_285] {strides = array<i32>} : memref<128xf32, #tpu.memory_space<vmem>>, vector<16xf32>,
    tpu.vector_store %arg10[%swap3A_285], %gather3A_284 {strides = array<i32>} : memref<128xf32, #tpu.memory_space<vmem>>, vector<16xf32>,
    %add3A_287 = arith.constant 16 : i32
    %add3A_288 = vector.broadcast %add3A_287 : i32 to vector<16xi32>
    %add3A_289 = arith.addi %iota3A, %add3A_288 : vector<16xi32>
    %gather3A_290 = tpu.vector_load_idx %arg9[%add3A_289, %broadcast_in_dim3A_3] : memref<128x128xf32, #tpu.memory_space<vmem>>[vector<16xi32>, vector<16xi32>], vector<16xf32>,
    %swap3A_291 = arith.constant 16 : index
    %swap3A_292 = tpu.vector_load %arg10[%swap3A_291] {strides = array<i32>} : memref<128xf32, #tpu.memory_space<vmem>>, vector<16xf32>,
    tpu.vector_store %arg10[%swap3A_291], %gather3A_290 {strides = array<i32>} : memref<128xf32, #tpu.memory_space<vmem>>, vector<16xf32>,
    %add3A_293 = arith.constant 32 : i32
    %add3A_294 = vector.broadcast %add3A_293 : i32 to vector<16xi32>
    %add3A_295 = arith.addi %iota3A, %add3A_294 : vector<16xi32>
    %gather3A_296 = tpu.vector_load_idx %arg9[%add3A_295, %broadcast_in_dim3A_3] : memref<128x128xf32, #tpu.memory_space<vmem>>[vector<16xi32>, vector<16xi32>], vector<16xf32>,
    %swap3A_297 = arith.constant 32 : index
    %swap3A_298 = tpu.vector_load %arg10[%swap3A_297] {strides = array<i32>} : memref<128xf32, #tpu.memory_space<vmem>>, vector<16xf32>,
    tpu.vector_store %arg10[%swap3A_297], %gather3A_296 {strides = array<i32>} : memref<128xf32, #tpu.memory_space<vmem>>, vector<16xf32>,
    %add3A_299 = arith.constant 48 : i32
    %add3A_300 = vector.broadcast %add3A_299 : i32 to vector<16xi32>
    %add3A_301 = arith.addi %iota3A, %add3A_300 : vector<16xi32>
    %gather3A_302 = tpu.vector_load_idx %arg9[%add3A_301, %broadcast_in_dim3A_3] : memref<128x128xf32, #tpu.memory_space<vmem>>[vector<16xi32>, vector<16xi32>], vector<16xf32>,
    %swap3A_303 = arith.constant 48 : index
    %swap3A_304 = tpu.vector_load %arg10[%swap3A_303] {strides = array<i32>} : memref<128xf32, #tpu.memory_space<vmem>>, vector<16xf32>,
    tpu.vector_store %arg10[%swap3A_303], %gather3A_302 {strides = array<i32>} : memref<128xf32, #tpu.memory_space<vmem>>, vector<16xf32>,
    %add3A_305 = arith.constant 64 : i32
    %add3A_306 = vector.broadcast %add3A_305 : i32 to vector<16xi32>
    %add3A_307 = arith.addi %iota3A, %add3A_306 : vector<16xi32>
    %gather3A_308 = tpu.vector_load_idx %arg9[%add3A_307, %broadcast_in_dim3A_3] : memref<128x128xf32, #tpu.memory_space<vmem>>[vector<16xi32>, vector<16xi32>], vector<16xf32>,
    %swap3A_309 = arith.constant 64 : index
    %swap3A_310 = tpu.vector_load %arg10[%swap3A_309] {strides = array<i32>} : memref<128xf32, #tpu.memory_space<vmem>>, vector<16xf32>,
    tpu.vector_store %arg10[%swap3A_309], %gather3A_308 {strides = array<i32>} : memref<128xf32, #tpu.memory_space<vmem>>, vector<16xf32>,
    %add3A_311 = arith.constant 80 : i32
    %add3A_312 = vector.broadcast %add3A_311 : i32 to vector<16xi32>
    %add3A_313 = arith.addi %iota3A, %add3A_312 : vector<16xi32>
    %gather3A_314 = tpu.vector_load_idx %arg9[%add3A_313, %broadcast_in_dim3A_3] : memref<128x128xf32, #tpu.memory_space<vmem>>[vector<16xi32>, vector<16xi32>], vector<16xf32>,
    %swap3A_315 = arith.constant 80 : index
    %swap3A_316 = tpu.vector_load %arg10[%swap3A_315] {strides = array<i32>} : memref<128xf32, #tpu.memory_space<vmem>>, vector<16xf32>,
    tpu.vector_store %arg10[%swap3A_315], %gather3A_314 {strides = array<i32>} : memref<128xf32, #tpu.memory_space<vmem>>, vector<16xf32>,
    %add3A_317 = arith.constant 96 : i32
    %add3A_318 = vector.broadcast %add3A_317 : i32 to vector<16xi32>
    %add3A_319 = arith.addi %iota3A, %add3A_318 : vector<16xi32>
    %gather3A_320 = tpu.vector_load_idx %arg9[%add3A_319, %broadcast_in_dim3A_3] : memref<128x128xf32, #tpu.memory_space<vmem>>[vector<16xi32>, vector<16xi32>], vector<16xf32>,
    %swap3A_321 = arith.constant 96 : index
    %swap3A_322 = tpu.vector_load %arg10[%swap3A_321] {strides = array<i32>} : memref<128xf32, #tpu.memory_space<vmem>>, vector<16xf32>,
    tpu.vector_store %arg10[%swap3A_321], %gather3A_320 {strides = array<i32>} : memref<128xf32, #tpu.memory_space<vmem>>, vector<16xf32>,
    %add3A_323 = arith.constant 112 : i32
    %add3A_324 = vector.broadcast %add3A_323 : i32 to vector<16xi32>
    %add3A_325 = arith.addi %iota3A, %add3A_324 : vector<16xi32>
    %gather3A_326 = tpu.vector_load_idx %arg9[%add3A_325, %broadcast_in_dim3A_3] : memref<128x128xf32, #tpu.memory_space<vmem>>[vector<16xi32>, vector<16xi32>], vector<16xf32>,
    %swap3A_327 = arith.constant 112 : index
    %swap3A_328 = tpu.vector_load %arg10[%swap3A_327] {strides = array<i32>} : memref<128xf32, #tpu.memory_space<vmem>>, vector<16xf32>,
    tpu.vector_store %arg10[%swap3A_327], %gather3A_326 {strides = array<i32>} : memref<128xf32, #tpu.memory_space<vmem>>, vector<16xf32>,
    "tpu.region"() ({
      %run_scoped3A_433 = tpu.sem_alloc : memref<!tpu.dma_semaphore, #tpu.memory_space<semaphore_mem>>
      %dma_start3A_434 = tpu.memref_slice %arg5[%add3A_280] : memref<8192xf32, #tpu.memory_space<hbm>> -> memref<128xf32, #tpu.memory_space<hbm>>
      %dma_start3A_435 = tpu.memref_slice %arg5[%add3A_280] : memref<8192xf32, #tpu.memory_space<hbm>> -> memref<128xf32, #tpu.memory_space<hbm>>
      tpu.enqueue_dma source(%arg10 : memref<128xf32, #tpu.memory_space<vmem>>) target(%dma_start3A_435 : memref<128xf32, #tpu.memory_space<hbm>>) target_semaphore(%run_scoped3A_433 : memref<!tpu.dma_semaphore, #tpu.memory_space<semaphore_mem>>)
      %dma_wait3A_436 = tpu.memref_slice %arg5[%add3A_280] : memref<8192xf32, #tpu.memory_space<hbm>> -> memref<128xf32, #tpu.memory_space<hbm>>
      %dma_wait3A_437 = tpu.memref_slice %arg5[%add3A_280] : memref<8192xf32, #tpu.memory_space<hbm>> -> memref<128xf32, #tpu.memory_space<hbm>>
      tpu.wait_dma2 semaphore(%run_scoped3A_433 : memref<!tpu.dma_semaphore, #tpu.memory_space<semaphore_mem>>) src(%arg10 : memref<128xf32, #tpu.memory_space<vmem>>) dst(%dma_wait3A_437 : memref<128xf32, #tpu.memory_space<hbm>>)
      tpu.yield
    }) : () -> ()
    %mul3A_329 = arith.constant 512 : i32
    %mul3A_330 = arith.muli %add3A, %mul3A_329 : i32
    %add3A_331 = arith.constant 256 : i32
    %add3A_332 = arith.addi %mul3A_330, %add3A_331 : i32
    "tpu.region"() ({
      %run_scoped3A_433 = tpu.sem_alloc : memref<!tpu.dma_semaphore, #tpu.memory_space<semaphore_mem>>
      %dma_start3A_434 = arith.constant 0 : i32
      %dma_start3A_435 = tpu.memref_slice %arg11[%add3A_332, %dma_start3A_434] : memref<8192x128xf32, #tpu.memory_space<vmem_shared>> -> memref<128x128xf32, #tpu.memory_space<vmem_shared>>
      %dma_start3A_436 = arith.constant 0 : i32
      %dma_start3A_437 = tpu.memref_slice %arg11[%add3A_332, %dma_start3A_436] : memref<8192x128xf32, #tpu.memory_space<vmem_shared>> -> memref<128x128xf32, #tpu.memory_space<vmem_shared>>
      tpu.enqueue_dma source(%dma_start3A_437 : memref<128x128xf32, #tpu.memory_space<vmem_shared>>) target(%arg9 : memref<128x128xf32, #tpu.memory_space<vmem>>) target_semaphore(%run_scoped3A_433 : memref<!tpu.dma_semaphore, #tpu.memory_space<semaphore_mem>>)
      %dma_wait3A_438 = arith.constant 0 : i32
      %dma_wait3A_439 = tpu.memref_slice %arg11[%add3A_332, %dma_wait3A_438] : memref<8192x128xf32, #tpu.memory_space<vmem_shared>> -> memref<128x128xf32, #tpu.memory_space<vmem_shared>>
      %dma_wait3A_440 = arith.constant 0 : i32
      %dma_wait3A_441 = tpu.memref_slice %arg11[%add3A_332, %dma_wait3A_440] : memref<8192x128xf32, #tpu.memory_space<vmem_shared>> -> memref<128x128xf32, #tpu.memory_space<vmem_shared>>
      tpu.wait_dma2 semaphore(%run_scoped3A_433 : memref<!tpu.dma_semaphore, #tpu.memory_space<semaphore_mem>>) src(%dma_wait3A_441 : memref<128x128xf32, #tpu.memory_space<vmem_shared>>) dst(%arg9 : memref<128x128xf32, #tpu.memory_space<vmem>>)
      tpu.yield
    }) : () -> ()
    %add3A_333 = arith.constant 0 : i32
    %add3A_334 = vector.broadcast %add3A_333 : i32 to vector<16xi32>
    %add3A_335 = arith.addi %iota3A, %add3A_334 : vector<16xi32>
    %gather3A_336 = tpu.vector_load_idx %arg9[%add3A_335, %broadcast_in_dim3A_3] : memref<128x128xf32, #tpu.memory_space<vmem>>[vector<16xi32>, vector<16xi32>], vector<16xf32>,
    %swap3A_337 = arith.constant 0 : index
    %swap3A_338 = tpu.vector_load %arg10[%swap3A_337] {strides = array<i32>} : memref<128xf32, #tpu.memory_space<vmem>>, vector<16xf32>,
    tpu.vector_store %arg10[%swap3A_337], %gather3A_336 {strides = array<i32>} : memref<128xf32, #tpu.memory_space<vmem>>, vector<16xf32>,
    %add3A_339 = arith.constant 16 : i32
    %add3A_340 = vector.broadcast %add3A_339 : i32 to vector<16xi32>
    %add3A_341 = arith.addi %iota3A, %add3A_340 : vector<16xi32>
    %gather3A_342 = tpu.vector_load_idx %arg9[%add3A_341, %broadcast_in_dim3A_3] : memref<128x128xf32, #tpu.memory_space<vmem>>[vector<16xi32>, vector<16xi32>], vector<16xf32>,
    %swap3A_343 = arith.constant 16 : index
    %swap3A_344 = tpu.vector_load %arg10[%swap3A_343] {strides = array<i32>} : memref<128xf32, #tpu.memory_space<vmem>>, vector<16xf32>,
    tpu.vector_store %arg10[%swap3A_343], %gather3A_342 {strides = array<i32>} : memref<128xf32, #tpu.memory_space<vmem>>, vector<16xf32>,
    %add3A_345 = arith.constant 32 : i32
    %add3A_346 = vector.broadcast %add3A_345 : i32 to vector<16xi32>
    %add3A_347 = arith.addi %iota3A, %add3A_346 : vector<16xi32>
    %gather3A_348 = tpu.vector_load_idx %arg9[%add3A_347, %broadcast_in_dim3A_3] : memref<128x128xf32, #tpu.memory_space<vmem>>[vector<16xi32>, vector<16xi32>], vector<16xf32>,
    %swap3A_349 = arith.constant 32 : index
    %swap3A_350 = tpu.vector_load %arg10[%swap3A_349] {strides = array<i32>} : memref<128xf32, #tpu.memory_space<vmem>>, vector<16xf32>,
    tpu.vector_store %arg10[%swap3A_349], %gather3A_348 {strides = array<i32>} : memref<128xf32, #tpu.memory_space<vmem>>, vector<16xf32>,
    %add3A_351 = arith.constant 48 : i32
    %add3A_352 = vector.broadcast %add3A_351 : i32 to vector<16xi32>
    %add3A_353 = arith.addi %iota3A, %add3A_352 : vector<16xi32>
    %gather3A_354 = tpu.vector_load_idx %arg9[%add3A_353, %broadcast_in_dim3A_3] : memref<128x128xf32, #tpu.memory_space<vmem>>[vector<16xi32>, vector<16xi32>], vector<16xf32>,
    %swap3A_355 = arith.constant 48 : index
    %swap3A_356 = tpu.vector_load %arg10[%swap3A_355] {strides = array<i32>} : memref<128xf32, #tpu.memory_space<vmem>>, vector<16xf32>,
    tpu.vector_store %arg10[%swap3A_355], %gather3A_354 {strides = array<i32>} : memref<128xf32, #tpu.memory_space<vmem>>, vector<16xf32>,
    %add3A_357 = arith.constant 64 : i32
    %add3A_358 = vector.broadcast %add3A_357 : i32 to vector<16xi32>
    %add3A_359 = arith.addi %iota3A, %add3A_358 : vector<16xi32>
    %gather3A_360 = tpu.vector_load_idx %arg9[%add3A_359, %broadcast_in_dim3A_3] : memref<128x128xf32, #tpu.memory_space<vmem>>[vector<16xi32>, vector<16xi32>], vector<16xf32>,
    %swap3A_361 = arith.constant 64 : index
    %swap3A_362 = tpu.vector_load %arg10[%swap3A_361] {strides = array<i32>} : memref<128xf32, #tpu.memory_space<vmem>>, vector<16xf32>,
    tpu.vector_store %arg10[%swap3A_361], %gather3A_360 {strides = array<i32>} : memref<128xf32, #tpu.memory_space<vmem>>, vector<16xf32>,
    %add3A_363 = arith.constant 80 : i32
    %add3A_364 = vector.broadcast %add3A_363 : i32 to vector<16xi32>
    %add3A_365 = arith.addi %iota3A, %add3A_364 : vector<16xi32>
    %gather3A_366 = tpu.vector_load_idx %arg9[%add3A_365, %broadcast_in_dim3A_3] : memref<128x128xf32, #tpu.memory_space<vmem>>[vector<16xi32>, vector<16xi32>], vector<16xf32>,
    %swap3A_367 = arith.constant 80 : index
    %swap3A_368 = tpu.vector_load %arg10[%swap3A_367] {strides = array<i32>} : memref<128xf32, #tpu.memory_space<vmem>>, vector<16xf32>,
    tpu.vector_store %arg10[%swap3A_367], %gather3A_366 {strides = array<i32>} : memref<128xf32, #tpu.memory_space<vmem>>, vector<16xf32>,
    %add3A_369 = arith.constant 96 : i32
    %add3A_370 = vector.broadcast %add3A_369 : i32 to vector<16xi32>
    %add3A_371 = arith.addi %iota3A, %add3A_370 : vector<16xi32>
    %gather3A_372 = tpu.vector_load_idx %arg9[%add3A_371, %broadcast_in_dim3A_3] : memref<128x128xf32, #tpu.memory_space<vmem>>[vector<16xi32>, vector<16xi32>], vector<16xf32>,
    %swap3A_373 = arith.constant 96 : index
    %swap3A_374 = tpu.vector_load %arg10[%swap3A_373] {strides = array<i32>} : memref<128xf32, #tpu.memory_space<vmem>>, vector<16xf32>,
    tpu.vector_store %arg10[%swap3A_373], %gather3A_372 {strides = array<i32>} : memref<128xf32, #tpu.memory_space<vmem>>, vector<16xf32>,
    %add3A_375 = arith.constant 112 : i32
    %add3A_376 = vector.broadcast %add3A_375 : i32 to vector<16xi32>
    %add3A_377 = arith.addi %iota3A, %add3A_376 : vector<16xi32>
    %gather3A_378 = tpu.vector_load_idx %arg9[%add3A_377, %broadcast_in_dim3A_3] : memref<128x128xf32, #tpu.memory_space<vmem>>[vector<16xi32>, vector<16xi32>], vector<16xf32>,
    %swap3A_379 = arith.constant 112 : index
    %swap3A_380 = tpu.vector_load %arg10[%swap3A_379] {strides = array<i32>} : memref<128xf32, #tpu.memory_space<vmem>>, vector<16xf32>,
    tpu.vector_store %arg10[%swap3A_379], %gather3A_378 {strides = array<i32>} : memref<128xf32, #tpu.memory_space<vmem>>, vector<16xf32>,
    "tpu.region"() ({
      %run_scoped3A_433 = tpu.sem_alloc : memref<!tpu.dma_semaphore, #tpu.memory_space<semaphore_mem>>
      %dma_start3A_434 = tpu.memref_slice %arg5[%add3A_332] : memref<8192xf32, #tpu.memory_space<hbm>> -> memref<128xf32, #tpu.memory_space<hbm>>
      %dma_start3A_435 = tpu.memref_slice %arg5[%add3A_332] : memref<8192xf32, #tpu.memory_space<hbm>> -> memref<128xf32, #tpu.memory_space<hbm>>
      tpu.enqueue_dma source(%arg10 : memref<128xf32, #tpu.memory_space<vmem>>) target(%dma_start3A_435 : memref<128xf32, #tpu.memory_space<hbm>>) target_semaphore(%run_scoped3A_433 : memref<!tpu.dma_semaphore, #tpu.memory_space<semaphore_mem>>)
      %dma_wait3A_436 = tpu.memref_slice %arg5[%add3A_332] : memref<8192xf32, #tpu.memory_space<hbm>> -> memref<128xf32, #tpu.memory_space<hbm>>
      %dma_wait3A_437 = tpu.memref_slice %arg5[%add3A_332] : memref<8192xf32, #tpu.memory_space<hbm>> -> memref<128xf32, #tpu.memory_space<hbm>>
      tpu.wait_dma2 semaphore(%run_scoped3A_433 : memref<!tpu.dma_semaphore, #tpu.memory_space<semaphore_mem>>) src(%arg10 : memref<128xf32, #tpu.memory_space<vmem>>) dst(%dma_wait3A_437 : memref<128xf32, #tpu.memory_space<hbm>>)
      tpu.yield
    }) : () -> ()
    %mul3A_381 = arith.constant 512 : i32
    %mul3A_382 = arith.muli %add3A, %mul3A_381 : i32
    %add3A_383 = arith.constant 384 : i32
    %add3A_384 = arith.addi %mul3A_382, %add3A_383 : i32
    "tpu.region"() ({
      %run_scoped3A_433 = tpu.sem_alloc : memref<!tpu.dma_semaphore, #tpu.memory_space<semaphore_mem>>
      %dma_start3A_434 = arith.constant 0 : i32
      %dma_start3A_435 = tpu.memref_slice %arg11[%add3A_384, %dma_start3A_434] : memref<8192x128xf32, #tpu.memory_space<vmem_shared>> -> memref<128x128xf32, #tpu.memory_space<vmem_shared>>
      %dma_start3A_436 = arith.constant 0 : i32
      %dma_start3A_437 = tpu.memref_slice %arg11[%add3A_384, %dma_start3A_436] : memref<8192x128xf32, #tpu.memory_space<vmem_shared>> -> memref<128x128xf32, #tpu.memory_space<vmem_shared>>
      tpu.enqueue_dma source(%dma_start3A_437 : memref<128x128xf32, #tpu.memory_space<vmem_shared>>) target(%arg9 : memref<128x128xf32, #tpu.memory_space<vmem>>) target_semaphore(%run_scoped3A_433 : memref<!tpu.dma_semaphore, #tpu.memory_space<semaphore_mem>>)
      %dma_wait3A_438 = arith.constant 0 : i32
      %dma_wait3A_439 = tpu.memref_slice %arg11[%add3A_384, %dma_wait3A_438] : memref<8192x128xf32, #tpu.memory_space<vmem_shared>> -> memref<128x128xf32, #tpu.memory_space<vmem_shared>>
      %dma_wait3A_440 = arith.constant 0 : i32
      %dma_wait3A_441 = tpu.memref_slice %arg11[%add3A_384, %dma_wait3A_440] : memref<8192x128xf32, #tpu.memory_space<vmem_shared>> -> memref<128x128xf32, #tpu.memory_space<vmem_shared>>
      tpu.wait_dma2 semaphore(%run_scoped3A_433 : memref<!tpu.dma_semaphore, #tpu.memory_space<semaphore_mem>>) src(%dma_wait3A_441 : memref<128x128xf32, #tpu.memory_space<vmem_shared>>) dst(%arg9 : memref<128x128xf32, #tpu.memory_space<vmem>>)
      tpu.yield
    }) : () -> ()
    %add3A_385 = arith.constant 0 : i32
    %add3A_386 = vector.broadcast %add3A_385 : i32 to vector<16xi32>
    %add3A_387 = arith.addi %iota3A, %add3A_386 : vector<16xi32>
    %gather3A_388 = tpu.vector_load_idx %arg9[%add3A_387, %broadcast_in_dim3A_3] : memref<128x128xf32, #tpu.memory_space<vmem>>[vector<16xi32>, vector<16xi32>], vector<16xf32>,
    %swap3A_389 = arith.constant 0 : index
    %swap3A_390 = tpu.vector_load %arg10[%swap3A_389] {strides = array<i32>} : memref<128xf32, #tpu.memory_space<vmem>>, vector<16xf32>,
    tpu.vector_store %arg10[%swap3A_389], %gather3A_388 {strides = array<i32>} : memref<128xf32, #tpu.memory_space<vmem>>, vector<16xf32>,
    %add3A_391 = arith.constant 16 : i32
    %add3A_392 = vector.broadcast %add3A_391 : i32 to vector<16xi32>
    %add3A_393 = arith.addi %iota3A, %add3A_392 : vector<16xi32>
    %gather3A_394 = tpu.vector_load_idx %arg9[%add3A_393, %broadcast_in_dim3A_3] : memref<128x128xf32, #tpu.memory_space<vmem>>[vector<16xi32>, vector<16xi32>], vector<16xf32>,
    %swap3A_395 = arith.constant 16 : index
    %swap3A_396 = tpu.vector_load %arg10[%swap3A_395] {strides = array<i32>} : memref<128xf32, #tpu.memory_space<vmem>>, vector<16xf32>,
    tpu.vector_store %arg10[%swap3A_395], %gather3A_394 {strides = array<i32>} : memref<128xf32, #tpu.memory_space<vmem>>, vector<16xf32>,
    %add3A_397 = arith.constant 32 : i32
    %add3A_398 = vector.broadcast %add3A_397 : i32 to vector<16xi32>
    %add3A_399 = arith.addi %iota3A, %add3A_398 : vector<16xi32>
    %gather3A_400 = tpu.vector_load_idx %arg9[%add3A_399, %broadcast_in_dim3A_3] : memref<128x128xf32, #tpu.memory_space<vmem>>[vector<16xi32>, vector<16xi32>], vector<16xf32>,
    %swap3A_401 = arith.constant 32 : index
    %swap3A_402 = tpu.vector_load %arg10[%swap3A_401] {strides = array<i32>} : memref<128xf32, #tpu.memory_space<vmem>>, vector<16xf32>,
    tpu.vector_store %arg10[%swap3A_401], %gather3A_400 {strides = array<i32>} : memref<128xf32, #tpu.memory_space<vmem>>, vector<16xf32>,
    %add3A_403 = arith.constant 48 : i32
    %add3A_404 = vector.broadcast %add3A_403 : i32 to vector<16xi32>
    %add3A_405 = arith.addi %iota3A, %add3A_404 : vector<16xi32>
    %gather3A_406 = tpu.vector_load_idx %arg9[%add3A_405, %broadcast_in_dim3A_3] : memref<128x128xf32, #tpu.memory_space<vmem>>[vector<16xi32>, vector<16xi32>], vector<16xf32>,
    %swap3A_407 = arith.constant 48 : index
    %swap3A_408 = tpu.vector_load %arg10[%swap3A_407] {strides = array<i32>} : memref<128xf32, #tpu.memory_space<vmem>>, vector<16xf32>,
    tpu.vector_store %arg10[%swap3A_407], %gather3A_406 {strides = array<i32>} : memref<128xf32, #tpu.memory_space<vmem>>, vector<16xf32>,
    %add3A_409 = arith.constant 64 : i32
    %add3A_410 = vector.broadcast %add3A_409 : i32 to vector<16xi32>
    %add3A_411 = arith.addi %iota3A, %add3A_410 : vector<16xi32>
    %gather3A_412 = tpu.vector_load_idx %arg9[%add3A_411, %broadcast_in_dim3A_3] : memref<128x128xf32, #tpu.memory_space<vmem>>[vector<16xi32>, vector<16xi32>], vector<16xf32>,
    %swap3A_413 = arith.constant 64 : index
    %swap3A_414 = tpu.vector_load %arg10[%swap3A_413] {strides = array<i32>} : memref<128xf32, #tpu.memory_space<vmem>>, vector<16xf32>,
    tpu.vector_store %arg10[%swap3A_413], %gather3A_412 {strides = array<i32>} : memref<128xf32, #tpu.memory_space<vmem>>, vector<16xf32>,
    %add3A_415 = arith.constant 80 : i32
    %add3A_416 = vector.broadcast %add3A_415 : i32 to vector<16xi32>
    %add3A_417 = arith.addi %iota3A, %add3A_416 : vector<16xi32>
    %gather3A_418 = tpu.vector_load_idx %arg9[%add3A_417, %broadcast_in_dim3A_3] : memref<128x128xf32, #tpu.memory_space<vmem>>[vector<16xi32>, vector<16xi32>], vector<16xf32>,
    %swap3A_419 = arith.constant 80 : index
    %swap3A_420 = tpu.vector_load %arg10[%swap3A_419] {strides = array<i32>} : memref<128xf32, #tpu.memory_space<vmem>>, vector<16xf32>,
    tpu.vector_store %arg10[%swap3A_419], %gather3A_418 {strides = array<i32>} : memref<128xf32, #tpu.memory_space<vmem>>, vector<16xf32>,
    %add3A_421 = arith.constant 96 : i32
    %add3A_422 = vector.broadcast %add3A_421 : i32 to vector<16xi32>
    %add3A_423 = arith.addi %iota3A, %add3A_422 : vector<16xi32>
    %gather3A_424 = tpu.vector_load_idx %arg9[%add3A_423, %broadcast_in_dim3A_3] : memref<128x128xf32, #tpu.memory_space<vmem>>[vector<16xi32>, vector<16xi32>], vector<16xf32>,
    %swap3A_425 = arith.constant 96 : index
    %swap3A_426 = tpu.vector_load %arg10[%swap3A_425] {strides = array<i32>} : memref<128xf32, #tpu.memory_space<vmem>>, vector<16xf32>,
    tpu.vector_store %arg10[%swap3A_425], %gather3A_424 {strides = array<i32>} : memref<128xf32, #tpu.memory_space<vmem>>, vector<16xf32>,
    %add3A_427 = arith.constant 112 : i32
    %add3A_428 = vector.broadcast %add3A_427 : i32 to vector<16xi32>
    %add3A_429 = arith.addi %iota3A, %add3A_428 : vector<16xi32>
    %gather3A_430 = tpu.vector_load_idx %arg9[%add3A_429, %broadcast_in_dim3A_3] : memref<128x128xf32, #tpu.memory_space<vmem>>[vector<16xi32>, vector<16xi32>], vector<16xf32>,
    %swap3A_431 = arith.constant 112 : index
    %swap3A_432 = tpu.vector_load %arg10[%swap3A_431] {strides = array<i32>} : memref<128xf32, #tpu.memory_space<vmem>>, vector<16xf32>,
    tpu.vector_store %arg10[%swap3A_431], %gather3A_430 {strides = array<i32>} : memref<128xf32, #tpu.memory_space<vmem>>, vector<16xf32>,
    "tpu.region"() ({
      %run_scoped3A_433 = tpu.sem_alloc : memref<!tpu.dma_semaphore, #tpu.memory_space<semaphore_mem>>
      %dma_start3A_434 = tpu.memref_slice %arg5[%add3A_384] : memref<8192xf32, #tpu.memory_space<hbm>> -> memref<128xf32, #tpu.memory_space<hbm>>
      %dma_start3A_435 = tpu.memref_slice %arg5[%add3A_384] : memref<8192xf32, #tpu.memory_space<hbm>> -> memref<128xf32, #tpu.memory_space<hbm>>
      tpu.enqueue_dma source(%arg10 : memref<128xf32, #tpu.memory_space<vmem>>) target(%dma_start3A_435 : memref<128xf32, #tpu.memory_space<hbm>>) target_semaphore(%run_scoped3A_433 : memref<!tpu.dma_semaphore, #tpu.memory_space<semaphore_mem>>)
      %dma_wait3A_436 = tpu.memref_slice %arg5[%add3A_384] : memref<8192xf32, #tpu.memory_space<hbm>> -> memref<128xf32, #tpu.memory_space<hbm>>
      %dma_wait3A_437 = tpu.memref_slice %arg5[%add3A_384] : memref<8192xf32, #tpu.memory_space<hbm>> -> memref<128xf32, #tpu.memory_space<hbm>>
      tpu.wait_dma2 semaphore(%run_scoped3A_433 : memref<!tpu.dma_semaphore, #tpu.memory_space<semaphore_mem>>) src(%arg10 : memref<128xf32, #tpu.memory_space<vmem>>) dst(%dma_wait3A_437 : memref<128xf32, #tpu.memory_space<hbm>>)
      tpu.yield
    }) : () -> ()
    return
  }
}

module attributes {stable_mosaic.version = 14 : i64} {
  func.func @_topk_body(%arg0: i32, %arg1: memref<512x32xf32, #tpu.memory_space<vmem>>, %arg2: memref<32x8192xf32, #tpu.memory_space<vmem>>, %arg3: memref<512x3xi32, #tpu.memory_space<vmem>>, %arg4: memref<1x1xf32, #tpu.memory_space<smem>>, %arg5: memref<1x8192xf32, #tpu.memory_space<vmem>>) attributes {dimension_semantics = [#tpu.dimension_semantics<arbitrary>], iteration_bounds = array<i64: 16>, scalar_prefetch = 0 : i64, scratch_operands = 1 : i64, tpu.core_type = #tpu.core_type<tc>, window_params = [{transform_indices = @transform_0, window_bounds = array<i64: 512, 32>}, {pipeline_mode = #tpu.pipeline_mode<synchronous>, transform_indices = @transform_1, window_bounds = array<i64: 32, 8192>}, {transform_indices = @transform_2, window_bounds = array<i64: 512, 3>}, {transform_indices = @transform_3, window_bounds = array<i64: 1, 1>}]} {
    %get3A = arith.constant 0 : index
    %get3A_0 = arith.constant 0 : index
    %get3A_1 = vector.load %arg1[%get3A, %get3A_0] : memref<512x32xf32, #tpu.memory_space<vmem>>, vector<512x32xf32>
    %get3A_2 = arith.constant 0 : index
    %get3A_3 = arith.constant 0 : index
    %get3A_4 = vector.load %arg2[%get3A_2, %get3A_3] : memref<32x8192xf32, #tpu.memory_space<vmem>>, vector<32x8192xf32>
    %eq3A = arith.constant 0 : i32
    %eq3A_5 = arith.cmpi eq, %arg0, %eq3A : i32
    %convert_element_type3A = arith.extui %eq3A_5 : i1 to i32
    %cond3A = arith.constant 0 : i32
    %cond3A_6 = arith.cmpi ne, %convert_element_type3A, %cond3A : i32
    scf.if %cond3A_6 {
      %mul3A_1367 = arith.mulf %get3A_4, %get3A_4 : vector<32x8192xf32>
      %reduce_sum3A_1368 = arith.constant dense<0.000000e+00> : vector<8192xf32>
      %reduce_sum3A_1369 = vector.multi_reduction <add>, %mul3A_1367, %reduce_sum3A_1368 [0] : vector<32x8192xf32> to vector<8192xf32>
      %broadcast_in_dim3A_1370 = vector.shape_cast %reduce_sum3A_1369 : vector<8192xf32> to vector<1x8192xf32>
      %swap3A_1371 = arith.constant 0 : index
      %swap3A_1372 = arith.constant 0 : index
      %swap3A_1373 = vector.load %arg5[%swap3A_1371, %swap3A_1372] : memref<1x8192xf32, #tpu.memory_space<vmem>>, vector<1x8192xf32>
      tpu.vector_store %arg5[%swap3A_1371, %swap3A_1372], %broadcast_in_dim3A_1370 {strides = array<i32>} : memref<1x8192xf32, #tpu.memory_space<vmem>>, vector<1x8192xf32>,
      %swap3A_1374 = arith.constant 0.000000e+00 : f32
      %swap3A_1375 = arith.constant 0 : index
      %swap3A_1376 = arith.constant 0 : index
      %swap3A_1377 = memref.load %arg4[%swap3A_1375, %swap3A_1376] : memref<1x1xf32, #tpu.memory_space<smem>>
      memref.store %swap3A_1374, %arg4[%swap3A_1375, %swap3A_1376] : memref<1x1xf32, #tpu.memory_space<smem>>
    } else {
    }
    %mul3A = arith.mulf %get3A_1, %get3A_1 : vector<512x32xf32>
    %reduce_sum3A = arith.constant dense<0.000000e+00> : vector<512xf32>
    %reduce_sum3A_7 = vector.multi_reduction <add>, %mul3A, %reduce_sum3A [1] : vector<512x32xf32> to vector<512xf32>
    %broadcast_in_dim3A = vector.shape_cast %reduce_sum3A_7 : vector<512xf32> to vector<512x1xf32>
    %mul3A_8 = arith.constant -2.000000e+00 : f32
    %mul3A_9 = vector.broadcast %mul3A_8 : f32 to vector<512x32xf32>
    %mul3A_10 = arith.mulf %get3A_1, %mul3A_9 : vector<512x32xf32>
    %dot_general3A = arith.constant dense<0.000000e+00> : vector<512x8192xf32>
    %dot_general3A_11 = tpu.matmul %mul3A_10, %get3A_4, %dot_general3A {dimension_numbers = #tpu.dot_dimension_numbers<[1], [0], [0], [1], [0, 0, 1, 1], [], []>, transpose_lhs_hint = false} : vector<512x32xf32>, vector<32x8192xf32>, vector<512x8192xf32> -> vector<512x8192xf32>
    %get3A_12 = arith.constant 0 : index
    %get3A_13 = arith.constant 0 : index
    %get3A_14 = vector.load %arg5[%get3A_12, %get3A_13] : memref<1x8192xf32, #tpu.memory_space<vmem>>, vector<1x8192xf32>
    %add3A = vector.broadcast %broadcast_in_dim3A : vector<512x1xf32> to vector<512x8192xf32>
    %add3A_15 = vector.broadcast %get3A_14 : vector<1x8192xf32> to vector<512x8192xf32>
    %add3A_16 = arith.addf %add3A, %add3A_15 : vector<512x8192xf32>
    %add3A_17 = arith.addf %add3A_16, %dot_general3A_11 : vector<512x8192xf32>
    %slice3A = vector.extract_strided_slice %add3A_17 {offsets = [0, 0], sizes = [512, 128], strides = [1, 1]} : vector<512x8192xf32> to vector<512x128xf32>
    %broadcast_in_dim3A_18 = arith.constant 0x7F800000 : f32
    %broadcast_in_dim3A_19 = vector.broadcast %broadcast_in_dim3A_18 : f32 to vector<512x128xf32>
    %broadcast_in_dim3A_20 = arith.constant 0x7F800000 : f32
    %broadcast_in_dim3A_21 = vector.broadcast %broadcast_in_dim3A_20 : f32 to vector<512x128xf32>
    %broadcast_in_dim3A_22 = arith.constant 0 : i32
    %broadcast_in_dim3A_23 = vector.broadcast %broadcast_in_dim3A_22 : i32 to vector<512x128xi32>
    %broadcast_in_dim3A_24 = arith.constant 0 : i32
    %broadcast_in_dim3A_25 = vector.broadcast %broadcast_in_dim3A_24 : i32 to vector<512x128xi32>
    %broadcast_in_dim3A_26 = arith.constant 0 : i32
    %broadcast_in_dim3A_27 = vector.broadcast %broadcast_in_dim3A_26 : i32 to vector<512x128xi32>
    %slice3A_28 = vector.extract_strided_slice %add3A_17 {offsets = [0, 128], sizes = [512, 128], strides = [1, 1]} : vector<512x8192xf32> to vector<512x128xf32>
    %lt3A = arith.cmpf olt, %slice3A_28, %slice3A : vector<512x128xf32>
    %lt3A_29 = arith.cmpf olt, %slice3A_28, %broadcast_in_dim3A_19 : vector<512x128xf32>
    %lt3A_30 = arith.cmpf olt, %slice3A_28, %broadcast_in_dim3A_21 : vector<512x128xf32>
    %select_n3A = arith.select %lt3A_30, %slice3A_28, %broadcast_in_dim3A_21 : vector<512x128xi1>, vector<512x128xf32>
    %select_n3A_31 = arith.select %lt3A_29, %broadcast_in_dim3A_19, %select_n3A : vector<512x128xi1>, vector<512x128xf32>
    %jit3A = arith.constant 1 : i32
    %broadcast_in_dim3A_32 = vector.broadcast %jit3A : i32 to vector<512x128xi32>
    %select_n3A_33 = arith.select %lt3A_30, %broadcast_in_dim3A_32, %broadcast_in_dim3A_27 : vector<512x128xi1>, vector<512x128xi32>
    %select_n3A_34 = arith.select %lt3A_29, %broadcast_in_dim3A_25, %select_n3A_33 : vector<512x128xi1>, vector<512x128xi32>
    %select_n3A_35 = arith.select %lt3A_29, %slice3A_28, %broadcast_in_dim3A_19 : vector<512x128xi1>, vector<512x128xf32>
    %select_n3A_36 = arith.select %lt3A, %slice3A, %select_n3A_35 : vector<512x128xi1>, vector<512x128xf32>
    %jit3A_37 = arith.constant 1 : i32
    %broadcast_in_dim3A_38 = vector.broadcast %jit3A_37 : i32 to vector<512x128xi32>
    %select_n3A_39 = arith.select %lt3A_29, %broadcast_in_dim3A_38, %broadcast_in_dim3A_25 : vector<512x128xi1>, vector<512x128xi32>
    %select_n3A_40 = arith.select %lt3A, %broadcast_in_dim3A_23, %select_n3A_39 : vector<512x128xi1>, vector<512x128xi32>
    %select_n3A_41 = arith.select %lt3A, %slice3A_28, %slice3A : vector<512x128xi1>, vector<512x128xf32>
    %jit3A_42 = arith.constant 1 : i32
    %broadcast_in_dim3A_43 = vector.broadcast %jit3A_42 : i32 to vector<512x128xi32>
    %select_n3A_44 = arith.select %lt3A, %broadcast_in_dim3A_43, %broadcast_in_dim3A_23 : vector<512x128xi1>, vector<512x128xi32>
    %slice3A_45 = vector.extract_strided_slice %add3A_17 {offsets = [0, 256], sizes = [512, 128], strides = [1, 1]} : vector<512x8192xf32> to vector<512x128xf32>
    %lt3A_46 = arith.cmpf olt, %slice3A_45, %select_n3A_41 : vector<512x128xf32>
    %lt3A_47 = arith.cmpf olt, %slice3A_45, %select_n3A_36 : vector<512x128xf32>
    %lt3A_48 = arith.cmpf olt, %slice3A_45, %select_n3A_31 : vector<512x128xf32>
    %select_n3A_49 = arith.select %lt3A_48, %slice3A_45, %select_n3A_31 : vector<512x128xi1>, vector<512x128xf32>
    %select_n3A_50 = arith.select %lt3A_47, %select_n3A_36, %select_n3A_49 : vector<512x128xi1>, vector<512x128xf32>
    %jit3A_51 = arith.constant 2 : i32
    %broadcast_in_dim3A_52 = vector.broadcast %jit3A_51 : i32 to vector<512x128xi32>
    %select_n3A_53 = arith.select %lt3A_48, %broadcast_in_dim3A_52, %select_n3A_34 : vector<512x128xi1>, vector<512x128xi32>
    %select_n3A_54 = arith.select %lt3A_47, %select_n3A_40, %select_n3A_53 : vector<512x128xi1>, vector<512x128xi32>
    %select_n3A_55 = arith.select %lt3A_47, %slice3A_45, %select_n3A_36 : vector<512x128xi1>, vector<512x128xf32>
    %select_n3A_56 = arith.select %lt3A_46, %select_n3A_41, %select_n3A_55 : vector<512x128xi1>, vector<512x128xf32>
    %jit3A_57 = arith.constant 2 : i32
    %broadcast_in_dim3A_58 = vector.broadcast %jit3A_57 : i32 to vector<512x128xi32>
    %select_n3A_59 = arith.select %lt3A_47, %broadcast_in_dim3A_58, %select_n3A_40 : vector<512x128xi1>, vector<512x128xi32>
    %select_n3A_60 = arith.select %lt3A_46, %select_n3A_44, %select_n3A_59 : vector<512x128xi1>, vector<512x128xi32>
    %select_n3A_61 = arith.select %lt3A_46, %slice3A_45, %select_n3A_41 : vector<512x128xi1>, vector<512x128xf32>
    %jit3A_62 = arith.constant 2 : i32
    %broadcast_in_dim3A_63 = vector.broadcast %jit3A_62 : i32 to vector<512x128xi32>
    %select_n3A_64 = arith.select %lt3A_46, %broadcast_in_dim3A_63, %select_n3A_44 : vector<512x128xi1>, vector<512x128xi32>
    %slice3A_65 = vector.extract_strided_slice %add3A_17 {offsets = [0, 384], sizes = [512, 128], strides = [1, 1]} : vector<512x8192xf32> to vector<512x128xf32>
    %lt3A_66 = arith.cmpf olt, %slice3A_65, %select_n3A_61 : vector<512x128xf32>
    %lt3A_67 = arith.cmpf olt, %slice3A_65, %select_n3A_56 : vector<512x128xf32>
    %lt3A_68 = arith.cmpf olt, %slice3A_65, %select_n3A_50 : vector<512x128xf32>
    %select_n3A_69 = arith.select %lt3A_68, %slice3A_65, %select_n3A_50 : vector<512x128xi1>, vector<512x128xf32>
    %select_n3A_70 = arith.select %lt3A_67, %select_n3A_56, %select_n3A_69 : vector<512x128xi1>, vector<512x128xf32>
    %jit3A_71 = arith.constant 3 : i32
    %broadcast_in_dim3A_72 = vector.broadcast %jit3A_71 : i32 to vector<512x128xi32>
    %select_n3A_73 = arith.select %lt3A_68, %broadcast_in_dim3A_72, %select_n3A_54 : vector<512x128xi1>, vector<512x128xi32>
    %select_n3A_74 = arith.select %lt3A_67, %select_n3A_60, %select_n3A_73 : vector<512x128xi1>, vector<512x128xi32>
    %select_n3A_75 = arith.select %lt3A_67, %slice3A_65, %select_n3A_56 : vector<512x128xi1>, vector<512x128xf32>
    %select_n3A_76 = arith.select %lt3A_66, %select_n3A_61, %select_n3A_75 : vector<512x128xi1>, vector<512x128xf32>
    %jit3A_77 = arith.constant 3 : i32
    %broadcast_in_dim3A_78 = vector.broadcast %jit3A_77 : i32 to vector<512x128xi32>
    %select_n3A_79 = arith.select %lt3A_67, %broadcast_in_dim3A_78, %select_n3A_60 : vector<512x128xi1>, vector<512x128xi32>
    %select_n3A_80 = arith.select %lt3A_66, %select_n3A_64, %select_n3A_79 : vector<512x128xi1>, vector<512x128xi32>
    %select_n3A_81 = arith.select %lt3A_66, %slice3A_65, %select_n3A_61 : vector<512x128xi1>, vector<512x128xf32>
    %jit3A_82 = arith.constant 3 : i32
    %broadcast_in_dim3A_83 = vector.broadcast %jit3A_82 : i32 to vector<512x128xi32>
    %select_n3A_84 = arith.select %lt3A_66, %broadcast_in_dim3A_83, %select_n3A_64 : vector<512x128xi1>, vector<512x128xi32>
    %slice3A_85 = vector.extract_strided_slice %add3A_17 {offsets = [0, 512], sizes = [512, 128], strides = [1, 1]} : vector<512x8192xf32> to vector<512x128xf32>
    %lt3A_86 = arith.cmpf olt, %slice3A_85, %select_n3A_81 : vector<512x128xf32>
    %lt3A_87 = arith.cmpf olt, %slice3A_85, %select_n3A_76 : vector<512x128xf32>
    %lt3A_88 = arith.cmpf olt, %slice3A_85, %select_n3A_70 : vector<512x128xf32>
    %select_n3A_89 = arith.select %lt3A_88, %slice3A_85, %select_n3A_70 : vector<512x128xi1>, vector<512x128xf32>
    %select_n3A_90 = arith.select %lt3A_87, %select_n3A_76, %select_n3A_89 : vector<512x128xi1>, vector<512x128xf32>
    %jit3A_91 = arith.constant 4 : i32
    %broadcast_in_dim3A_92 = vector.broadcast %jit3A_91 : i32 to vector<512x128xi32>
    %select_n3A_93 = arith.select %lt3A_88, %broadcast_in_dim3A_92, %select_n3A_74 : vector<512x128xi1>, vector<512x128xi32>
    %select_n3A_94 = arith.select %lt3A_87, %select_n3A_80, %select_n3A_93 : vector<512x128xi1>, vector<512x128xi32>
    %select_n3A_95 = arith.select %lt3A_87, %slice3A_85, %select_n3A_76 : vector<512x128xi1>, vector<512x128xf32>
    %select_n3A_96 = arith.select %lt3A_86, %select_n3A_81, %select_n3A_95 : vector<512x128xi1>, vector<512x128xf32>
    %jit3A_97 = arith.constant 4 : i32
    %broadcast_in_dim3A_98 = vector.broadcast %jit3A_97 : i32 to vector<512x128xi32>
    %select_n3A_99 = arith.select %lt3A_87, %broadcast_in_dim3A_98, %select_n3A_80 : vector<512x128xi1>, vector<512x128xi32>
    %select_n3A_100 = arith.select %lt3A_86, %select_n3A_84, %select_n3A_99 : vector<512x128xi1>, vector<512x128xi32>
    %select_n3A_101 = arith.select %lt3A_86, %slice3A_85, %select_n3A_81 : vector<512x128xi1>, vector<512x128xf32>
    %jit3A_102 = arith.constant 4 : i32
    %broadcast_in_dim3A_103 = vector.broadcast %jit3A_102 : i32 to vector<512x128xi32>
    %select_n3A_104 = arith.select %lt3A_86, %broadcast_in_dim3A_103, %select_n3A_84 : vector<512x128xi1>, vector<512x128xi32>
    %slice3A_105 = vector.extract_strided_slice %add3A_17 {offsets = [0, 640], sizes = [512, 128], strides = [1, 1]} : vector<512x8192xf32> to vector<512x128xf32>
    %lt3A_106 = arith.cmpf olt, %slice3A_105, %select_n3A_101 : vector<512x128xf32>
    %lt3A_107 = arith.cmpf olt, %slice3A_105, %select_n3A_96 : vector<512x128xf32>
    %lt3A_108 = arith.cmpf olt, %slice3A_105, %select_n3A_90 : vector<512x128xf32>
    %select_n3A_109 = arith.select %lt3A_108, %slice3A_105, %select_n3A_90 : vector<512x128xi1>, vector<512x128xf32>
    %select_n3A_110 = arith.select %lt3A_107, %select_n3A_96, %select_n3A_109 : vector<512x128xi1>, vector<512x128xf32>
    %jit3A_111 = arith.constant 5 : i32
    %broadcast_in_dim3A_112 = vector.broadcast %jit3A_111 : i32 to vector<512x128xi32>
    %select_n3A_113 = arith.select %lt3A_108, %broadcast_in_dim3A_112, %select_n3A_94 : vector<512x128xi1>, vector<512x128xi32>
    %select_n3A_114 = arith.select %lt3A_107, %select_n3A_100, %select_n3A_113 : vector<512x128xi1>, vector<512x128xi32>
    %select_n3A_115 = arith.select %lt3A_107, %slice3A_105, %select_n3A_96 : vector<512x128xi1>, vector<512x128xf32>
    %select_n3A_116 = arith.select %lt3A_106, %select_n3A_101, %select_n3A_115 : vector<512x128xi1>, vector<512x128xf32>
    %jit3A_117 = arith.constant 5 : i32
    %broadcast_in_dim3A_118 = vector.broadcast %jit3A_117 : i32 to vector<512x128xi32>
    %select_n3A_119 = arith.select %lt3A_107, %broadcast_in_dim3A_118, %select_n3A_100 : vector<512x128xi1>, vector<512x128xi32>
    %select_n3A_120 = arith.select %lt3A_106, %select_n3A_104, %select_n3A_119 : vector<512x128xi1>, vector<512x128xi32>
    %select_n3A_121 = arith.select %lt3A_106, %slice3A_105, %select_n3A_101 : vector<512x128xi1>, vector<512x128xf32>
    %jit3A_122 = arith.constant 5 : i32
    %broadcast_in_dim3A_123 = vector.broadcast %jit3A_122 : i32 to vector<512x128xi32>
    %select_n3A_124 = arith.select %lt3A_106, %broadcast_in_dim3A_123, %select_n3A_104 : vector<512x128xi1>, vector<512x128xi32>
    %slice3A_125 = vector.extract_strided_slice %add3A_17 {offsets = [0, 768], sizes = [512, 128], strides = [1, 1]} : vector<512x8192xf32> to vector<512x128xf32>
    %lt3A_126 = arith.cmpf olt, %slice3A_125, %select_n3A_121 : vector<512x128xf32>
    %lt3A_127 = arith.cmpf olt, %slice3A_125, %select_n3A_116 : vector<512x128xf32>
    %lt3A_128 = arith.cmpf olt, %slice3A_125, %select_n3A_110 : vector<512x128xf32>
    %select_n3A_129 = arith.select %lt3A_128, %slice3A_125, %select_n3A_110 : vector<512x128xi1>, vector<512x128xf32>
    %select_n3A_130 = arith.select %lt3A_127, %select_n3A_116, %select_n3A_129 : vector<512x128xi1>, vector<512x128xf32>
    %jit3A_131 = arith.constant 6 : i32
    %broadcast_in_dim3A_132 = vector.broadcast %jit3A_131 : i32 to vector<512x128xi32>
    %select_n3A_133 = arith.select %lt3A_128, %broadcast_in_dim3A_132, %select_n3A_114 : vector<512x128xi1>, vector<512x128xi32>
    %select_n3A_134 = arith.select %lt3A_127, %select_n3A_120, %select_n3A_133 : vector<512x128xi1>, vector<512x128xi32>
    %select_n3A_135 = arith.select %lt3A_127, %slice3A_125, %select_n3A_116 : vector<512x128xi1>, vector<512x128xf32>
    %select_n3A_136 = arith.select %lt3A_126, %select_n3A_121, %select_n3A_135 : vector<512x128xi1>, vector<512x128xf32>
    %jit3A_137 = arith.constant 6 : i32
    %broadcast_in_dim3A_138 = vector.broadcast %jit3A_137 : i32 to vector<512x128xi32>
    %select_n3A_139 = arith.select %lt3A_127, %broadcast_in_dim3A_138, %select_n3A_120 : vector<512x128xi1>, vector<512x128xi32>
    %select_n3A_140 = arith.select %lt3A_126, %select_n3A_124, %select_n3A_139 : vector<512x128xi1>, vector<512x128xi32>
    %select_n3A_141 = arith.select %lt3A_126, %slice3A_125, %select_n3A_121 : vector<512x128xi1>, vector<512x128xf32>
    %jit3A_142 = arith.constant 6 : i32
    %broadcast_in_dim3A_143 = vector.broadcast %jit3A_142 : i32 to vector<512x128xi32>
    %select_n3A_144 = arith.select %lt3A_126, %broadcast_in_dim3A_143, %select_n3A_124 : vector<512x128xi1>, vector<512x128xi32>
    %slice3A_145 = vector.extract_strided_slice %add3A_17 {offsets = [0, 896], sizes = [512, 128], strides = [1, 1]} : vector<512x8192xf32> to vector<512x128xf32>
    %lt3A_146 = arith.cmpf olt, %slice3A_145, %select_n3A_141 : vector<512x128xf32>
    %lt3A_147 = arith.cmpf olt, %slice3A_145, %select_n3A_136 : vector<512x128xf32>
    %lt3A_148 = arith.cmpf olt, %slice3A_145, %select_n3A_130 : vector<512x128xf32>
    %select_n3A_149 = arith.select %lt3A_148, %slice3A_145, %select_n3A_130 : vector<512x128xi1>, vector<512x128xf32>
    %select_n3A_150 = arith.select %lt3A_147, %select_n3A_136, %select_n3A_149 : vector<512x128xi1>, vector<512x128xf32>
    %jit3A_151 = arith.constant 7 : i32
    %broadcast_in_dim3A_152 = vector.broadcast %jit3A_151 : i32 to vector<512x128xi32>
    %select_n3A_153 = arith.select %lt3A_148, %broadcast_in_dim3A_152, %select_n3A_134 : vector<512x128xi1>, vector<512x128xi32>
    %select_n3A_154 = arith.select %lt3A_147, %select_n3A_140, %select_n3A_153 : vector<512x128xi1>, vector<512x128xi32>
    %select_n3A_155 = arith.select %lt3A_147, %slice3A_145, %select_n3A_136 : vector<512x128xi1>, vector<512x128xf32>
    %select_n3A_156 = arith.select %lt3A_146, %select_n3A_141, %select_n3A_155 : vector<512x128xi1>, vector<512x128xf32>
    %jit3A_157 = arith.constant 7 : i32
    %broadcast_in_dim3A_158 = vector.broadcast %jit3A_157 : i32 to vector<512x128xi32>
    %select_n3A_159 = arith.select %lt3A_147, %broadcast_in_dim3A_158, %select_n3A_140 : vector<512x128xi1>, vector<512x128xi32>
    %select_n3A_160 = arith.select %lt3A_146, %select_n3A_144, %select_n3A_159 : vector<512x128xi1>, vector<512x128xi32>
    %select_n3A_161 = arith.select %lt3A_146, %slice3A_145, %select_n3A_141 : vector<512x128xi1>, vector<512x128xf32>
    %jit3A_162 = arith.constant 7 : i32
    %broadcast_in_dim3A_163 = vector.broadcast %jit3A_162 : i32 to vector<512x128xi32>
    %select_n3A_164 = arith.select %lt3A_146, %broadcast_in_dim3A_163, %select_n3A_144 : vector<512x128xi1>, vector<512x128xi32>
    %slice3A_165 = vector.extract_strided_slice %add3A_17 {offsets = [0, 1024], sizes = [512, 128], strides = [1, 1]} : vector<512x8192xf32> to vector<512x128xf32>
    %lt3A_166 = arith.cmpf olt, %slice3A_165, %select_n3A_161 : vector<512x128xf32>
    %lt3A_167 = arith.cmpf olt, %slice3A_165, %select_n3A_156 : vector<512x128xf32>
    %lt3A_168 = arith.cmpf olt, %slice3A_165, %select_n3A_150 : vector<512x128xf32>
    %select_n3A_169 = arith.select %lt3A_168, %slice3A_165, %select_n3A_150 : vector<512x128xi1>, vector<512x128xf32>
    %select_n3A_170 = arith.select %lt3A_167, %select_n3A_156, %select_n3A_169 : vector<512x128xi1>, vector<512x128xf32>
    %jit3A_171 = arith.constant 8 : i32
    %broadcast_in_dim3A_172 = vector.broadcast %jit3A_171 : i32 to vector<512x128xi32>
    %select_n3A_173 = arith.select %lt3A_168, %broadcast_in_dim3A_172, %select_n3A_154 : vector<512x128xi1>, vector<512x128xi32>
    %select_n3A_174 = arith.select %lt3A_167, %select_n3A_160, %select_n3A_173 : vector<512x128xi1>, vector<512x128xi32>
    %select_n3A_175 = arith.select %lt3A_167, %slice3A_165, %select_n3A_156 : vector<512x128xi1>, vector<512x128xf32>
    %select_n3A_176 = arith.select %lt3A_166, %select_n3A_161, %select_n3A_175 : vector<512x128xi1>, vector<512x128xf32>
    %jit3A_177 = arith.constant 8 : i32
    %broadcast_in_dim3A_178 = vector.broadcast %jit3A_177 : i32 to vector<512x128xi32>
    %select_n3A_179 = arith.select %lt3A_167, %broadcast_in_dim3A_178, %select_n3A_160 : vector<512x128xi1>, vector<512x128xi32>
    %select_n3A_180 = arith.select %lt3A_166, %select_n3A_164, %select_n3A_179 : vector<512x128xi1>, vector<512x128xi32>
    %select_n3A_181 = arith.select %lt3A_166, %slice3A_165, %select_n3A_161 : vector<512x128xi1>, vector<512x128xf32>
    %jit3A_182 = arith.constant 8 : i32
    %broadcast_in_dim3A_183 = vector.broadcast %jit3A_182 : i32 to vector<512x128xi32>
    %select_n3A_184 = arith.select %lt3A_166, %broadcast_in_dim3A_183, %select_n3A_164 : vector<512x128xi1>, vector<512x128xi32>
    %slice3A_185 = vector.extract_strided_slice %add3A_17 {offsets = [0, 1152], sizes = [512, 128], strides = [1, 1]} : vector<512x8192xf32> to vector<512x128xf32>
    %lt3A_186 = arith.cmpf olt, %slice3A_185, %select_n3A_181 : vector<512x128xf32>
    %lt3A_187 = arith.cmpf olt, %slice3A_185, %select_n3A_176 : vector<512x128xf32>
    %lt3A_188 = arith.cmpf olt, %slice3A_185, %select_n3A_170 : vector<512x128xf32>
    %select_n3A_189 = arith.select %lt3A_188, %slice3A_185, %select_n3A_170 : vector<512x128xi1>, vector<512x128xf32>
    %select_n3A_190 = arith.select %lt3A_187, %select_n3A_176, %select_n3A_189 : vector<512x128xi1>, vector<512x128xf32>
    %jit3A_191 = arith.constant 9 : i32
    %broadcast_in_dim3A_192 = vector.broadcast %jit3A_191 : i32 to vector<512x128xi32>
    %select_n3A_193 = arith.select %lt3A_188, %broadcast_in_dim3A_192, %select_n3A_174 : vector<512x128xi1>, vector<512x128xi32>
    %select_n3A_194 = arith.select %lt3A_187, %select_n3A_180, %select_n3A_193 : vector<512x128xi1>, vector<512x128xi32>
    %select_n3A_195 = arith.select %lt3A_187, %slice3A_185, %select_n3A_176 : vector<512x128xi1>, vector<512x128xf32>
    %select_n3A_196 = arith.select %lt3A_186, %select_n3A_181, %select_n3A_195 : vector<512x128xi1>, vector<512x128xf32>
    %jit3A_197 = arith.constant 9 : i32
    %broadcast_in_dim3A_198 = vector.broadcast %jit3A_197 : i32 to vector<512x128xi32>
    %select_n3A_199 = arith.select %lt3A_187, %broadcast_in_dim3A_198, %select_n3A_180 : vector<512x128xi1>, vector<512x128xi32>
    %select_n3A_200 = arith.select %lt3A_186, %select_n3A_184, %select_n3A_199 : vector<512x128xi1>, vector<512x128xi32>
    %select_n3A_201 = arith.select %lt3A_186, %slice3A_185, %select_n3A_181 : vector<512x128xi1>, vector<512x128xf32>
    %jit3A_202 = arith.constant 9 : i32
    %broadcast_in_dim3A_203 = vector.broadcast %jit3A_202 : i32 to vector<512x128xi32>
    %select_n3A_204 = arith.select %lt3A_186, %broadcast_in_dim3A_203, %select_n3A_184 : vector<512x128xi1>, vector<512x128xi32>
    %slice3A_205 = vector.extract_strided_slice %add3A_17 {offsets = [0, 1280], sizes = [512, 128], strides = [1, 1]} : vector<512x8192xf32> to vector<512x128xf32>
    %lt3A_206 = arith.cmpf olt, %slice3A_205, %select_n3A_201 : vector<512x128xf32>
    %lt3A_207 = arith.cmpf olt, %slice3A_205, %select_n3A_196 : vector<512x128xf32>
    %lt3A_208 = arith.cmpf olt, %slice3A_205, %select_n3A_190 : vector<512x128xf32>
    %select_n3A_209 = arith.select %lt3A_208, %slice3A_205, %select_n3A_190 : vector<512x128xi1>, vector<512x128xf32>
    %select_n3A_210 = arith.select %lt3A_207, %select_n3A_196, %select_n3A_209 : vector<512x128xi1>, vector<512x128xf32>
    %jit3A_211 = arith.constant 10 : i32
    %broadcast_in_dim3A_212 = vector.broadcast %jit3A_211 : i32 to vector<512x128xi32>
    %select_n3A_213 = arith.select %lt3A_208, %broadcast_in_dim3A_212, %select_n3A_194 : vector<512x128xi1>, vector<512x128xi32>
    %select_n3A_214 = arith.select %lt3A_207, %select_n3A_200, %select_n3A_213 : vector<512x128xi1>, vector<512x128xi32>
    %select_n3A_215 = arith.select %lt3A_207, %slice3A_205, %select_n3A_196 : vector<512x128xi1>, vector<512x128xf32>
    %select_n3A_216 = arith.select %lt3A_206, %select_n3A_201, %select_n3A_215 : vector<512x128xi1>, vector<512x128xf32>
    %jit3A_217 = arith.constant 10 : i32
    %broadcast_in_dim3A_218 = vector.broadcast %jit3A_217 : i32 to vector<512x128xi32>
    %select_n3A_219 = arith.select %lt3A_207, %broadcast_in_dim3A_218, %select_n3A_200 : vector<512x128xi1>, vector<512x128xi32>
    %select_n3A_220 = arith.select %lt3A_206, %select_n3A_204, %select_n3A_219 : vector<512x128xi1>, vector<512x128xi32>
    %select_n3A_221 = arith.select %lt3A_206, %slice3A_205, %select_n3A_201 : vector<512x128xi1>, vector<512x128xf32>
    %jit3A_222 = arith.constant 10 : i32
    %broadcast_in_dim3A_223 = vector.broadcast %jit3A_222 : i32 to vector<512x128xi32>
    %select_n3A_224 = arith.select %lt3A_206, %broadcast_in_dim3A_223, %select_n3A_204 : vector<512x128xi1>, vector<512x128xi32>
    %slice3A_225 = vector.extract_strided_slice %add3A_17 {offsets = [0, 1408], sizes = [512, 128], strides = [1, 1]} : vector<512x8192xf32> to vector<512x128xf32>
    %lt3A_226 = arith.cmpf olt, %slice3A_225, %select_n3A_221 : vector<512x128xf32>
    %lt3A_227 = arith.cmpf olt, %slice3A_225, %select_n3A_216 : vector<512x128xf32>
    %lt3A_228 = arith.cmpf olt, %slice3A_225, %select_n3A_210 : vector<512x128xf32>
    %select_n3A_229 = arith.select %lt3A_228, %slice3A_225, %select_n3A_210 : vector<512x128xi1>, vector<512x128xf32>
    %select_n3A_230 = arith.select %lt3A_227, %select_n3A_216, %select_n3A_229 : vector<512x128xi1>, vector<512x128xf32>
    %jit3A_231 = arith.constant 11 : i32
    %broadcast_in_dim3A_232 = vector.broadcast %jit3A_231 : i32 to vector<512x128xi32>
    %select_n3A_233 = arith.select %lt3A_228, %broadcast_in_dim3A_232, %select_n3A_214 : vector<512x128xi1>, vector<512x128xi32>
    %select_n3A_234 = arith.select %lt3A_227, %select_n3A_220, %select_n3A_233 : vector<512x128xi1>, vector<512x128xi32>
    %select_n3A_235 = arith.select %lt3A_227, %slice3A_225, %select_n3A_216 : vector<512x128xi1>, vector<512x128xf32>
    %select_n3A_236 = arith.select %lt3A_226, %select_n3A_221, %select_n3A_235 : vector<512x128xi1>, vector<512x128xf32>
    %jit3A_237 = arith.constant 11 : i32
    %broadcast_in_dim3A_238 = vector.broadcast %jit3A_237 : i32 to vector<512x128xi32>
    %select_n3A_239 = arith.select %lt3A_227, %broadcast_in_dim3A_238, %select_n3A_220 : vector<512x128xi1>, vector<512x128xi32>
    %select_n3A_240 = arith.select %lt3A_226, %select_n3A_224, %select_n3A_239 : vector<512x128xi1>, vector<512x128xi32>
    %select_n3A_241 = arith.select %lt3A_226, %slice3A_225, %select_n3A_221 : vector<512x128xi1>, vector<512x128xf32>
    %jit3A_242 = arith.constant 11 : i32
    %broadcast_in_dim3A_243 = vector.broadcast %jit3A_242 : i32 to vector<512x128xi32>
    %select_n3A_244 = arith.select %lt3A_226, %broadcast_in_dim3A_243, %select_n3A_224 : vector<512x128xi1>, vector<512x128xi32>
    %slice3A_245 = vector.extract_strided_slice %add3A_17 {offsets = [0, 1536], sizes = [512, 128], strides = [1, 1]} : vector<512x8192xf32> to vector<512x128xf32>
    %lt3A_246 = arith.cmpf olt, %slice3A_245, %select_n3A_241 : vector<512x128xf32>
    %lt3A_247 = arith.cmpf olt, %slice3A_245, %select_n3A_236 : vector<512x128xf32>
    %lt3A_248 = arith.cmpf olt, %slice3A_245, %select_n3A_230 : vector<512x128xf32>
    %select_n3A_249 = arith.select %lt3A_248, %slice3A_245, %select_n3A_230 : vector<512x128xi1>, vector<512x128xf32>
    %select_n3A_250 = arith.select %lt3A_247, %select_n3A_236, %select_n3A_249 : vector<512x128xi1>, vector<512x128xf32>
    %jit3A_251 = arith.constant 12 : i32
    %broadcast_in_dim3A_252 = vector.broadcast %jit3A_251 : i32 to vector<512x128xi32>
    %select_n3A_253 = arith.select %lt3A_248, %broadcast_in_dim3A_252, %select_n3A_234 : vector<512x128xi1>, vector<512x128xi32>
    %select_n3A_254 = arith.select %lt3A_247, %select_n3A_240, %select_n3A_253 : vector<512x128xi1>, vector<512x128xi32>
    %select_n3A_255 = arith.select %lt3A_247, %slice3A_245, %select_n3A_236 : vector<512x128xi1>, vector<512x128xf32>
    %select_n3A_256 = arith.select %lt3A_246, %select_n3A_241, %select_n3A_255 : vector<512x128xi1>, vector<512x128xf32>
    %jit3A_257 = arith.constant 12 : i32
    %broadcast_in_dim3A_258 = vector.broadcast %jit3A_257 : i32 to vector<512x128xi32>
    %select_n3A_259 = arith.select %lt3A_247, %broadcast_in_dim3A_258, %select_n3A_240 : vector<512x128xi1>, vector<512x128xi32>
    %select_n3A_260 = arith.select %lt3A_246, %select_n3A_244, %select_n3A_259 : vector<512x128xi1>, vector<512x128xi32>
    %select_n3A_261 = arith.select %lt3A_246, %slice3A_245, %select_n3A_241 : vector<512x128xi1>, vector<512x128xf32>
    %jit3A_262 = arith.constant 12 : i32
    %broadcast_in_dim3A_263 = vector.broadcast %jit3A_262 : i32 to vector<512x128xi32>
    %select_n3A_264 = arith.select %lt3A_246, %broadcast_in_dim3A_263, %select_n3A_244 : vector<512x128xi1>, vector<512x128xi32>
    %slice3A_265 = vector.extract_strided_slice %add3A_17 {offsets = [0, 1664], sizes = [512, 128], strides = [1, 1]} : vector<512x8192xf32> to vector<512x128xf32>
    %lt3A_266 = arith.cmpf olt, %slice3A_265, %select_n3A_261 : vector<512x128xf32>
    %lt3A_267 = arith.cmpf olt, %slice3A_265, %select_n3A_256 : vector<512x128xf32>
    %lt3A_268 = arith.cmpf olt, %slice3A_265, %select_n3A_250 : vector<512x128xf32>
    %select_n3A_269 = arith.select %lt3A_268, %slice3A_265, %select_n3A_250 : vector<512x128xi1>, vector<512x128xf32>
    %select_n3A_270 = arith.select %lt3A_267, %select_n3A_256, %select_n3A_269 : vector<512x128xi1>, vector<512x128xf32>
    %jit3A_271 = arith.constant 13 : i32
    %broadcast_in_dim3A_272 = vector.broadcast %jit3A_271 : i32 to vector<512x128xi32>
    %select_n3A_273 = arith.select %lt3A_268, %broadcast_in_dim3A_272, %select_n3A_254 : vector<512x128xi1>, vector<512x128xi32>
    %select_n3A_274 = arith.select %lt3A_267, %select_n3A_260, %select_n3A_273 : vector<512x128xi1>, vector<512x128xi32>
    %select_n3A_275 = arith.select %lt3A_267, %slice3A_265, %select_n3A_256 : vector<512x128xi1>, vector<512x128xf32>
    %select_n3A_276 = arith.select %lt3A_266, %select_n3A_261, %select_n3A_275 : vector<512x128xi1>, vector<512x128xf32>
    %jit3A_277 = arith.constant 13 : i32
    %broadcast_in_dim3A_278 = vector.broadcast %jit3A_277 : i32 to vector<512x128xi32>
    %select_n3A_279 = arith.select %lt3A_267, %broadcast_in_dim3A_278, %select_n3A_260 : vector<512x128xi1>, vector<512x128xi32>
    %select_n3A_280 = arith.select %lt3A_266, %select_n3A_264, %select_n3A_279 : vector<512x128xi1>, vector<512x128xi32>
    %select_n3A_281 = arith.select %lt3A_266, %slice3A_265, %select_n3A_261 : vector<512x128xi1>, vector<512x128xf32>
    %jit3A_282 = arith.constant 13 : i32
    %broadcast_in_dim3A_283 = vector.broadcast %jit3A_282 : i32 to vector<512x128xi32>
    %select_n3A_284 = arith.select %lt3A_266, %broadcast_in_dim3A_283, %select_n3A_264 : vector<512x128xi1>, vector<512x128xi32>
    %slice3A_285 = vector.extract_strided_slice %add3A_17 {offsets = [0, 1792], sizes = [512, 128], strides = [1, 1]} : vector<512x8192xf32> to vector<512x128xf32>
    %lt3A_286 = arith.cmpf olt, %slice3A_285, %select_n3A_281 : vector<512x128xf32>
    %lt3A_287 = arith.cmpf olt, %slice3A_285, %select_n3A_276 : vector<512x128xf32>
    %lt3A_288 = arith.cmpf olt, %slice3A_285, %select_n3A_270 : vector<512x128xf32>
    %select_n3A_289 = arith.select %lt3A_288, %slice3A_285, %select_n3A_270 : vector<512x128xi1>, vector<512x128xf32>
    %select_n3A_290 = arith.select %lt3A_287, %select_n3A_276, %select_n3A_289 : vector<512x128xi1>, vector<512x128xf32>
    %jit3A_291 = arith.constant 14 : i32
    %broadcast_in_dim3A_292 = vector.broadcast %jit3A_291 : i32 to vector<512x128xi32>
    %select_n3A_293 = arith.select %lt3A_288, %broadcast_in_dim3A_292, %select_n3A_274 : vector<512x128xi1>, vector<512x128xi32>
    %select_n3A_294 = arith.select %lt3A_287, %select_n3A_280, %select_n3A_293 : vector<512x128xi1>, vector<512x128xi32>
    %select_n3A_295 = arith.select %lt3A_287, %slice3A_285, %select_n3A_276 : vector<512x128xi1>, vector<512x128xf32>
    %select_n3A_296 = arith.select %lt3A_286, %select_n3A_281, %select_n3A_295 : vector<512x128xi1>, vector<512x128xf32>
    %jit3A_297 = arith.constant 14 : i32
    %broadcast_in_dim3A_298 = vector.broadcast %jit3A_297 : i32 to vector<512x128xi32>
    %select_n3A_299 = arith.select %lt3A_287, %broadcast_in_dim3A_298, %select_n3A_280 : vector<512x128xi1>, vector<512x128xi32>
    %select_n3A_300 = arith.select %lt3A_286, %select_n3A_284, %select_n3A_299 : vector<512x128xi1>, vector<512x128xi32>
    %select_n3A_301 = arith.select %lt3A_286, %slice3A_285, %select_n3A_281 : vector<512x128xi1>, vector<512x128xf32>
    %jit3A_302 = arith.constant 14 : i32
    %broadcast_in_dim3A_303 = vector.broadcast %jit3A_302 : i32 to vector<512x128xi32>
    %select_n3A_304 = arith.select %lt3A_286, %broadcast_in_dim3A_303, %select_n3A_284 : vector<512x128xi1>, vector<512x128xi32>
    %slice3A_305 = vector.extract_strided_slice %add3A_17 {offsets = [0, 1920], sizes = [512, 128], strides = [1, 1]} : vector<512x8192xf32> to vector<512x128xf32>
    %lt3A_306 = arith.cmpf olt, %slice3A_305, %select_n3A_301 : vector<512x128xf32>
    %lt3A_307 = arith.cmpf olt, %slice3A_305, %select_n3A_296 : vector<512x128xf32>
    %lt3A_308 = arith.cmpf olt, %slice3A_305, %select_n3A_290 : vector<512x128xf32>
    %select_n3A_309 = arith.select %lt3A_308, %slice3A_305, %select_n3A_290 : vector<512x128xi1>, vector<512x128xf32>
    %select_n3A_310 = arith.select %lt3A_307, %select_n3A_296, %select_n3A_309 : vector<512x128xi1>, vector<512x128xf32>
    %jit3A_311 = arith.constant 15 : i32
    %broadcast_in_dim3A_312 = vector.broadcast %jit3A_311 : i32 to vector<512x128xi32>
    %select_n3A_313 = arith.select %lt3A_308, %broadcast_in_dim3A_312, %select_n3A_294 : vector<512x128xi1>, vector<512x128xi32>
    %select_n3A_314 = arith.select %lt3A_307, %select_n3A_300, %select_n3A_313 : vector<512x128xi1>, vector<512x128xi32>
    %select_n3A_315 = arith.select %lt3A_307, %slice3A_305, %select_n3A_296 : vector<512x128xi1>, vector<512x128xf32>
    %select_n3A_316 = arith.select %lt3A_306, %select_n3A_301, %select_n3A_315 : vector<512x128xi1>, vector<512x128xf32>
    %jit3A_317 = arith.constant 15 : i32
    %broadcast_in_dim3A_318 = vector.broadcast %jit3A_317 : i32 to vector<512x128xi32>
    %select_n3A_319 = arith.select %lt3A_307, %broadcast_in_dim3A_318, %select_n3A_300 : vector<512x128xi1>, vector<512x128xi32>
    %select_n3A_320 = arith.select %lt3A_306, %select_n3A_304, %select_n3A_319 : vector<512x128xi1>, vector<512x128xi32>
    %select_n3A_321 = arith.select %lt3A_306, %slice3A_305, %select_n3A_301 : vector<512x128xi1>, vector<512x128xf32>
    %jit3A_322 = arith.constant 15 : i32
    %broadcast_in_dim3A_323 = vector.broadcast %jit3A_322 : i32 to vector<512x128xi32>
    %select_n3A_324 = arith.select %lt3A_306, %broadcast_in_dim3A_323, %select_n3A_304 : vector<512x128xi1>, vector<512x128xi32>
    %slice3A_325 = vector.extract_strided_slice %add3A_17 {offsets = [0, 2048], sizes = [512, 128], strides = [1, 1]} : vector<512x8192xf32> to vector<512x128xf32>
    %lt3A_326 = arith.cmpf olt, %slice3A_325, %select_n3A_321 : vector<512x128xf32>
    %lt3A_327 = arith.cmpf olt, %slice3A_325, %select_n3A_316 : vector<512x128xf32>
    %lt3A_328 = arith.cmpf olt, %slice3A_325, %select_n3A_310 : vector<512x128xf32>
    %select_n3A_329 = arith.select %lt3A_328, %slice3A_325, %select_n3A_310 : vector<512x128xi1>, vector<512x128xf32>
    %select_n3A_330 = arith.select %lt3A_327, %select_n3A_316, %select_n3A_329 : vector<512x128xi1>, vector<512x128xf32>
    %jit3A_331 = arith.constant 16 : i32
    %broadcast_in_dim3A_332 = vector.broadcast %jit3A_331 : i32 to vector<512x128xi32>
    %select_n3A_333 = arith.select %lt3A_328, %broadcast_in_dim3A_332, %select_n3A_314 : vector<512x128xi1>, vector<512x128xi32>
    %select_n3A_334 = arith.select %lt3A_327, %select_n3A_320, %select_n3A_333 : vector<512x128xi1>, vector<512x128xi32>
    %select_n3A_335 = arith.select %lt3A_327, %slice3A_325, %select_n3A_316 : vector<512x128xi1>, vector<512x128xf32>
    %select_n3A_336 = arith.select %lt3A_326, %select_n3A_321, %select_n3A_335 : vector<512x128xi1>, vector<512x128xf32>
    %jit3A_337 = arith.constant 16 : i32
    %broadcast_in_dim3A_338 = vector.broadcast %jit3A_337 : i32 to vector<512x128xi32>
    %select_n3A_339 = arith.select %lt3A_327, %broadcast_in_dim3A_338, %select_n3A_320 : vector<512x128xi1>, vector<512x128xi32>
    %select_n3A_340 = arith.select %lt3A_326, %select_n3A_324, %select_n3A_339 : vector<512x128xi1>, vector<512x128xi32>
    %select_n3A_341 = arith.select %lt3A_326, %slice3A_325, %select_n3A_321 : vector<512x128xi1>, vector<512x128xf32>
    %jit3A_342 = arith.constant 16 : i32
    %broadcast_in_dim3A_343 = vector.broadcast %jit3A_342 : i32 to vector<512x128xi32>
    %select_n3A_344 = arith.select %lt3A_326, %broadcast_in_dim3A_343, %select_n3A_324 : vector<512x128xi1>, vector<512x128xi32>
    %slice3A_345 = vector.extract_strided_slice %add3A_17 {offsets = [0, 2176], sizes = [512, 128], strides = [1, 1]} : vector<512x8192xf32> to vector<512x128xf32>
    %lt3A_346 = arith.cmpf olt, %slice3A_345, %select_n3A_341 : vector<512x128xf32>
    %lt3A_347 = arith.cmpf olt, %slice3A_345, %select_n3A_336 : vector<512x128xf32>
    %lt3A_348 = arith.cmpf olt, %slice3A_345, %select_n3A_330 : vector<512x128xf32>
    %select_n3A_349 = arith.select %lt3A_348, %slice3A_345, %select_n3A_330 : vector<512x128xi1>, vector<512x128xf32>
    %select_n3A_350 = arith.select %lt3A_347, %select_n3A_336, %select_n3A_349 : vector<512x128xi1>, vector<512x128xf32>
    %jit3A_351 = arith.constant 17 : i32
    %broadcast_in_dim3A_352 = vector.broadcast %jit3A_351 : i32 to vector<512x128xi32>
    %select_n3A_353 = arith.select %lt3A_348, %broadcast_in_dim3A_352, %select_n3A_334 : vector<512x128xi1>, vector<512x128xi32>
    %select_n3A_354 = arith.select %lt3A_347, %select_n3A_340, %select_n3A_353 : vector<512x128xi1>, vector<512x128xi32>
    %select_n3A_355 = arith.select %lt3A_347, %slice3A_345, %select_n3A_336 : vector<512x128xi1>, vector<512x128xf32>
    %select_n3A_356 = arith.select %lt3A_346, %select_n3A_341, %select_n3A_355 : vector<512x128xi1>, vector<512x128xf32>
    %jit3A_357 = arith.constant 17 : i32
    %broadcast_in_dim3A_358 = vector.broadcast %jit3A_357 : i32 to vector<512x128xi32>
    %select_n3A_359 = arith.select %lt3A_347, %broadcast_in_dim3A_358, %select_n3A_340 : vector<512x128xi1>, vector<512x128xi32>
    %select_n3A_360 = arith.select %lt3A_346, %select_n3A_344, %select_n3A_359 : vector<512x128xi1>, vector<512x128xi32>
    %select_n3A_361 = arith.select %lt3A_346, %slice3A_345, %select_n3A_341 : vector<512x128xi1>, vector<512x128xf32>
    %jit3A_362 = arith.constant 17 : i32
    %broadcast_in_dim3A_363 = vector.broadcast %jit3A_362 : i32 to vector<512x128xi32>
    %select_n3A_364 = arith.select %lt3A_346, %broadcast_in_dim3A_363, %select_n3A_344 : vector<512x128xi1>, vector<512x128xi32>
    %slice3A_365 = vector.extract_strided_slice %add3A_17 {offsets = [0, 2304], sizes = [512, 128], strides = [1, 1]} : vector<512x8192xf32> to vector<512x128xf32>
    %lt3A_366 = arith.cmpf olt, %slice3A_365, %select_n3A_361 : vector<512x128xf32>
    %lt3A_367 = arith.cmpf olt, %slice3A_365, %select_n3A_356 : vector<512x128xf32>
    %lt3A_368 = arith.cmpf olt, %slice3A_365, %select_n3A_350 : vector<512x128xf32>
    %select_n3A_369 = arith.select %lt3A_368, %slice3A_365, %select_n3A_350 : vector<512x128xi1>, vector<512x128xf32>
    %select_n3A_370 = arith.select %lt3A_367, %select_n3A_356, %select_n3A_369 : vector<512x128xi1>, vector<512x128xf32>
    %jit3A_371 = arith.constant 18 : i32
    %broadcast_in_dim3A_372 = vector.broadcast %jit3A_371 : i32 to vector<512x128xi32>
    %select_n3A_373 = arith.select %lt3A_368, %broadcast_in_dim3A_372, %select_n3A_354 : vector<512x128xi1>, vector<512x128xi32>
    %select_n3A_374 = arith.select %lt3A_367, %select_n3A_360, %select_n3A_373 : vector<512x128xi1>, vector<512x128xi32>
    %select_n3A_375 = arith.select %lt3A_367, %slice3A_365, %select_n3A_356 : vector<512x128xi1>, vector<512x128xf32>
    %select_n3A_376 = arith.select %lt3A_366, %select_n3A_361, %select_n3A_375 : vector<512x128xi1>, vector<512x128xf32>
    %jit3A_377 = arith.constant 18 : i32
    %broadcast_in_dim3A_378 = vector.broadcast %jit3A_377 : i32 to vector<512x128xi32>
    %select_n3A_379 = arith.select %lt3A_367, %broadcast_in_dim3A_378, %select_n3A_360 : vector<512x128xi1>, vector<512x128xi32>
    %select_n3A_380 = arith.select %lt3A_366, %select_n3A_364, %select_n3A_379 : vector<512x128xi1>, vector<512x128xi32>
    %select_n3A_381 = arith.select %lt3A_366, %slice3A_365, %select_n3A_361 : vector<512x128xi1>, vector<512x128xf32>
    %jit3A_382 = arith.constant 18 : i32
    %broadcast_in_dim3A_383 = vector.broadcast %jit3A_382 : i32 to vector<512x128xi32>
    %select_n3A_384 = arith.select %lt3A_366, %broadcast_in_dim3A_383, %select_n3A_364 : vector<512x128xi1>, vector<512x128xi32>
    %slice3A_385 = vector.extract_strided_slice %add3A_17 {offsets = [0, 2432], sizes = [512, 128], strides = [1, 1]} : vector<512x8192xf32> to vector<512x128xf32>
    %lt3A_386 = arith.cmpf olt, %slice3A_385, %select_n3A_381 : vector<512x128xf32>
    %lt3A_387 = arith.cmpf olt, %slice3A_385, %select_n3A_376 : vector<512x128xf32>
    %lt3A_388 = arith.cmpf olt, %slice3A_385, %select_n3A_370 : vector<512x128xf32>
    %select_n3A_389 = arith.select %lt3A_388, %slice3A_385, %select_n3A_370 : vector<512x128xi1>, vector<512x128xf32>
    %select_n3A_390 = arith.select %lt3A_387, %select_n3A_376, %select_n3A_389 : vector<512x128xi1>, vector<512x128xf32>
    %jit3A_391 = arith.constant 19 : i32
    %broadcast_in_dim3A_392 = vector.broadcast %jit3A_391 : i32 to vector<512x128xi32>
    %select_n3A_393 = arith.select %lt3A_388, %broadcast_in_dim3A_392, %select_n3A_374 : vector<512x128xi1>, vector<512x128xi32>
    %select_n3A_394 = arith.select %lt3A_387, %select_n3A_380, %select_n3A_393 : vector<512x128xi1>, vector<512x128xi32>
    %select_n3A_395 = arith.select %lt3A_387, %slice3A_385, %select_n3A_376 : vector<512x128xi1>, vector<512x128xf32>
    %select_n3A_396 = arith.select %lt3A_386, %select_n3A_381, %select_n3A_395 : vector<512x128xi1>, vector<512x128xf32>
    %jit3A_397 = arith.constant 19 : i32
    %broadcast_in_dim3A_398 = vector.broadcast %jit3A_397 : i32 to vector<512x128xi32>
    %select_n3A_399 = arith.select %lt3A_387, %broadcast_in_dim3A_398, %select_n3A_380 : vector<512x128xi1>, vector<512x128xi32>
    %select_n3A_400 = arith.select %lt3A_386, %select_n3A_384, %select_n3A_399 : vector<512x128xi1>, vector<512x128xi32>
    %select_n3A_401 = arith.select %lt3A_386, %slice3A_385, %select_n3A_381 : vector<512x128xi1>, vector<512x128xf32>
    %jit3A_402 = arith.constant 19 : i32
    %broadcast_in_dim3A_403 = vector.broadcast %jit3A_402 : i32 to vector<512x128xi32>
    %select_n3A_404 = arith.select %lt3A_386, %broadcast_in_dim3A_403, %select_n3A_384 : vector<512x128xi1>, vector<512x128xi32>
    %slice3A_405 = vector.extract_strided_slice %add3A_17 {offsets = [0, 2560], sizes = [512, 128], strides = [1, 1]} : vector<512x8192xf32> to vector<512x128xf32>
    %lt3A_406 = arith.cmpf olt, %slice3A_405, %select_n3A_401 : vector<512x128xf32>
    %lt3A_407 = arith.cmpf olt, %slice3A_405, %select_n3A_396 : vector<512x128xf32>
    %lt3A_408 = arith.cmpf olt, %slice3A_405, %select_n3A_390 : vector<512x128xf32>
    %select_n3A_409 = arith.select %lt3A_408, %slice3A_405, %select_n3A_390 : vector<512x128xi1>, vector<512x128xf32>
    %select_n3A_410 = arith.select %lt3A_407, %select_n3A_396, %select_n3A_409 : vector<512x128xi1>, vector<512x128xf32>
    %jit3A_411 = arith.constant 20 : i32
    %broadcast_in_dim3A_412 = vector.broadcast %jit3A_411 : i32 to vector<512x128xi32>
    %select_n3A_413 = arith.select %lt3A_408, %broadcast_in_dim3A_412, %select_n3A_394 : vector<512x128xi1>, vector<512x128xi32>
    %select_n3A_414 = arith.select %lt3A_407, %select_n3A_400, %select_n3A_413 : vector<512x128xi1>, vector<512x128xi32>
    %select_n3A_415 = arith.select %lt3A_407, %slice3A_405, %select_n3A_396 : vector<512x128xi1>, vector<512x128xf32>
    %select_n3A_416 = arith.select %lt3A_406, %select_n3A_401, %select_n3A_415 : vector<512x128xi1>, vector<512x128xf32>
    %jit3A_417 = arith.constant 20 : i32
    %broadcast_in_dim3A_418 = vector.broadcast %jit3A_417 : i32 to vector<512x128xi32>
    %select_n3A_419 = arith.select %lt3A_407, %broadcast_in_dim3A_418, %select_n3A_400 : vector<512x128xi1>, vector<512x128xi32>
    %select_n3A_420 = arith.select %lt3A_406, %select_n3A_404, %select_n3A_419 : vector<512x128xi1>, vector<512x128xi32>
    %select_n3A_421 = arith.select %lt3A_406, %slice3A_405, %select_n3A_401 : vector<512x128xi1>, vector<512x128xf32>
    %jit3A_422 = arith.constant 20 : i32
    %broadcast_in_dim3A_423 = vector.broadcast %jit3A_422 : i32 to vector<512x128xi32>
    %select_n3A_424 = arith.select %lt3A_406, %broadcast_in_dim3A_423, %select_n3A_404 : vector<512x128xi1>, vector<512x128xi32>
    %slice3A_425 = vector.extract_strided_slice %add3A_17 {offsets = [0, 2688], sizes = [512, 128], strides = [1, 1]} : vector<512x8192xf32> to vector<512x128xf32>
    %lt3A_426 = arith.cmpf olt, %slice3A_425, %select_n3A_421 : vector<512x128xf32>
    %lt3A_427 = arith.cmpf olt, %slice3A_425, %select_n3A_416 : vector<512x128xf32>
    %lt3A_428 = arith.cmpf olt, %slice3A_425, %select_n3A_410 : vector<512x128xf32>
    %select_n3A_429 = arith.select %lt3A_428, %slice3A_425, %select_n3A_410 : vector<512x128xi1>, vector<512x128xf32>
    %select_n3A_430 = arith.select %lt3A_427, %select_n3A_416, %select_n3A_429 : vector<512x128xi1>, vector<512x128xf32>
    %jit3A_431 = arith.constant 21 : i32
    %broadcast_in_dim3A_432 = vector.broadcast %jit3A_431 : i32 to vector<512x128xi32>
    %select_n3A_433 = arith.select %lt3A_428, %broadcast_in_dim3A_432, %select_n3A_414 : vector<512x128xi1>, vector<512x128xi32>
    %select_n3A_434 = arith.select %lt3A_427, %select_n3A_420, %select_n3A_433 : vector<512x128xi1>, vector<512x128xi32>
    %select_n3A_435 = arith.select %lt3A_427, %slice3A_425, %select_n3A_416 : vector<512x128xi1>, vector<512x128xf32>
    %select_n3A_436 = arith.select %lt3A_426, %select_n3A_421, %select_n3A_435 : vector<512x128xi1>, vector<512x128xf32>
    %jit3A_437 = arith.constant 21 : i32
    %broadcast_in_dim3A_438 = vector.broadcast %jit3A_437 : i32 to vector<512x128xi32>
    %select_n3A_439 = arith.select %lt3A_427, %broadcast_in_dim3A_438, %select_n3A_420 : vector<512x128xi1>, vector<512x128xi32>
    %select_n3A_440 = arith.select %lt3A_426, %select_n3A_424, %select_n3A_439 : vector<512x128xi1>, vector<512x128xi32>
    %select_n3A_441 = arith.select %lt3A_426, %slice3A_425, %select_n3A_421 : vector<512x128xi1>, vector<512x128xf32>
    %jit3A_442 = arith.constant 21 : i32
    %broadcast_in_dim3A_443 = vector.broadcast %jit3A_442 : i32 to vector<512x128xi32>
    %select_n3A_444 = arith.select %lt3A_426, %broadcast_in_dim3A_443, %select_n3A_424 : vector<512x128xi1>, vector<512x128xi32>
    %slice3A_445 = vector.extract_strided_slice %add3A_17 {offsets = [0, 2816], sizes = [512, 128], strides = [1, 1]} : vector<512x8192xf32> to vector<512x128xf32>
    %lt3A_446 = arith.cmpf olt, %slice3A_445, %select_n3A_441 : vector<512x128xf32>
    %lt3A_447 = arith.cmpf olt, %slice3A_445, %select_n3A_436 : vector<512x128xf32>
    %lt3A_448 = arith.cmpf olt, %slice3A_445, %select_n3A_430 : vector<512x128xf32>
    %select_n3A_449 = arith.select %lt3A_448, %slice3A_445, %select_n3A_430 : vector<512x128xi1>, vector<512x128xf32>
    %select_n3A_450 = arith.select %lt3A_447, %select_n3A_436, %select_n3A_449 : vector<512x128xi1>, vector<512x128xf32>
    %jit3A_451 = arith.constant 22 : i32
    %broadcast_in_dim3A_452 = vector.broadcast %jit3A_451 : i32 to vector<512x128xi32>
    %select_n3A_453 = arith.select %lt3A_448, %broadcast_in_dim3A_452, %select_n3A_434 : vector<512x128xi1>, vector<512x128xi32>
    %select_n3A_454 = arith.select %lt3A_447, %select_n3A_440, %select_n3A_453 : vector<512x128xi1>, vector<512x128xi32>
    %select_n3A_455 = arith.select %lt3A_447, %slice3A_445, %select_n3A_436 : vector<512x128xi1>, vector<512x128xf32>
    %select_n3A_456 = arith.select %lt3A_446, %select_n3A_441, %select_n3A_455 : vector<512x128xi1>, vector<512x128xf32>
    %jit3A_457 = arith.constant 22 : i32
    %broadcast_in_dim3A_458 = vector.broadcast %jit3A_457 : i32 to vector<512x128xi32>
    %select_n3A_459 = arith.select %lt3A_447, %broadcast_in_dim3A_458, %select_n3A_440 : vector<512x128xi1>, vector<512x128xi32>
    %select_n3A_460 = arith.select %lt3A_446, %select_n3A_444, %select_n3A_459 : vector<512x128xi1>, vector<512x128xi32>
    %select_n3A_461 = arith.select %lt3A_446, %slice3A_445, %select_n3A_441 : vector<512x128xi1>, vector<512x128xf32>
    %jit3A_462 = arith.constant 22 : i32
    %broadcast_in_dim3A_463 = vector.broadcast %jit3A_462 : i32 to vector<512x128xi32>
    %select_n3A_464 = arith.select %lt3A_446, %broadcast_in_dim3A_463, %select_n3A_444 : vector<512x128xi1>, vector<512x128xi32>
    %slice3A_465 = vector.extract_strided_slice %add3A_17 {offsets = [0, 2944], sizes = [512, 128], strides = [1, 1]} : vector<512x8192xf32> to vector<512x128xf32>
    %lt3A_466 = arith.cmpf olt, %slice3A_465, %select_n3A_461 : vector<512x128xf32>
    %lt3A_467 = arith.cmpf olt, %slice3A_465, %select_n3A_456 : vector<512x128xf32>
    %lt3A_468 = arith.cmpf olt, %slice3A_465, %select_n3A_450 : vector<512x128xf32>
    %select_n3A_469 = arith.select %lt3A_468, %slice3A_465, %select_n3A_450 : vector<512x128xi1>, vector<512x128xf32>
    %select_n3A_470 = arith.select %lt3A_467, %select_n3A_456, %select_n3A_469 : vector<512x128xi1>, vector<512x128xf32>
    %jit3A_471 = arith.constant 23 : i32
    %broadcast_in_dim3A_472 = vector.broadcast %jit3A_471 : i32 to vector<512x128xi32>
    %select_n3A_473 = arith.select %lt3A_468, %broadcast_in_dim3A_472, %select_n3A_454 : vector<512x128xi1>, vector<512x128xi32>
    %select_n3A_474 = arith.select %lt3A_467, %select_n3A_460, %select_n3A_473 : vector<512x128xi1>, vector<512x128xi32>
    %select_n3A_475 = arith.select %lt3A_467, %slice3A_465, %select_n3A_456 : vector<512x128xi1>, vector<512x128xf32>
    %select_n3A_476 = arith.select %lt3A_466, %select_n3A_461, %select_n3A_475 : vector<512x128xi1>, vector<512x128xf32>
    %jit3A_477 = arith.constant 23 : i32
    %broadcast_in_dim3A_478 = vector.broadcast %jit3A_477 : i32 to vector<512x128xi32>
    %select_n3A_479 = arith.select %lt3A_467, %broadcast_in_dim3A_478, %select_n3A_460 : vector<512x128xi1>, vector<512x128xi32>
    %select_n3A_480 = arith.select %lt3A_466, %select_n3A_464, %select_n3A_479 : vector<512x128xi1>, vector<512x128xi32>
    %select_n3A_481 = arith.select %lt3A_466, %slice3A_465, %select_n3A_461 : vector<512x128xi1>, vector<512x128xf32>
    %jit3A_482 = arith.constant 23 : i32
    %broadcast_in_dim3A_483 = vector.broadcast %jit3A_482 : i32 to vector<512x128xi32>
    %select_n3A_484 = arith.select %lt3A_466, %broadcast_in_dim3A_483, %select_n3A_464 : vector<512x128xi1>, vector<512x128xi32>
    %slice3A_485 = vector.extract_strided_slice %add3A_17 {offsets = [0, 3072], sizes = [512, 128], strides = [1, 1]} : vector<512x8192xf32> to vector<512x128xf32>
    %lt3A_486 = arith.cmpf olt, %slice3A_485, %select_n3A_481 : vector<512x128xf32>
    %lt3A_487 = arith.cmpf olt, %slice3A_485, %select_n3A_476 : vector<512x128xf32>
    %lt3A_488 = arith.cmpf olt, %slice3A_485, %select_n3A_470 : vector<512x128xf32>
    %select_n3A_489 = arith.select %lt3A_488, %slice3A_485, %select_n3A_470 : vector<512x128xi1>, vector<512x128xf32>
    %select_n3A_490 = arith.select %lt3A_487, %select_n3A_476, %select_n3A_489 : vector<512x128xi1>, vector<512x128xf32>
    %jit3A_491 = arith.constant 24 : i32
    %broadcast_in_dim3A_492 = vector.broadcast %jit3A_491 : i32 to vector<512x128xi32>
    %select_n3A_493 = arith.select %lt3A_488, %broadcast_in_dim3A_492, %select_n3A_474 : vector<512x128xi1>, vector<512x128xi32>
    %select_n3A_494 = arith.select %lt3A_487, %select_n3A_480, %select_n3A_493 : vector<512x128xi1>, vector<512x128xi32>
    %select_n3A_495 = arith.select %lt3A_487, %slice3A_485, %select_n3A_476 : vector<512x128xi1>, vector<512x128xf32>
    %select_n3A_496 = arith.select %lt3A_486, %select_n3A_481, %select_n3A_495 : vector<512x128xi1>, vector<512x128xf32>
    %jit3A_497 = arith.constant 24 : i32
    %broadcast_in_dim3A_498 = vector.broadcast %jit3A_497 : i32 to vector<512x128xi32>
    %select_n3A_499 = arith.select %lt3A_487, %broadcast_in_dim3A_498, %select_n3A_480 : vector<512x128xi1>, vector<512x128xi32>
    %select_n3A_500 = arith.select %lt3A_486, %select_n3A_484, %select_n3A_499 : vector<512x128xi1>, vector<512x128xi32>
    %select_n3A_501 = arith.select %lt3A_486, %slice3A_485, %select_n3A_481 : vector<512x128xi1>, vector<512x128xf32>
    %jit3A_502 = arith.constant 24 : i32
    %broadcast_in_dim3A_503 = vector.broadcast %jit3A_502 : i32 to vector<512x128xi32>
    %select_n3A_504 = arith.select %lt3A_486, %broadcast_in_dim3A_503, %select_n3A_484 : vector<512x128xi1>, vector<512x128xi32>
    %slice3A_505 = vector.extract_strided_slice %add3A_17 {offsets = [0, 3200], sizes = [512, 128], strides = [1, 1]} : vector<512x8192xf32> to vector<512x128xf32>
    %lt3A_506 = arith.cmpf olt, %slice3A_505, %select_n3A_501 : vector<512x128xf32>
    %lt3A_507 = arith.cmpf olt, %slice3A_505, %select_n3A_496 : vector<512x128xf32>
    %lt3A_508 = arith.cmpf olt, %slice3A_505, %select_n3A_490 : vector<512x128xf32>
    %select_n3A_509 = arith.select %lt3A_508, %slice3A_505, %select_n3A_490 : vector<512x128xi1>, vector<512x128xf32>
    %select_n3A_510 = arith.select %lt3A_507, %select_n3A_496, %select_n3A_509 : vector<512x128xi1>, vector<512x128xf32>
    %jit3A_511 = arith.constant 25 : i32
    %broadcast_in_dim3A_512 = vector.broadcast %jit3A_511 : i32 to vector<512x128xi32>
    %select_n3A_513 = arith.select %lt3A_508, %broadcast_in_dim3A_512, %select_n3A_494 : vector<512x128xi1>, vector<512x128xi32>
    %select_n3A_514 = arith.select %lt3A_507, %select_n3A_500, %select_n3A_513 : vector<512x128xi1>, vector<512x128xi32>
    %select_n3A_515 = arith.select %lt3A_507, %slice3A_505, %select_n3A_496 : vector<512x128xi1>, vector<512x128xf32>
    %select_n3A_516 = arith.select %lt3A_506, %select_n3A_501, %select_n3A_515 : vector<512x128xi1>, vector<512x128xf32>
    %jit3A_517 = arith.constant 25 : i32
    %broadcast_in_dim3A_518 = vector.broadcast %jit3A_517 : i32 to vector<512x128xi32>
    %select_n3A_519 = arith.select %lt3A_507, %broadcast_in_dim3A_518, %select_n3A_500 : vector<512x128xi1>, vector<512x128xi32>
    %select_n3A_520 = arith.select %lt3A_506, %select_n3A_504, %select_n3A_519 : vector<512x128xi1>, vector<512x128xi32>
    %select_n3A_521 = arith.select %lt3A_506, %slice3A_505, %select_n3A_501 : vector<512x128xi1>, vector<512x128xf32>
    %jit3A_522 = arith.constant 25 : i32
    %broadcast_in_dim3A_523 = vector.broadcast %jit3A_522 : i32 to vector<512x128xi32>
    %select_n3A_524 = arith.select %lt3A_506, %broadcast_in_dim3A_523, %select_n3A_504 : vector<512x128xi1>, vector<512x128xi32>
    %slice3A_525 = vector.extract_strided_slice %add3A_17 {offsets = [0, 3328], sizes = [512, 128], strides = [1, 1]} : vector<512x8192xf32> to vector<512x128xf32>
    %lt3A_526 = arith.cmpf olt, %slice3A_525, %select_n3A_521 : vector<512x128xf32>
    %lt3A_527 = arith.cmpf olt, %slice3A_525, %select_n3A_516 : vector<512x128xf32>
    %lt3A_528 = arith.cmpf olt, %slice3A_525, %select_n3A_510 : vector<512x128xf32>
    %select_n3A_529 = arith.select %lt3A_528, %slice3A_525, %select_n3A_510 : vector<512x128xi1>, vector<512x128xf32>
    %select_n3A_530 = arith.select %lt3A_527, %select_n3A_516, %select_n3A_529 : vector<512x128xi1>, vector<512x128xf32>
    %jit3A_531 = arith.constant 26 : i32
    %broadcast_in_dim3A_532 = vector.broadcast %jit3A_531 : i32 to vector<512x128xi32>
    %select_n3A_533 = arith.select %lt3A_528, %broadcast_in_dim3A_532, %select_n3A_514 : vector<512x128xi1>, vector<512x128xi32>
    %select_n3A_534 = arith.select %lt3A_527, %select_n3A_520, %select_n3A_533 : vector<512x128xi1>, vector<512x128xi32>
    %select_n3A_535 = arith.select %lt3A_527, %slice3A_525, %select_n3A_516 : vector<512x128xi1>, vector<512x128xf32>
    %select_n3A_536 = arith.select %lt3A_526, %select_n3A_521, %select_n3A_535 : vector<512x128xi1>, vector<512x128xf32>
    %jit3A_537 = arith.constant 26 : i32
    %broadcast_in_dim3A_538 = vector.broadcast %jit3A_537 : i32 to vector<512x128xi32>
    %select_n3A_539 = arith.select %lt3A_527, %broadcast_in_dim3A_538, %select_n3A_520 : vector<512x128xi1>, vector<512x128xi32>
    %select_n3A_540 = arith.select %lt3A_526, %select_n3A_524, %select_n3A_539 : vector<512x128xi1>, vector<512x128xi32>
    %select_n3A_541 = arith.select %lt3A_526, %slice3A_525, %select_n3A_521 : vector<512x128xi1>, vector<512x128xf32>
    %jit3A_542 = arith.constant 26 : i32
    %broadcast_in_dim3A_543 = vector.broadcast %jit3A_542 : i32 to vector<512x128xi32>
    %select_n3A_544 = arith.select %lt3A_526, %broadcast_in_dim3A_543, %select_n3A_524 : vector<512x128xi1>, vector<512x128xi32>
    %slice3A_545 = vector.extract_strided_slice %add3A_17 {offsets = [0, 3456], sizes = [512, 128], strides = [1, 1]} : vector<512x8192xf32> to vector<512x128xf32>
    %lt3A_546 = arith.cmpf olt, %slice3A_545, %select_n3A_541 : vector<512x128xf32>
    %lt3A_547 = arith.cmpf olt, %slice3A_545, %select_n3A_536 : vector<512x128xf32>
    %lt3A_548 = arith.cmpf olt, %slice3A_545, %select_n3A_530 : vector<512x128xf32>
    %select_n3A_549 = arith.select %lt3A_548, %slice3A_545, %select_n3A_530 : vector<512x128xi1>, vector<512x128xf32>
    %select_n3A_550 = arith.select %lt3A_547, %select_n3A_536, %select_n3A_549 : vector<512x128xi1>, vector<512x128xf32>
    %jit3A_551 = arith.constant 27 : i32
    %broadcast_in_dim3A_552 = vector.broadcast %jit3A_551 : i32 to vector<512x128xi32>
    %select_n3A_553 = arith.select %lt3A_548, %broadcast_in_dim3A_552, %select_n3A_534 : vector<512x128xi1>, vector<512x128xi32>
    %select_n3A_554 = arith.select %lt3A_547, %select_n3A_540, %select_n3A_553 : vector<512x128xi1>, vector<512x128xi32>
    %select_n3A_555 = arith.select %lt3A_547, %slice3A_545, %select_n3A_536 : vector<512x128xi1>, vector<512x128xf32>
    %select_n3A_556 = arith.select %lt3A_546, %select_n3A_541, %select_n3A_555 : vector<512x128xi1>, vector<512x128xf32>
    %jit3A_557 = arith.constant 27 : i32
    %broadcast_in_dim3A_558 = vector.broadcast %jit3A_557 : i32 to vector<512x128xi32>
    %select_n3A_559 = arith.select %lt3A_547, %broadcast_in_dim3A_558, %select_n3A_540 : vector<512x128xi1>, vector<512x128xi32>
    %select_n3A_560 = arith.select %lt3A_546, %select_n3A_544, %select_n3A_559 : vector<512x128xi1>, vector<512x128xi32>
    %select_n3A_561 = arith.select %lt3A_546, %slice3A_545, %select_n3A_541 : vector<512x128xi1>, vector<512x128xf32>
    %jit3A_562 = arith.constant 27 : i32
    %broadcast_in_dim3A_563 = vector.broadcast %jit3A_562 : i32 to vector<512x128xi32>
    %select_n3A_564 = arith.select %lt3A_546, %broadcast_in_dim3A_563, %select_n3A_544 : vector<512x128xi1>, vector<512x128xi32>
    %slice3A_565 = vector.extract_strided_slice %add3A_17 {offsets = [0, 3584], sizes = [512, 128], strides = [1, 1]} : vector<512x8192xf32> to vector<512x128xf32>
    %lt3A_566 = arith.cmpf olt, %slice3A_565, %select_n3A_561 : vector<512x128xf32>
    %lt3A_567 = arith.cmpf olt, %slice3A_565, %select_n3A_556 : vector<512x128xf32>
    %lt3A_568 = arith.cmpf olt, %slice3A_565, %select_n3A_550 : vector<512x128xf32>
    %select_n3A_569 = arith.select %lt3A_568, %slice3A_565, %select_n3A_550 : vector<512x128xi1>, vector<512x128xf32>
    %select_n3A_570 = arith.select %lt3A_567, %select_n3A_556, %select_n3A_569 : vector<512x128xi1>, vector<512x128xf32>
    %jit3A_571 = arith.constant 28 : i32
    %broadcast_in_dim3A_572 = vector.broadcast %jit3A_571 : i32 to vector<512x128xi32>
    %select_n3A_573 = arith.select %lt3A_568, %broadcast_in_dim3A_572, %select_n3A_554 : vector<512x128xi1>, vector<512x128xi32>
    %select_n3A_574 = arith.select %lt3A_567, %select_n3A_560, %select_n3A_573 : vector<512x128xi1>, vector<512x128xi32>
    %select_n3A_575 = arith.select %lt3A_567, %slice3A_565, %select_n3A_556 : vector<512x128xi1>, vector<512x128xf32>
    %select_n3A_576 = arith.select %lt3A_566, %select_n3A_561, %select_n3A_575 : vector<512x128xi1>, vector<512x128xf32>
    %jit3A_577 = arith.constant 28 : i32
    %broadcast_in_dim3A_578 = vector.broadcast %jit3A_577 : i32 to vector<512x128xi32>
    %select_n3A_579 = arith.select %lt3A_567, %broadcast_in_dim3A_578, %select_n3A_560 : vector<512x128xi1>, vector<512x128xi32>
    %select_n3A_580 = arith.select %lt3A_566, %select_n3A_564, %select_n3A_579 : vector<512x128xi1>, vector<512x128xi32>
    %select_n3A_581 = arith.select %lt3A_566, %slice3A_565, %select_n3A_561 : vector<512x128xi1>, vector<512x128xf32>
    %jit3A_582 = arith.constant 28 : i32
    %broadcast_in_dim3A_583 = vector.broadcast %jit3A_582 : i32 to vector<512x128xi32>
    %select_n3A_584 = arith.select %lt3A_566, %broadcast_in_dim3A_583, %select_n3A_564 : vector<512x128xi1>, vector<512x128xi32>
    %slice3A_585 = vector.extract_strided_slice %add3A_17 {offsets = [0, 3712], sizes = [512, 128], strides = [1, 1]} : vector<512x8192xf32> to vector<512x128xf32>
    %lt3A_586 = arith.cmpf olt, %slice3A_585, %select_n3A_581 : vector<512x128xf32>
    %lt3A_587 = arith.cmpf olt, %slice3A_585, %select_n3A_576 : vector<512x128xf32>
    %lt3A_588 = arith.cmpf olt, %slice3A_585, %select_n3A_570 : vector<512x128xf32>
    %select_n3A_589 = arith.select %lt3A_588, %slice3A_585, %select_n3A_570 : vector<512x128xi1>, vector<512x128xf32>
    %select_n3A_590 = arith.select %lt3A_587, %select_n3A_576, %select_n3A_589 : vector<512x128xi1>, vector<512x128xf32>
    %jit3A_591 = arith.constant 29 : i32
    %broadcast_in_dim3A_592 = vector.broadcast %jit3A_591 : i32 to vector<512x128xi32>
    %select_n3A_593 = arith.select %lt3A_588, %broadcast_in_dim3A_592, %select_n3A_574 : vector<512x128xi1>, vector<512x128xi32>
    %select_n3A_594 = arith.select %lt3A_587, %select_n3A_580, %select_n3A_593 : vector<512x128xi1>, vector<512x128xi32>
    %select_n3A_595 = arith.select %lt3A_587, %slice3A_585, %select_n3A_576 : vector<512x128xi1>, vector<512x128xf32>
    %select_n3A_596 = arith.select %lt3A_586, %select_n3A_581, %select_n3A_595 : vector<512x128xi1>, vector<512x128xf32>
    %jit3A_597 = arith.constant 29 : i32
    %broadcast_in_dim3A_598 = vector.broadcast %jit3A_597 : i32 to vector<512x128xi32>
    %select_n3A_599 = arith.select %lt3A_587, %broadcast_in_dim3A_598, %select_n3A_580 : vector<512x128xi1>, vector<512x128xi32>
    %select_n3A_600 = arith.select %lt3A_586, %select_n3A_584, %select_n3A_599 : vector<512x128xi1>, vector<512x128xi32>
    %select_n3A_601 = arith.select %lt3A_586, %slice3A_585, %select_n3A_581 : vector<512x128xi1>, vector<512x128xf32>
    %jit3A_602 = arith.constant 29 : i32
    %broadcast_in_dim3A_603 = vector.broadcast %jit3A_602 : i32 to vector<512x128xi32>
    %select_n3A_604 = arith.select %lt3A_586, %broadcast_in_dim3A_603, %select_n3A_584 : vector<512x128xi1>, vector<512x128xi32>
    %slice3A_605 = vector.extract_strided_slice %add3A_17 {offsets = [0, 3840], sizes = [512, 128], strides = [1, 1]} : vector<512x8192xf32> to vector<512x128xf32>
    %lt3A_606 = arith.cmpf olt, %slice3A_605, %select_n3A_601 : vector<512x128xf32>
    %lt3A_607 = arith.cmpf olt, %slice3A_605, %select_n3A_596 : vector<512x128xf32>
    %lt3A_608 = arith.cmpf olt, %slice3A_605, %select_n3A_590 : vector<512x128xf32>
    %select_n3A_609 = arith.select %lt3A_608, %slice3A_605, %select_n3A_590 : vector<512x128xi1>, vector<512x128xf32>
    %select_n3A_610 = arith.select %lt3A_607, %select_n3A_596, %select_n3A_609 : vector<512x128xi1>, vector<512x128xf32>
    %jit3A_611 = arith.constant 30 : i32
    %broadcast_in_dim3A_612 = vector.broadcast %jit3A_611 : i32 to vector<512x128xi32>
    %select_n3A_613 = arith.select %lt3A_608, %broadcast_in_dim3A_612, %select_n3A_594 : vector<512x128xi1>, vector<512x128xi32>
    %select_n3A_614 = arith.select %lt3A_607, %select_n3A_600, %select_n3A_613 : vector<512x128xi1>, vector<512x128xi32>
    %select_n3A_615 = arith.select %lt3A_607, %slice3A_605, %select_n3A_596 : vector<512x128xi1>, vector<512x128xf32>
    %select_n3A_616 = arith.select %lt3A_606, %select_n3A_601, %select_n3A_615 : vector<512x128xi1>, vector<512x128xf32>
    %jit3A_617 = arith.constant 30 : i32
    %broadcast_in_dim3A_618 = vector.broadcast %jit3A_617 : i32 to vector<512x128xi32>
    %select_n3A_619 = arith.select %lt3A_607, %broadcast_in_dim3A_618, %select_n3A_600 : vector<512x128xi1>, vector<512x128xi32>
    %select_n3A_620 = arith.select %lt3A_606, %select_n3A_604, %select_n3A_619 : vector<512x128xi1>, vector<512x128xi32>
    %select_n3A_621 = arith.select %lt3A_606, %slice3A_605, %select_n3A_601 : vector<512x128xi1>, vector<512x128xf32>
    %jit3A_622 = arith.constant 30 : i32
    %broadcast_in_dim3A_623 = vector.broadcast %jit3A_622 : i32 to vector<512x128xi32>
    %select_n3A_624 = arith.select %lt3A_606, %broadcast_in_dim3A_623, %select_n3A_604 : vector<512x128xi1>, vector<512x128xi32>
    %slice3A_625 = vector.extract_strided_slice %add3A_17 {offsets = [0, 3968], sizes = [512, 128], strides = [1, 1]} : vector<512x8192xf32> to vector<512x128xf32>
    %lt3A_626 = arith.cmpf olt, %slice3A_625, %select_n3A_621 : vector<512x128xf32>
    %lt3A_627 = arith.cmpf olt, %slice3A_625, %select_n3A_616 : vector<512x128xf32>
    %lt3A_628 = arith.cmpf olt, %slice3A_625, %select_n3A_610 : vector<512x128xf32>
    %select_n3A_629 = arith.select %lt3A_628, %slice3A_625, %select_n3A_610 : vector<512x128xi1>, vector<512x128xf32>
    %select_n3A_630 = arith.select %lt3A_627, %select_n3A_616, %select_n3A_629 : vector<512x128xi1>, vector<512x128xf32>
    %jit3A_631 = arith.constant 31 : i32
    %broadcast_in_dim3A_632 = vector.broadcast %jit3A_631 : i32 to vector<512x128xi32>
    %select_n3A_633 = arith.select %lt3A_628, %broadcast_in_dim3A_632, %select_n3A_614 : vector<512x128xi1>, vector<512x128xi32>
    %select_n3A_634 = arith.select %lt3A_627, %select_n3A_620, %select_n3A_633 : vector<512x128xi1>, vector<512x128xi32>
    %select_n3A_635 = arith.select %lt3A_627, %slice3A_625, %select_n3A_616 : vector<512x128xi1>, vector<512x128xf32>
    %select_n3A_636 = arith.select %lt3A_626, %select_n3A_621, %select_n3A_635 : vector<512x128xi1>, vector<512x128xf32>
    %jit3A_637 = arith.constant 31 : i32
    %broadcast_in_dim3A_638 = vector.broadcast %jit3A_637 : i32 to vector<512x128xi32>
    %select_n3A_639 = arith.select %lt3A_627, %broadcast_in_dim3A_638, %select_n3A_620 : vector<512x128xi1>, vector<512x128xi32>
    %select_n3A_640 = arith.select %lt3A_626, %select_n3A_624, %select_n3A_639 : vector<512x128xi1>, vector<512x128xi32>
    %select_n3A_641 = arith.select %lt3A_626, %slice3A_625, %select_n3A_621 : vector<512x128xi1>, vector<512x128xf32>
    %jit3A_642 = arith.constant 31 : i32
    %broadcast_in_dim3A_643 = vector.broadcast %jit3A_642 : i32 to vector<512x128xi32>
    %select_n3A_644 = arith.select %lt3A_626, %broadcast_in_dim3A_643, %select_n3A_624 : vector<512x128xi1>, vector<512x128xi32>
    %slice3A_645 = vector.extract_strided_slice %add3A_17 {offsets = [0, 4096], sizes = [512, 128], strides = [1, 1]} : vector<512x8192xf32> to vector<512x128xf32>
    %lt3A_646 = arith.cmpf olt, %slice3A_645, %select_n3A_641 : vector<512x128xf32>
    %lt3A_647 = arith.cmpf olt, %slice3A_645, %select_n3A_636 : vector<512x128xf32>
    %lt3A_648 = arith.cmpf olt, %slice3A_645, %select_n3A_630 : vector<512x128xf32>
    %select_n3A_649 = arith.select %lt3A_648, %slice3A_645, %select_n3A_630 : vector<512x128xi1>, vector<512x128xf32>
    %select_n3A_650 = arith.select %lt3A_647, %select_n3A_636, %select_n3A_649 : vector<512x128xi1>, vector<512x128xf32>
    %jit3A_651 = arith.constant 32 : i32
    %broadcast_in_dim3A_652 = vector.broadcast %jit3A_651 : i32 to vector<512x128xi32>
    %select_n3A_653 = arith.select %lt3A_648, %broadcast_in_dim3A_652, %select_n3A_634 : vector<512x128xi1>, vector<512x128xi32>
    %select_n3A_654 = arith.select %lt3A_647, %select_n3A_640, %select_n3A_653 : vector<512x128xi1>, vector<512x128xi32>
    %select_n3A_655 = arith.select %lt3A_647, %slice3A_645, %select_n3A_636 : vector<512x128xi1>, vector<512x128xf32>
    %select_n3A_656 = arith.select %lt3A_646, %select_n3A_641, %select_n3A_655 : vector<512x128xi1>, vector<512x128xf32>
    %jit3A_657 = arith.constant 32 : i32
    %broadcast_in_dim3A_658 = vector.broadcast %jit3A_657 : i32 to vector<512x128xi32>
    %select_n3A_659 = arith.select %lt3A_647, %broadcast_in_dim3A_658, %select_n3A_640 : vector<512x128xi1>, vector<512x128xi32>
    %select_n3A_660 = arith.select %lt3A_646, %select_n3A_644, %select_n3A_659 : vector<512x128xi1>, vector<512x128xi32>
    %select_n3A_661 = arith.select %lt3A_646, %slice3A_645, %select_n3A_641 : vector<512x128xi1>, vector<512x128xf32>
    %jit3A_662 = arith.constant 32 : i32
    %broadcast_in_dim3A_663 = vector.broadcast %jit3A_662 : i32 to vector<512x128xi32>
    %select_n3A_664 = arith.select %lt3A_646, %broadcast_in_dim3A_663, %select_n3A_644 : vector<512x128xi1>, vector<512x128xi32>
    %slice3A_665 = vector.extract_strided_slice %add3A_17 {offsets = [0, 4224], sizes = [512, 128], strides = [1, 1]} : vector<512x8192xf32> to vector<512x128xf32>
    %lt3A_666 = arith.cmpf olt, %slice3A_665, %select_n3A_661 : vector<512x128xf32>
    %lt3A_667 = arith.cmpf olt, %slice3A_665, %select_n3A_656 : vector<512x128xf32>
    %lt3A_668 = arith.cmpf olt, %slice3A_665, %select_n3A_650 : vector<512x128xf32>
    %select_n3A_669 = arith.select %lt3A_668, %slice3A_665, %select_n3A_650 : vector<512x128xi1>, vector<512x128xf32>
    %select_n3A_670 = arith.select %lt3A_667, %select_n3A_656, %select_n3A_669 : vector<512x128xi1>, vector<512x128xf32>
    %jit3A_671 = arith.constant 33 : i32
    %broadcast_in_dim3A_672 = vector.broadcast %jit3A_671 : i32 to vector<512x128xi32>
    %select_n3A_673 = arith.select %lt3A_668, %broadcast_in_dim3A_672, %select_n3A_654 : vector<512x128xi1>, vector<512x128xi32>
    %select_n3A_674 = arith.select %lt3A_667, %select_n3A_660, %select_n3A_673 : vector<512x128xi1>, vector<512x128xi32>
    %select_n3A_675 = arith.select %lt3A_667, %slice3A_665, %select_n3A_656 : vector<512x128xi1>, vector<512x128xf32>
    %select_n3A_676 = arith.select %lt3A_666, %select_n3A_661, %select_n3A_675 : vector<512x128xi1>, vector<512x128xf32>
    %jit3A_677 = arith.constant 33 : i32
    %broadcast_in_dim3A_678 = vector.broadcast %jit3A_677 : i32 to vector<512x128xi32>
    %select_n3A_679 = arith.select %lt3A_667, %broadcast_in_dim3A_678, %select_n3A_660 : vector<512x128xi1>, vector<512x128xi32>
    %select_n3A_680 = arith.select %lt3A_666, %select_n3A_664, %select_n3A_679 : vector<512x128xi1>, vector<512x128xi32>
    %select_n3A_681 = arith.select %lt3A_666, %slice3A_665, %select_n3A_661 : vector<512x128xi1>, vector<512x128xf32>
    %jit3A_682 = arith.constant 33 : i32
    %broadcast_in_dim3A_683 = vector.broadcast %jit3A_682 : i32 to vector<512x128xi32>
    %select_n3A_684 = arith.select %lt3A_666, %broadcast_in_dim3A_683, %select_n3A_664 : vector<512x128xi1>, vector<512x128xi32>
    %slice3A_685 = vector.extract_strided_slice %add3A_17 {offsets = [0, 4352], sizes = [512, 128], strides = [1, 1]} : vector<512x8192xf32> to vector<512x128xf32>
    %lt3A_686 = arith.cmpf olt, %slice3A_685, %select_n3A_681 : vector<512x128xf32>
    %lt3A_687 = arith.cmpf olt, %slice3A_685, %select_n3A_676 : vector<512x128xf32>
    %lt3A_688 = arith.cmpf olt, %slice3A_685, %select_n3A_670 : vector<512x128xf32>
    %select_n3A_689 = arith.select %lt3A_688, %slice3A_685, %select_n3A_670 : vector<512x128xi1>, vector<512x128xf32>
    %select_n3A_690 = arith.select %lt3A_687, %select_n3A_676, %select_n3A_689 : vector<512x128xi1>, vector<512x128xf32>
    %jit3A_691 = arith.constant 34 : i32
    %broadcast_in_dim3A_692 = vector.broadcast %jit3A_691 : i32 to vector<512x128xi32>
    %select_n3A_693 = arith.select %lt3A_688, %broadcast_in_dim3A_692, %select_n3A_674 : vector<512x128xi1>, vector<512x128xi32>
    %select_n3A_694 = arith.select %lt3A_687, %select_n3A_680, %select_n3A_693 : vector<512x128xi1>, vector<512x128xi32>
    %select_n3A_695 = arith.select %lt3A_687, %slice3A_685, %select_n3A_676 : vector<512x128xi1>, vector<512x128xf32>
    %select_n3A_696 = arith.select %lt3A_686, %select_n3A_681, %select_n3A_695 : vector<512x128xi1>, vector<512x128xf32>
    %jit3A_697 = arith.constant 34 : i32
    %broadcast_in_dim3A_698 = vector.broadcast %jit3A_697 : i32 to vector<512x128xi32>
    %select_n3A_699 = arith.select %lt3A_687, %broadcast_in_dim3A_698, %select_n3A_680 : vector<512x128xi1>, vector<512x128xi32>
    %select_n3A_700 = arith.select %lt3A_686, %select_n3A_684, %select_n3A_699 : vector<512x128xi1>, vector<512x128xi32>
    %select_n3A_701 = arith.select %lt3A_686, %slice3A_685, %select_n3A_681 : vector<512x128xi1>, vector<512x128xf32>
    %jit3A_702 = arith.constant 34 : i32
    %broadcast_in_dim3A_703 = vector.broadcast %jit3A_702 : i32 to vector<512x128xi32>
    %select_n3A_704 = arith.select %lt3A_686, %broadcast_in_dim3A_703, %select_n3A_684 : vector<512x128xi1>, vector<512x128xi32>
    %slice3A_705 = vector.extract_strided_slice %add3A_17 {offsets = [0, 4480], sizes = [512, 128], strides = [1, 1]} : vector<512x8192xf32> to vector<512x128xf32>
    %lt3A_706 = arith.cmpf olt, %slice3A_705, %select_n3A_701 : vector<512x128xf32>
    %lt3A_707 = arith.cmpf olt, %slice3A_705, %select_n3A_696 : vector<512x128xf32>
    %lt3A_708 = arith.cmpf olt, %slice3A_705, %select_n3A_690 : vector<512x128xf32>
    %select_n3A_709 = arith.select %lt3A_708, %slice3A_705, %select_n3A_690 : vector<512x128xi1>, vector<512x128xf32>
    %select_n3A_710 = arith.select %lt3A_707, %select_n3A_696, %select_n3A_709 : vector<512x128xi1>, vector<512x128xf32>
    %jit3A_711 = arith.constant 35 : i32
    %broadcast_in_dim3A_712 = vector.broadcast %jit3A_711 : i32 to vector<512x128xi32>
    %select_n3A_713 = arith.select %lt3A_708, %broadcast_in_dim3A_712, %select_n3A_694 : vector<512x128xi1>, vector<512x128xi32>
    %select_n3A_714 = arith.select %lt3A_707, %select_n3A_700, %select_n3A_713 : vector<512x128xi1>, vector<512x128xi32>
    %select_n3A_715 = arith.select %lt3A_707, %slice3A_705, %select_n3A_696 : vector<512x128xi1>, vector<512x128xf32>
    %select_n3A_716 = arith.select %lt3A_706, %select_n3A_701, %select_n3A_715 : vector<512x128xi1>, vector<512x128xf32>
    %jit3A_717 = arith.constant 35 : i32
    %broadcast_in_dim3A_718 = vector.broadcast %jit3A_717 : i32 to vector<512x128xi32>
    %select_n3A_719 = arith.select %lt3A_707, %broadcast_in_dim3A_718, %select_n3A_700 : vector<512x128xi1>, vector<512x128xi32>
    %select_n3A_720 = arith.select %lt3A_706, %select_n3A_704, %select_n3A_719 : vector<512x128xi1>, vector<512x128xi32>
    %select_n3A_721 = arith.select %lt3A_706, %slice3A_705, %select_n3A_701 : vector<512x128xi1>, vector<512x128xf32>
    %jit3A_722 = arith.constant 35 : i32
    %broadcast_in_dim3A_723 = vector.broadcast %jit3A_722 : i32 to vector<512x128xi32>
    %select_n3A_724 = arith.select %lt3A_706, %broadcast_in_dim3A_723, %select_n3A_704 : vector<512x128xi1>, vector<512x128xi32>
    %slice3A_725 = vector.extract_strided_slice %add3A_17 {offsets = [0, 4608], sizes = [512, 128], strides = [1, 1]} : vector<512x8192xf32> to vector<512x128xf32>
    %lt3A_726 = arith.cmpf olt, %slice3A_725, %select_n3A_721 : vector<512x128xf32>
    %lt3A_727 = arith.cmpf olt, %slice3A_725, %select_n3A_716 : vector<512x128xf32>
    %lt3A_728 = arith.cmpf olt, %slice3A_725, %select_n3A_710 : vector<512x128xf32>
    %select_n3A_729 = arith.select %lt3A_728, %slice3A_725, %select_n3A_710 : vector<512x128xi1>, vector<512x128xf32>
    %select_n3A_730 = arith.select %lt3A_727, %select_n3A_716, %select_n3A_729 : vector<512x128xi1>, vector<512x128xf32>
    %jit3A_731 = arith.constant 36 : i32
    %broadcast_in_dim3A_732 = vector.broadcast %jit3A_731 : i32 to vector<512x128xi32>
    %select_n3A_733 = arith.select %lt3A_728, %broadcast_in_dim3A_732, %select_n3A_714 : vector<512x128xi1>, vector<512x128xi32>
    %select_n3A_734 = arith.select %lt3A_727, %select_n3A_720, %select_n3A_733 : vector<512x128xi1>, vector<512x128xi32>
    %select_n3A_735 = arith.select %lt3A_727, %slice3A_725, %select_n3A_716 : vector<512x128xi1>, vector<512x128xf32>
    %select_n3A_736 = arith.select %lt3A_726, %select_n3A_721, %select_n3A_735 : vector<512x128xi1>, vector<512x128xf32>
    %jit3A_737 = arith.constant 36 : i32
    %broadcast_in_dim3A_738 = vector.broadcast %jit3A_737 : i32 to vector<512x128xi32>
    %select_n3A_739 = arith.select %lt3A_727, %broadcast_in_dim3A_738, %select_n3A_720 : vector<512x128xi1>, vector<512x128xi32>
    %select_n3A_740 = arith.select %lt3A_726, %select_n3A_724, %select_n3A_739 : vector<512x128xi1>, vector<512x128xi32>
    %select_n3A_741 = arith.select %lt3A_726, %slice3A_725, %select_n3A_721 : vector<512x128xi1>, vector<512x128xf32>
    %jit3A_742 = arith.constant 36 : i32
    %broadcast_in_dim3A_743 = vector.broadcast %jit3A_742 : i32 to vector<512x128xi32>
    %select_n3A_744 = arith.select %lt3A_726, %broadcast_in_dim3A_743, %select_n3A_724 : vector<512x128xi1>, vector<512x128xi32>
    %slice3A_745 = vector.extract_strided_slice %add3A_17 {offsets = [0, 4736], sizes = [512, 128], strides = [1, 1]} : vector<512x8192xf32> to vector<512x128xf32>
    %lt3A_746 = arith.cmpf olt, %slice3A_745, %select_n3A_741 : vector<512x128xf32>
    %lt3A_747 = arith.cmpf olt, %slice3A_745, %select_n3A_736 : vector<512x128xf32>
    %lt3A_748 = arith.cmpf olt, %slice3A_745, %select_n3A_730 : vector<512x128xf32>
    %select_n3A_749 = arith.select %lt3A_748, %slice3A_745, %select_n3A_730 : vector<512x128xi1>, vector<512x128xf32>
    %select_n3A_750 = arith.select %lt3A_747, %select_n3A_736, %select_n3A_749 : vector<512x128xi1>, vector<512x128xf32>
    %jit3A_751 = arith.constant 37 : i32
    %broadcast_in_dim3A_752 = vector.broadcast %jit3A_751 : i32 to vector<512x128xi32>
    %select_n3A_753 = arith.select %lt3A_748, %broadcast_in_dim3A_752, %select_n3A_734 : vector<512x128xi1>, vector<512x128xi32>
    %select_n3A_754 = arith.select %lt3A_747, %select_n3A_740, %select_n3A_753 : vector<512x128xi1>, vector<512x128xi32>
    %select_n3A_755 = arith.select %lt3A_747, %slice3A_745, %select_n3A_736 : vector<512x128xi1>, vector<512x128xf32>
    %select_n3A_756 = arith.select %lt3A_746, %select_n3A_741, %select_n3A_755 : vector<512x128xi1>, vector<512x128xf32>
    %jit3A_757 = arith.constant 37 : i32
    %broadcast_in_dim3A_758 = vector.broadcast %jit3A_757 : i32 to vector<512x128xi32>
    %select_n3A_759 = arith.select %lt3A_747, %broadcast_in_dim3A_758, %select_n3A_740 : vector<512x128xi1>, vector<512x128xi32>
    %select_n3A_760 = arith.select %lt3A_746, %select_n3A_744, %select_n3A_759 : vector<512x128xi1>, vector<512x128xi32>
    %select_n3A_761 = arith.select %lt3A_746, %slice3A_745, %select_n3A_741 : vector<512x128xi1>, vector<512x128xf32>
    %jit3A_762 = arith.constant 37 : i32
    %broadcast_in_dim3A_763 = vector.broadcast %jit3A_762 : i32 to vector<512x128xi32>
    %select_n3A_764 = arith.select %lt3A_746, %broadcast_in_dim3A_763, %select_n3A_744 : vector<512x128xi1>, vector<512x128xi32>
    %slice3A_765 = vector.extract_strided_slice %add3A_17 {offsets = [0, 4864], sizes = [512, 128], strides = [1, 1]} : vector<512x8192xf32> to vector<512x128xf32>
    %lt3A_766 = arith.cmpf olt, %slice3A_765, %select_n3A_761 : vector<512x128xf32>
    %lt3A_767 = arith.cmpf olt, %slice3A_765, %select_n3A_756 : vector<512x128xf32>
    %lt3A_768 = arith.cmpf olt, %slice3A_765, %select_n3A_750 : vector<512x128xf32>
    %select_n3A_769 = arith.select %lt3A_768, %slice3A_765, %select_n3A_750 : vector<512x128xi1>, vector<512x128xf32>
    %select_n3A_770 = arith.select %lt3A_767, %select_n3A_756, %select_n3A_769 : vector<512x128xi1>, vector<512x128xf32>
    %jit3A_771 = arith.constant 38 : i32
    %broadcast_in_dim3A_772 = vector.broadcast %jit3A_771 : i32 to vector<512x128xi32>
    %select_n3A_773 = arith.select %lt3A_768, %broadcast_in_dim3A_772, %select_n3A_754 : vector<512x128xi1>, vector<512x128xi32>
    %select_n3A_774 = arith.select %lt3A_767, %select_n3A_760, %select_n3A_773 : vector<512x128xi1>, vector<512x128xi32>
    %select_n3A_775 = arith.select %lt3A_767, %slice3A_765, %select_n3A_756 : vector<512x128xi1>, vector<512x128xf32>
    %select_n3A_776 = arith.select %lt3A_766, %select_n3A_761, %select_n3A_775 : vector<512x128xi1>, vector<512x128xf32>
    %jit3A_777 = arith.constant 38 : i32
    %broadcast_in_dim3A_778 = vector.broadcast %jit3A_777 : i32 to vector<512x128xi32>
    %select_n3A_779 = arith.select %lt3A_767, %broadcast_in_dim3A_778, %select_n3A_760 : vector<512x128xi1>, vector<512x128xi32>
    %select_n3A_780 = arith.select %lt3A_766, %select_n3A_764, %select_n3A_779 : vector<512x128xi1>, vector<512x128xi32>
    %select_n3A_781 = arith.select %lt3A_766, %slice3A_765, %select_n3A_761 : vector<512x128xi1>, vector<512x128xf32>
    %jit3A_782 = arith.constant 38 : i32
    %broadcast_in_dim3A_783 = vector.broadcast %jit3A_782 : i32 to vector<512x128xi32>
    %select_n3A_784 = arith.select %lt3A_766, %broadcast_in_dim3A_783, %select_n3A_764 : vector<512x128xi1>, vector<512x128xi32>
    %slice3A_785 = vector.extract_strided_slice %add3A_17 {offsets = [0, 4992], sizes = [512, 128], strides = [1, 1]} : vector<512x8192xf32> to vector<512x128xf32>
    %lt3A_786 = arith.cmpf olt, %slice3A_785, %select_n3A_781 : vector<512x128xf32>
    %lt3A_787 = arith.cmpf olt, %slice3A_785, %select_n3A_776 : vector<512x128xf32>
    %lt3A_788 = arith.cmpf olt, %slice3A_785, %select_n3A_770 : vector<512x128xf32>
    %select_n3A_789 = arith.select %lt3A_788, %slice3A_785, %select_n3A_770 : vector<512x128xi1>, vector<512x128xf32>
    %select_n3A_790 = arith.select %lt3A_787, %select_n3A_776, %select_n3A_789 : vector<512x128xi1>, vector<512x128xf32>
    %jit3A_791 = arith.constant 39 : i32
    %broadcast_in_dim3A_792 = vector.broadcast %jit3A_791 : i32 to vector<512x128xi32>
    %select_n3A_793 = arith.select %lt3A_788, %broadcast_in_dim3A_792, %select_n3A_774 : vector<512x128xi1>, vector<512x128xi32>
    %select_n3A_794 = arith.select %lt3A_787, %select_n3A_780, %select_n3A_793 : vector<512x128xi1>, vector<512x128xi32>
    %select_n3A_795 = arith.select %lt3A_787, %slice3A_785, %select_n3A_776 : vector<512x128xi1>, vector<512x128xf32>
    %select_n3A_796 = arith.select %lt3A_786, %select_n3A_781, %select_n3A_795 : vector<512x128xi1>, vector<512x128xf32>
    %jit3A_797 = arith.constant 39 : i32
    %broadcast_in_dim3A_798 = vector.broadcast %jit3A_797 : i32 to vector<512x128xi32>
    %select_n3A_799 = arith.select %lt3A_787, %broadcast_in_dim3A_798, %select_n3A_780 : vector<512x128xi1>, vector<512x128xi32>
    %select_n3A_800 = arith.select %lt3A_786, %select_n3A_784, %select_n3A_799 : vector<512x128xi1>, vector<512x128xi32>
    %select_n3A_801 = arith.select %lt3A_786, %slice3A_785, %select_n3A_781 : vector<512x128xi1>, vector<512x128xf32>
    %jit3A_802 = arith.constant 39 : i32
    %broadcast_in_dim3A_803 = vector.broadcast %jit3A_802 : i32 to vector<512x128xi32>
    %select_n3A_804 = arith.select %lt3A_786, %broadcast_in_dim3A_803, %select_n3A_784 : vector<512x128xi1>, vector<512x128xi32>
    %slice3A_805 = vector.extract_strided_slice %add3A_17 {offsets = [0, 5120], sizes = [512, 128], strides = [1, 1]} : vector<512x8192xf32> to vector<512x128xf32>
    %lt3A_806 = arith.cmpf olt, %slice3A_805, %select_n3A_801 : vector<512x128xf32>
    %lt3A_807 = arith.cmpf olt, %slice3A_805, %select_n3A_796 : vector<512x128xf32>
    %lt3A_808 = arith.cmpf olt, %slice3A_805, %select_n3A_790 : vector<512x128xf32>
    %select_n3A_809 = arith.select %lt3A_808, %slice3A_805, %select_n3A_790 : vector<512x128xi1>, vector<512x128xf32>
    %select_n3A_810 = arith.select %lt3A_807, %select_n3A_796, %select_n3A_809 : vector<512x128xi1>, vector<512x128xf32>
    %jit3A_811 = arith.constant 40 : i32
    %broadcast_in_dim3A_812 = vector.broadcast %jit3A_811 : i32 to vector<512x128xi32>
    %select_n3A_813 = arith.select %lt3A_808, %broadcast_in_dim3A_812, %select_n3A_794 : vector<512x128xi1>, vector<512x128xi32>
    %select_n3A_814 = arith.select %lt3A_807, %select_n3A_800, %select_n3A_813 : vector<512x128xi1>, vector<512x128xi32>
    %select_n3A_815 = arith.select %lt3A_807, %slice3A_805, %select_n3A_796 : vector<512x128xi1>, vector<512x128xf32>
    %select_n3A_816 = arith.select %lt3A_806, %select_n3A_801, %select_n3A_815 : vector<512x128xi1>, vector<512x128xf32>
    %jit3A_817 = arith.constant 40 : i32
    %broadcast_in_dim3A_818 = vector.broadcast %jit3A_817 : i32 to vector<512x128xi32>
    %select_n3A_819 = arith.select %lt3A_807, %broadcast_in_dim3A_818, %select_n3A_800 : vector<512x128xi1>, vector<512x128xi32>
    %select_n3A_820 = arith.select %lt3A_806, %select_n3A_804, %select_n3A_819 : vector<512x128xi1>, vector<512x128xi32>
    %select_n3A_821 = arith.select %lt3A_806, %slice3A_805, %select_n3A_801 : vector<512x128xi1>, vector<512x128xf32>
    %jit3A_822 = arith.constant 40 : i32
    %broadcast_in_dim3A_823 = vector.broadcast %jit3A_822 : i32 to vector<512x128xi32>
    %select_n3A_824 = arith.select %lt3A_806, %broadcast_in_dim3A_823, %select_n3A_804 : vector<512x128xi1>, vector<512x128xi32>
    %slice3A_825 = vector.extract_strided_slice %add3A_17 {offsets = [0, 5248], sizes = [512, 128], strides = [1, 1]} : vector<512x8192xf32> to vector<512x128xf32>
    %lt3A_826 = arith.cmpf olt, %slice3A_825, %select_n3A_821 : vector<512x128xf32>
    %lt3A_827 = arith.cmpf olt, %slice3A_825, %select_n3A_816 : vector<512x128xf32>
    %lt3A_828 = arith.cmpf olt, %slice3A_825, %select_n3A_810 : vector<512x128xf32>
    %select_n3A_829 = arith.select %lt3A_828, %slice3A_825, %select_n3A_810 : vector<512x128xi1>, vector<512x128xf32>
    %select_n3A_830 = arith.select %lt3A_827, %select_n3A_816, %select_n3A_829 : vector<512x128xi1>, vector<512x128xf32>
    %jit3A_831 = arith.constant 41 : i32
    %broadcast_in_dim3A_832 = vector.broadcast %jit3A_831 : i32 to vector<512x128xi32>
    %select_n3A_833 = arith.select %lt3A_828, %broadcast_in_dim3A_832, %select_n3A_814 : vector<512x128xi1>, vector<512x128xi32>
    %select_n3A_834 = arith.select %lt3A_827, %select_n3A_820, %select_n3A_833 : vector<512x128xi1>, vector<512x128xi32>
    %select_n3A_835 = arith.select %lt3A_827, %slice3A_825, %select_n3A_816 : vector<512x128xi1>, vector<512x128xf32>
    %select_n3A_836 = arith.select %lt3A_826, %select_n3A_821, %select_n3A_835 : vector<512x128xi1>, vector<512x128xf32>
    %jit3A_837 = arith.constant 41 : i32
    %broadcast_in_dim3A_838 = vector.broadcast %jit3A_837 : i32 to vector<512x128xi32>
    %select_n3A_839 = arith.select %lt3A_827, %broadcast_in_dim3A_838, %select_n3A_820 : vector<512x128xi1>, vector<512x128xi32>
    %select_n3A_840 = arith.select %lt3A_826, %select_n3A_824, %select_n3A_839 : vector<512x128xi1>, vector<512x128xi32>
    %select_n3A_841 = arith.select %lt3A_826, %slice3A_825, %select_n3A_821 : vector<512x128xi1>, vector<512x128xf32>
    %jit3A_842 = arith.constant 41 : i32
    %broadcast_in_dim3A_843 = vector.broadcast %jit3A_842 : i32 to vector<512x128xi32>
    %select_n3A_844 = arith.select %lt3A_826, %broadcast_in_dim3A_843, %select_n3A_824 : vector<512x128xi1>, vector<512x128xi32>
    %slice3A_845 = vector.extract_strided_slice %add3A_17 {offsets = [0, 5376], sizes = [512, 128], strides = [1, 1]} : vector<512x8192xf32> to vector<512x128xf32>
    %lt3A_846 = arith.cmpf olt, %slice3A_845, %select_n3A_841 : vector<512x128xf32>
    %lt3A_847 = arith.cmpf olt, %slice3A_845, %select_n3A_836 : vector<512x128xf32>
    %lt3A_848 = arith.cmpf olt, %slice3A_845, %select_n3A_830 : vector<512x128xf32>
    %select_n3A_849 = arith.select %lt3A_848, %slice3A_845, %select_n3A_830 : vector<512x128xi1>, vector<512x128xf32>
    %select_n3A_850 = arith.select %lt3A_847, %select_n3A_836, %select_n3A_849 : vector<512x128xi1>, vector<512x128xf32>
    %jit3A_851 = arith.constant 42 : i32
    %broadcast_in_dim3A_852 = vector.broadcast %jit3A_851 : i32 to vector<512x128xi32>
    %select_n3A_853 = arith.select %lt3A_848, %broadcast_in_dim3A_852, %select_n3A_834 : vector<512x128xi1>, vector<512x128xi32>
    %select_n3A_854 = arith.select %lt3A_847, %select_n3A_840, %select_n3A_853 : vector<512x128xi1>, vector<512x128xi32>
    %select_n3A_855 = arith.select %lt3A_847, %slice3A_845, %select_n3A_836 : vector<512x128xi1>, vector<512x128xf32>
    %select_n3A_856 = arith.select %lt3A_846, %select_n3A_841, %select_n3A_855 : vector<512x128xi1>, vector<512x128xf32>
    %jit3A_857 = arith.constant 42 : i32
    %broadcast_in_dim3A_858 = vector.broadcast %jit3A_857 : i32 to vector<512x128xi32>
    %select_n3A_859 = arith.select %lt3A_847, %broadcast_in_dim3A_858, %select_n3A_840 : vector<512x128xi1>, vector<512x128xi32>
    %select_n3A_860 = arith.select %lt3A_846, %select_n3A_844, %select_n3A_859 : vector<512x128xi1>, vector<512x128xi32>
    %select_n3A_861 = arith.select %lt3A_846, %slice3A_845, %select_n3A_841 : vector<512x128xi1>, vector<512x128xf32>
    %jit3A_862 = arith.constant 42 : i32
    %broadcast_in_dim3A_863 = vector.broadcast %jit3A_862 : i32 to vector<512x128xi32>
    %select_n3A_864 = arith.select %lt3A_846, %broadcast_in_dim3A_863, %select_n3A_844 : vector<512x128xi1>, vector<512x128xi32>
    %slice3A_865 = vector.extract_strided_slice %add3A_17 {offsets = [0, 5504], sizes = [512, 128], strides = [1, 1]} : vector<512x8192xf32> to vector<512x128xf32>
    %lt3A_866 = arith.cmpf olt, %slice3A_865, %select_n3A_861 : vector<512x128xf32>
    %lt3A_867 = arith.cmpf olt, %slice3A_865, %select_n3A_856 : vector<512x128xf32>
    %lt3A_868 = arith.cmpf olt, %slice3A_865, %select_n3A_850 : vector<512x128xf32>
    %select_n3A_869 = arith.select %lt3A_868, %slice3A_865, %select_n3A_850 : vector<512x128xi1>, vector<512x128xf32>
    %select_n3A_870 = arith.select %lt3A_867, %select_n3A_856, %select_n3A_869 : vector<512x128xi1>, vector<512x128xf32>
    %jit3A_871 = arith.constant 43 : i32
    %broadcast_in_dim3A_872 = vector.broadcast %jit3A_871 : i32 to vector<512x128xi32>
    %select_n3A_873 = arith.select %lt3A_868, %broadcast_in_dim3A_872, %select_n3A_854 : vector<512x128xi1>, vector<512x128xi32>
    %select_n3A_874 = arith.select %lt3A_867, %select_n3A_860, %select_n3A_873 : vector<512x128xi1>, vector<512x128xi32>
    %select_n3A_875 = arith.select %lt3A_867, %slice3A_865, %select_n3A_856 : vector<512x128xi1>, vector<512x128xf32>
    %select_n3A_876 = arith.select %lt3A_866, %select_n3A_861, %select_n3A_875 : vector<512x128xi1>, vector<512x128xf32>
    %jit3A_877 = arith.constant 43 : i32
    %broadcast_in_dim3A_878 = vector.broadcast %jit3A_877 : i32 to vector<512x128xi32>
    %select_n3A_879 = arith.select %lt3A_867, %broadcast_in_dim3A_878, %select_n3A_860 : vector<512x128xi1>, vector<512x128xi32>
    %select_n3A_880 = arith.select %lt3A_866, %select_n3A_864, %select_n3A_879 : vector<512x128xi1>, vector<512x128xi32>
    %select_n3A_881 = arith.select %lt3A_866, %slice3A_865, %select_n3A_861 : vector<512x128xi1>, vector<512x128xf32>
    %jit3A_882 = arith.constant 43 : i32
    %broadcast_in_dim3A_883 = vector.broadcast %jit3A_882 : i32 to vector<512x128xi32>
    %select_n3A_884 = arith.select %lt3A_866, %broadcast_in_dim3A_883, %select_n3A_864 : vector<512x128xi1>, vector<512x128xi32>
    %slice3A_885 = vector.extract_strided_slice %add3A_17 {offsets = [0, 5632], sizes = [512, 128], strides = [1, 1]} : vector<512x8192xf32> to vector<512x128xf32>
    %lt3A_886 = arith.cmpf olt, %slice3A_885, %select_n3A_881 : vector<512x128xf32>
    %lt3A_887 = arith.cmpf olt, %slice3A_885, %select_n3A_876 : vector<512x128xf32>
    %lt3A_888 = arith.cmpf olt, %slice3A_885, %select_n3A_870 : vector<512x128xf32>
    %select_n3A_889 = arith.select %lt3A_888, %slice3A_885, %select_n3A_870 : vector<512x128xi1>, vector<512x128xf32>
    %select_n3A_890 = arith.select %lt3A_887, %select_n3A_876, %select_n3A_889 : vector<512x128xi1>, vector<512x128xf32>
    %jit3A_891 = arith.constant 44 : i32
    %broadcast_in_dim3A_892 = vector.broadcast %jit3A_891 : i32 to vector<512x128xi32>
    %select_n3A_893 = arith.select %lt3A_888, %broadcast_in_dim3A_892, %select_n3A_874 : vector<512x128xi1>, vector<512x128xi32>
    %select_n3A_894 = arith.select %lt3A_887, %select_n3A_880, %select_n3A_893 : vector<512x128xi1>, vector<512x128xi32>
    %select_n3A_895 = arith.select %lt3A_887, %slice3A_885, %select_n3A_876 : vector<512x128xi1>, vector<512x128xf32>
    %select_n3A_896 = arith.select %lt3A_886, %select_n3A_881, %select_n3A_895 : vector<512x128xi1>, vector<512x128xf32>
    %jit3A_897 = arith.constant 44 : i32
    %broadcast_in_dim3A_898 = vector.broadcast %jit3A_897 : i32 to vector<512x128xi32>
    %select_n3A_899 = arith.select %lt3A_887, %broadcast_in_dim3A_898, %select_n3A_880 : vector<512x128xi1>, vector<512x128xi32>
    %select_n3A_900 = arith.select %lt3A_886, %select_n3A_884, %select_n3A_899 : vector<512x128xi1>, vector<512x128xi32>
    %select_n3A_901 = arith.select %lt3A_886, %slice3A_885, %select_n3A_881 : vector<512x128xi1>, vector<512x128xf32>
    %jit3A_902 = arith.constant 44 : i32
    %broadcast_in_dim3A_903 = vector.broadcast %jit3A_902 : i32 to vector<512x128xi32>
    %select_n3A_904 = arith.select %lt3A_886, %broadcast_in_dim3A_903, %select_n3A_884 : vector<512x128xi1>, vector<512x128xi32>
    %slice3A_905 = vector.extract_strided_slice %add3A_17 {offsets = [0, 5760], sizes = [512, 128], strides = [1, 1]} : vector<512x8192xf32> to vector<512x128xf32>
    %lt3A_906 = arith.cmpf olt, %slice3A_905, %select_n3A_901 : vector<512x128xf32>
    %lt3A_907 = arith.cmpf olt, %slice3A_905, %select_n3A_896 : vector<512x128xf32>
    %lt3A_908 = arith.cmpf olt, %slice3A_905, %select_n3A_890 : vector<512x128xf32>
    %select_n3A_909 = arith.select %lt3A_908, %slice3A_905, %select_n3A_890 : vector<512x128xi1>, vector<512x128xf32>
    %select_n3A_910 = arith.select %lt3A_907, %select_n3A_896, %select_n3A_909 : vector<512x128xi1>, vector<512x128xf32>
    %jit3A_911 = arith.constant 45 : i32
    %broadcast_in_dim3A_912 = vector.broadcast %jit3A_911 : i32 to vector<512x128xi32>
    %select_n3A_913 = arith.select %lt3A_908, %broadcast_in_dim3A_912, %select_n3A_894 : vector<512x128xi1>, vector<512x128xi32>
    %select_n3A_914 = arith.select %lt3A_907, %select_n3A_900, %select_n3A_913 : vector<512x128xi1>, vector<512x128xi32>
    %select_n3A_915 = arith.select %lt3A_907, %slice3A_905, %select_n3A_896 : vector<512x128xi1>, vector<512x128xf32>
    %select_n3A_916 = arith.select %lt3A_906, %select_n3A_901, %select_n3A_915 : vector<512x128xi1>, vector<512x128xf32>
    %jit3A_917 = arith.constant 45 : i32
    %broadcast_in_dim3A_918 = vector.broadcast %jit3A_917 : i32 to vector<512x128xi32>
    %select_n3A_919 = arith.select %lt3A_907, %broadcast_in_dim3A_918, %select_n3A_900 : vector<512x128xi1>, vector<512x128xi32>
    %select_n3A_920 = arith.select %lt3A_906, %select_n3A_904, %select_n3A_919 : vector<512x128xi1>, vector<512x128xi32>
    %select_n3A_921 = arith.select %lt3A_906, %slice3A_905, %select_n3A_901 : vector<512x128xi1>, vector<512x128xf32>
    %jit3A_922 = arith.constant 45 : i32
    %broadcast_in_dim3A_923 = vector.broadcast %jit3A_922 : i32 to vector<512x128xi32>
    %select_n3A_924 = arith.select %lt3A_906, %broadcast_in_dim3A_923, %select_n3A_904 : vector<512x128xi1>, vector<512x128xi32>
    %slice3A_925 = vector.extract_strided_slice %add3A_17 {offsets = [0, 5888], sizes = [512, 128], strides = [1, 1]} : vector<512x8192xf32> to vector<512x128xf32>
    %lt3A_926 = arith.cmpf olt, %slice3A_925, %select_n3A_921 : vector<512x128xf32>
    %lt3A_927 = arith.cmpf olt, %slice3A_925, %select_n3A_916 : vector<512x128xf32>
    %lt3A_928 = arith.cmpf olt, %slice3A_925, %select_n3A_910 : vector<512x128xf32>
    %select_n3A_929 = arith.select %lt3A_928, %slice3A_925, %select_n3A_910 : vector<512x128xi1>, vector<512x128xf32>
    %select_n3A_930 = arith.select %lt3A_927, %select_n3A_916, %select_n3A_929 : vector<512x128xi1>, vector<512x128xf32>
    %jit3A_931 = arith.constant 46 : i32
    %broadcast_in_dim3A_932 = vector.broadcast %jit3A_931 : i32 to vector<512x128xi32>
    %select_n3A_933 = arith.select %lt3A_928, %broadcast_in_dim3A_932, %select_n3A_914 : vector<512x128xi1>, vector<512x128xi32>
    %select_n3A_934 = arith.select %lt3A_927, %select_n3A_920, %select_n3A_933 : vector<512x128xi1>, vector<512x128xi32>
    %select_n3A_935 = arith.select %lt3A_927, %slice3A_925, %select_n3A_916 : vector<512x128xi1>, vector<512x128xf32>
    %select_n3A_936 = arith.select %lt3A_926, %select_n3A_921, %select_n3A_935 : vector<512x128xi1>, vector<512x128xf32>
    %jit3A_937 = arith.constant 46 : i32
    %broadcast_in_dim3A_938 = vector.broadcast %jit3A_937 : i32 to vector<512x128xi32>
    %select_n3A_939 = arith.select %lt3A_927, %broadcast_in_dim3A_938, %select_n3A_920 : vector<512x128xi1>, vector<512x128xi32>
    %select_n3A_940 = arith.select %lt3A_926, %select_n3A_924, %select_n3A_939 : vector<512x128xi1>, vector<512x128xi32>
    %select_n3A_941 = arith.select %lt3A_926, %slice3A_925, %select_n3A_921 : vector<512x128xi1>, vector<512x128xf32>
    %jit3A_942 = arith.constant 46 : i32
    %broadcast_in_dim3A_943 = vector.broadcast %jit3A_942 : i32 to vector<512x128xi32>
    %select_n3A_944 = arith.select %lt3A_926, %broadcast_in_dim3A_943, %select_n3A_924 : vector<512x128xi1>, vector<512x128xi32>
    %slice3A_945 = vector.extract_strided_slice %add3A_17 {offsets = [0, 6016], sizes = [512, 128], strides = [1, 1]} : vector<512x8192xf32> to vector<512x128xf32>
    %lt3A_946 = arith.cmpf olt, %slice3A_945, %select_n3A_941 : vector<512x128xf32>
    %lt3A_947 = arith.cmpf olt, %slice3A_945, %select_n3A_936 : vector<512x128xf32>
    %lt3A_948 = arith.cmpf olt, %slice3A_945, %select_n3A_930 : vector<512x128xf32>
    %select_n3A_949 = arith.select %lt3A_948, %slice3A_945, %select_n3A_930 : vector<512x128xi1>, vector<512x128xf32>
    %select_n3A_950 = arith.select %lt3A_947, %select_n3A_936, %select_n3A_949 : vector<512x128xi1>, vector<512x128xf32>
    %jit3A_951 = arith.constant 47 : i32
    %broadcast_in_dim3A_952 = vector.broadcast %jit3A_951 : i32 to vector<512x128xi32>
    %select_n3A_953 = arith.select %lt3A_948, %broadcast_in_dim3A_952, %select_n3A_934 : vector<512x128xi1>, vector<512x128xi32>
    %select_n3A_954 = arith.select %lt3A_947, %select_n3A_940, %select_n3A_953 : vector<512x128xi1>, vector<512x128xi32>
    %select_n3A_955 = arith.select %lt3A_947, %slice3A_945, %select_n3A_936 : vector<512x128xi1>, vector<512x128xf32>
    %select_n3A_956 = arith.select %lt3A_946, %select_n3A_941, %select_n3A_955 : vector<512x128xi1>, vector<512x128xf32>
    %jit3A_957 = arith.constant 47 : i32
    %broadcast_in_dim3A_958 = vector.broadcast %jit3A_957 : i32 to vector<512x128xi32>
    %select_n3A_959 = arith.select %lt3A_947, %broadcast_in_dim3A_958, %select_n3A_940 : vector<512x128xi1>, vector<512x128xi32>
    %select_n3A_960 = arith.select %lt3A_946, %select_n3A_944, %select_n3A_959 : vector<512x128xi1>, vector<512x128xi32>
    %select_n3A_961 = arith.select %lt3A_946, %slice3A_945, %select_n3A_941 : vector<512x128xi1>, vector<512x128xf32>
    %jit3A_962 = arith.constant 47 : i32
    %broadcast_in_dim3A_963 = vector.broadcast %jit3A_962 : i32 to vector<512x128xi32>
    %select_n3A_964 = arith.select %lt3A_946, %broadcast_in_dim3A_963, %select_n3A_944 : vector<512x128xi1>, vector<512x128xi32>
    %slice3A_965 = vector.extract_strided_slice %add3A_17 {offsets = [0, 6144], sizes = [512, 128], strides = [1, 1]} : vector<512x8192xf32> to vector<512x128xf32>
    %lt3A_966 = arith.cmpf olt, %slice3A_965, %select_n3A_961 : vector<512x128xf32>
    %lt3A_967 = arith.cmpf olt, %slice3A_965, %select_n3A_956 : vector<512x128xf32>
    %lt3A_968 = arith.cmpf olt, %slice3A_965, %select_n3A_950 : vector<512x128xf32>
    %select_n3A_969 = arith.select %lt3A_968, %slice3A_965, %select_n3A_950 : vector<512x128xi1>, vector<512x128xf32>
    %select_n3A_970 = arith.select %lt3A_967, %select_n3A_956, %select_n3A_969 : vector<512x128xi1>, vector<512x128xf32>
    %jit3A_971 = arith.constant 48 : i32
    %broadcast_in_dim3A_972 = vector.broadcast %jit3A_971 : i32 to vector<512x128xi32>
    %select_n3A_973 = arith.select %lt3A_968, %broadcast_in_dim3A_972, %select_n3A_954 : vector<512x128xi1>, vector<512x128xi32>
    %select_n3A_974 = arith.select %lt3A_967, %select_n3A_960, %select_n3A_973 : vector<512x128xi1>, vector<512x128xi32>
    %select_n3A_975 = arith.select %lt3A_967, %slice3A_965, %select_n3A_956 : vector<512x128xi1>, vector<512x128xf32>
    %select_n3A_976 = arith.select %lt3A_966, %select_n3A_961, %select_n3A_975 : vector<512x128xi1>, vector<512x128xf32>
    %jit3A_977 = arith.constant 48 : i32
    %broadcast_in_dim3A_978 = vector.broadcast %jit3A_977 : i32 to vector<512x128xi32>
    %select_n3A_979 = arith.select %lt3A_967, %broadcast_in_dim3A_978, %select_n3A_960 : vector<512x128xi1>, vector<512x128xi32>
    %select_n3A_980 = arith.select %lt3A_966, %select_n3A_964, %select_n3A_979 : vector<512x128xi1>, vector<512x128xi32>
    %select_n3A_981 = arith.select %lt3A_966, %slice3A_965, %select_n3A_961 : vector<512x128xi1>, vector<512x128xf32>
    %jit3A_982 = arith.constant 48 : i32
    %broadcast_in_dim3A_983 = vector.broadcast %jit3A_982 : i32 to vector<512x128xi32>
    %select_n3A_984 = arith.select %lt3A_966, %broadcast_in_dim3A_983, %select_n3A_964 : vector<512x128xi1>, vector<512x128xi32>
    %slice3A_985 = vector.extract_strided_slice %add3A_17 {offsets = [0, 6272], sizes = [512, 128], strides = [1, 1]} : vector<512x8192xf32> to vector<512x128xf32>
    %lt3A_986 = arith.cmpf olt, %slice3A_985, %select_n3A_981 : vector<512x128xf32>
    %lt3A_987 = arith.cmpf olt, %slice3A_985, %select_n3A_976 : vector<512x128xf32>
    %lt3A_988 = arith.cmpf olt, %slice3A_985, %select_n3A_970 : vector<512x128xf32>
    %select_n3A_989 = arith.select %lt3A_988, %slice3A_985, %select_n3A_970 : vector<512x128xi1>, vector<512x128xf32>
    %select_n3A_990 = arith.select %lt3A_987, %select_n3A_976, %select_n3A_989 : vector<512x128xi1>, vector<512x128xf32>
    %jit3A_991 = arith.constant 49 : i32
    %broadcast_in_dim3A_992 = vector.broadcast %jit3A_991 : i32 to vector<512x128xi32>
    %select_n3A_993 = arith.select %lt3A_988, %broadcast_in_dim3A_992, %select_n3A_974 : vector<512x128xi1>, vector<512x128xi32>
    %select_n3A_994 = arith.select %lt3A_987, %select_n3A_980, %select_n3A_993 : vector<512x128xi1>, vector<512x128xi32>
    %select_n3A_995 = arith.select %lt3A_987, %slice3A_985, %select_n3A_976 : vector<512x128xi1>, vector<512x128xf32>
    %select_n3A_996 = arith.select %lt3A_986, %select_n3A_981, %select_n3A_995 : vector<512x128xi1>, vector<512x128xf32>
    %jit3A_997 = arith.constant 49 : i32
    %broadcast_in_dim3A_998 = vector.broadcast %jit3A_997 : i32 to vector<512x128xi32>
    %select_n3A_999 = arith.select %lt3A_987, %broadcast_in_dim3A_998, %select_n3A_980 : vector<512x128xi1>, vector<512x128xi32>
    %select_n3A_1000 = arith.select %lt3A_986, %select_n3A_984, %select_n3A_999 : vector<512x128xi1>, vector<512x128xi32>
    %select_n3A_1001 = arith.select %lt3A_986, %slice3A_985, %select_n3A_981 : vector<512x128xi1>, vector<512x128xf32>
    %jit3A_1002 = arith.constant 49 : i32
    %broadcast_in_dim3A_1003 = vector.broadcast %jit3A_1002 : i32 to vector<512x128xi32>
    %select_n3A_1004 = arith.select %lt3A_986, %broadcast_in_dim3A_1003, %select_n3A_984 : vector<512x128xi1>, vector<512x128xi32>
    %slice3A_1005 = vector.extract_strided_slice %add3A_17 {offsets = [0, 6400], sizes = [512, 128], strides = [1, 1]} : vector<512x8192xf32> to vector<512x128xf32>
    %lt3A_1006 = arith.cmpf olt, %slice3A_1005, %select_n3A_1001 : vector<512x128xf32>
    %lt3A_1007 = arith.cmpf olt, %slice3A_1005, %select_n3A_996 : vector<512x128xf32>
    %lt3A_1008 = arith.cmpf olt, %slice3A_1005, %select_n3A_990 : vector<512x128xf32>
    %select_n3A_1009 = arith.select %lt3A_1008, %slice3A_1005, %select_n3A_990 : vector<512x128xi1>, vector<512x128xf32>
    %select_n3A_1010 = arith.select %lt3A_1007, %select_n3A_996, %select_n3A_1009 : vector<512x128xi1>, vector<512x128xf32>
    %jit3A_1011 = arith.constant 50 : i32
    %broadcast_in_dim3A_1012 = vector.broadcast %jit3A_1011 : i32 to vector<512x128xi32>
    %select_n3A_1013 = arith.select %lt3A_1008, %broadcast_in_dim3A_1012, %select_n3A_994 : vector<512x128xi1>, vector<512x128xi32>
    %select_n3A_1014 = arith.select %lt3A_1007, %select_n3A_1000, %select_n3A_1013 : vector<512x128xi1>, vector<512x128xi32>
    %select_n3A_1015 = arith.select %lt3A_1007, %slice3A_1005, %select_n3A_996 : vector<512x128xi1>, vector<512x128xf32>
    %select_n3A_1016 = arith.select %lt3A_1006, %select_n3A_1001, %select_n3A_1015 : vector<512x128xi1>, vector<512x128xf32>
    %jit3A_1017 = arith.constant 50 : i32
    %broadcast_in_dim3A_1018 = vector.broadcast %jit3A_1017 : i32 to vector<512x128xi32>
    %select_n3A_1019 = arith.select %lt3A_1007, %broadcast_in_dim3A_1018, %select_n3A_1000 : vector<512x128xi1>, vector<512x128xi32>
    %select_n3A_1020 = arith.select %lt3A_1006, %select_n3A_1004, %select_n3A_1019 : vector<512x128xi1>, vector<512x128xi32>
    %select_n3A_1021 = arith.select %lt3A_1006, %slice3A_1005, %select_n3A_1001 : vector<512x128xi1>, vector<512x128xf32>
    %jit3A_1022 = arith.constant 50 : i32
    %broadcast_in_dim3A_1023 = vector.broadcast %jit3A_1022 : i32 to vector<512x128xi32>
    %select_n3A_1024 = arith.select %lt3A_1006, %broadcast_in_dim3A_1023, %select_n3A_1004 : vector<512x128xi1>, vector<512x128xi32>
    %slice3A_1025 = vector.extract_strided_slice %add3A_17 {offsets = [0, 6528], sizes = [512, 128], strides = [1, 1]} : vector<512x8192xf32> to vector<512x128xf32>
    %lt3A_1026 = arith.cmpf olt, %slice3A_1025, %select_n3A_1021 : vector<512x128xf32>
    %lt3A_1027 = arith.cmpf olt, %slice3A_1025, %select_n3A_1016 : vector<512x128xf32>
    %lt3A_1028 = arith.cmpf olt, %slice3A_1025, %select_n3A_1010 : vector<512x128xf32>
    %select_n3A_1029 = arith.select %lt3A_1028, %slice3A_1025, %select_n3A_1010 : vector<512x128xi1>, vector<512x128xf32>
    %select_n3A_1030 = arith.select %lt3A_1027, %select_n3A_1016, %select_n3A_1029 : vector<512x128xi1>, vector<512x128xf32>
    %jit3A_1031 = arith.constant 51 : i32
    %broadcast_in_dim3A_1032 = vector.broadcast %jit3A_1031 : i32 to vector<512x128xi32>
    %select_n3A_1033 = arith.select %lt3A_1028, %broadcast_in_dim3A_1032, %select_n3A_1014 : vector<512x128xi1>, vector<512x128xi32>
    %select_n3A_1034 = arith.select %lt3A_1027, %select_n3A_1020, %select_n3A_1033 : vector<512x128xi1>, vector<512x128xi32>
    %select_n3A_1035 = arith.select %lt3A_1027, %slice3A_1025, %select_n3A_1016 : vector<512x128xi1>, vector<512x128xf32>
    %select_n3A_1036 = arith.select %lt3A_1026, %select_n3A_1021, %select_n3A_1035 : vector<512x128xi1>, vector<512x128xf32>
    %jit3A_1037 = arith.constant 51 : i32
    %broadcast_in_dim3A_1038 = vector.broadcast %jit3A_1037 : i32 to vector<512x128xi32>
    %select_n3A_1039 = arith.select %lt3A_1027, %broadcast_in_dim3A_1038, %select_n3A_1020 : vector<512x128xi1>, vector<512x128xi32>
    %select_n3A_1040 = arith.select %lt3A_1026, %select_n3A_1024, %select_n3A_1039 : vector<512x128xi1>, vector<512x128xi32>
    %select_n3A_1041 = arith.select %lt3A_1026, %slice3A_1025, %select_n3A_1021 : vector<512x128xi1>, vector<512x128xf32>
    %jit3A_1042 = arith.constant 51 : i32
    %broadcast_in_dim3A_1043 = vector.broadcast %jit3A_1042 : i32 to vector<512x128xi32>
    %select_n3A_1044 = arith.select %lt3A_1026, %broadcast_in_dim3A_1043, %select_n3A_1024 : vector<512x128xi1>, vector<512x128xi32>
    %slice3A_1045 = vector.extract_strided_slice %add3A_17 {offsets = [0, 6656], sizes = [512, 128], strides = [1, 1]} : vector<512x8192xf32> to vector<512x128xf32>
    %lt3A_1046 = arith.cmpf olt, %slice3A_1045, %select_n3A_1041 : vector<512x128xf32>
    %lt3A_1047 = arith.cmpf olt, %slice3A_1045, %select_n3A_1036 : vector<512x128xf32>
    %lt3A_1048 = arith.cmpf olt, %slice3A_1045, %select_n3A_1030 : vector<512x128xf32>
    %select_n3A_1049 = arith.select %lt3A_1048, %slice3A_1045, %select_n3A_1030 : vector<512x128xi1>, vector<512x128xf32>
    %select_n3A_1050 = arith.select %lt3A_1047, %select_n3A_1036, %select_n3A_1049 : vector<512x128xi1>, vector<512x128xf32>
    %jit3A_1051 = arith.constant 52 : i32
    %broadcast_in_dim3A_1052 = vector.broadcast %jit3A_1051 : i32 to vector<512x128xi32>
    %select_n3A_1053 = arith.select %lt3A_1048, %broadcast_in_dim3A_1052, %select_n3A_1034 : vector<512x128xi1>, vector<512x128xi32>
    %select_n3A_1054 = arith.select %lt3A_1047, %select_n3A_1040, %select_n3A_1053 : vector<512x128xi1>, vector<512x128xi32>
    %select_n3A_1055 = arith.select %lt3A_1047, %slice3A_1045, %select_n3A_1036 : vector<512x128xi1>, vector<512x128xf32>
    %select_n3A_1056 = arith.select %lt3A_1046, %select_n3A_1041, %select_n3A_1055 : vector<512x128xi1>, vector<512x128xf32>
    %jit3A_1057 = arith.constant 52 : i32
    %broadcast_in_dim3A_1058 = vector.broadcast %jit3A_1057 : i32 to vector<512x128xi32>
    %select_n3A_1059 = arith.select %lt3A_1047, %broadcast_in_dim3A_1058, %select_n3A_1040 : vector<512x128xi1>, vector<512x128xi32>
    %select_n3A_1060 = arith.select %lt3A_1046, %select_n3A_1044, %select_n3A_1059 : vector<512x128xi1>, vector<512x128xi32>
    %select_n3A_1061 = arith.select %lt3A_1046, %slice3A_1045, %select_n3A_1041 : vector<512x128xi1>, vector<512x128xf32>
    %jit3A_1062 = arith.constant 52 : i32
    %broadcast_in_dim3A_1063 = vector.broadcast %jit3A_1062 : i32 to vector<512x128xi32>
    %select_n3A_1064 = arith.select %lt3A_1046, %broadcast_in_dim3A_1063, %select_n3A_1044 : vector<512x128xi1>, vector<512x128xi32>
    %slice3A_1065 = vector.extract_strided_slice %add3A_17 {offsets = [0, 6784], sizes = [512, 128], strides = [1, 1]} : vector<512x8192xf32> to vector<512x128xf32>
    %lt3A_1066 = arith.cmpf olt, %slice3A_1065, %select_n3A_1061 : vector<512x128xf32>
    %lt3A_1067 = arith.cmpf olt, %slice3A_1065, %select_n3A_1056 : vector<512x128xf32>
    %lt3A_1068 = arith.cmpf olt, %slice3A_1065, %select_n3A_1050 : vector<512x128xf32>
    %select_n3A_1069 = arith.select %lt3A_1068, %slice3A_1065, %select_n3A_1050 : vector<512x128xi1>, vector<512x128xf32>
    %select_n3A_1070 = arith.select %lt3A_1067, %select_n3A_1056, %select_n3A_1069 : vector<512x128xi1>, vector<512x128xf32>
    %jit3A_1071 = arith.constant 53 : i32
    %broadcast_in_dim3A_1072 = vector.broadcast %jit3A_1071 : i32 to vector<512x128xi32>
    %select_n3A_1073 = arith.select %lt3A_1068, %broadcast_in_dim3A_1072, %select_n3A_1054 : vector<512x128xi1>, vector<512x128xi32>
    %select_n3A_1074 = arith.select %lt3A_1067, %select_n3A_1060, %select_n3A_1073 : vector<512x128xi1>, vector<512x128xi32>
    %select_n3A_1075 = arith.select %lt3A_1067, %slice3A_1065, %select_n3A_1056 : vector<512x128xi1>, vector<512x128xf32>
    %select_n3A_1076 = arith.select %lt3A_1066, %select_n3A_1061, %select_n3A_1075 : vector<512x128xi1>, vector<512x128xf32>
    %jit3A_1077 = arith.constant 53 : i32
    %broadcast_in_dim3A_1078 = vector.broadcast %jit3A_1077 : i32 to vector<512x128xi32>
    %select_n3A_1079 = arith.select %lt3A_1067, %broadcast_in_dim3A_1078, %select_n3A_1060 : vector<512x128xi1>, vector<512x128xi32>
    %select_n3A_1080 = arith.select %lt3A_1066, %select_n3A_1064, %select_n3A_1079 : vector<512x128xi1>, vector<512x128xi32>
    %select_n3A_1081 = arith.select %lt3A_1066, %slice3A_1065, %select_n3A_1061 : vector<512x128xi1>, vector<512x128xf32>
    %jit3A_1082 = arith.constant 53 : i32
    %broadcast_in_dim3A_1083 = vector.broadcast %jit3A_1082 : i32 to vector<512x128xi32>
    %select_n3A_1084 = arith.select %lt3A_1066, %broadcast_in_dim3A_1083, %select_n3A_1064 : vector<512x128xi1>, vector<512x128xi32>
    %slice3A_1085 = vector.extract_strided_slice %add3A_17 {offsets = [0, 6912], sizes = [512, 128], strides = [1, 1]} : vector<512x8192xf32> to vector<512x128xf32>
    %lt3A_1086 = arith.cmpf olt, %slice3A_1085, %select_n3A_1081 : vector<512x128xf32>
    %lt3A_1087 = arith.cmpf olt, %slice3A_1085, %select_n3A_1076 : vector<512x128xf32>
    %lt3A_1088 = arith.cmpf olt, %slice3A_1085, %select_n3A_1070 : vector<512x128xf32>
    %select_n3A_1089 = arith.select %lt3A_1088, %slice3A_1085, %select_n3A_1070 : vector<512x128xi1>, vector<512x128xf32>
    %select_n3A_1090 = arith.select %lt3A_1087, %select_n3A_1076, %select_n3A_1089 : vector<512x128xi1>, vector<512x128xf32>
    %jit3A_1091 = arith.constant 54 : i32
    %broadcast_in_dim3A_1092 = vector.broadcast %jit3A_1091 : i32 to vector<512x128xi32>
    %select_n3A_1093 = arith.select %lt3A_1088, %broadcast_in_dim3A_1092, %select_n3A_1074 : vector<512x128xi1>, vector<512x128xi32>
    %select_n3A_1094 = arith.select %lt3A_1087, %select_n3A_1080, %select_n3A_1093 : vector<512x128xi1>, vector<512x128xi32>
    %select_n3A_1095 = arith.select %lt3A_1087, %slice3A_1085, %select_n3A_1076 : vector<512x128xi1>, vector<512x128xf32>
    %select_n3A_1096 = arith.select %lt3A_1086, %select_n3A_1081, %select_n3A_1095 : vector<512x128xi1>, vector<512x128xf32>
    %jit3A_1097 = arith.constant 54 : i32
    %broadcast_in_dim3A_1098 = vector.broadcast %jit3A_1097 : i32 to vector<512x128xi32>
    %select_n3A_1099 = arith.select %lt3A_1087, %broadcast_in_dim3A_1098, %select_n3A_1080 : vector<512x128xi1>, vector<512x128xi32>
    %select_n3A_1100 = arith.select %lt3A_1086, %select_n3A_1084, %select_n3A_1099 : vector<512x128xi1>, vector<512x128xi32>
    %select_n3A_1101 = arith.select %lt3A_1086, %slice3A_1085, %select_n3A_1081 : vector<512x128xi1>, vector<512x128xf32>
    %jit3A_1102 = arith.constant 54 : i32
    %broadcast_in_dim3A_1103 = vector.broadcast %jit3A_1102 : i32 to vector<512x128xi32>
    %select_n3A_1104 = arith.select %lt3A_1086, %broadcast_in_dim3A_1103, %select_n3A_1084 : vector<512x128xi1>, vector<512x128xi32>
    %slice3A_1105 = vector.extract_strided_slice %add3A_17 {offsets = [0, 7040], sizes = [512, 128], strides = [1, 1]} : vector<512x8192xf32> to vector<512x128xf32>
    %lt3A_1106 = arith.cmpf olt, %slice3A_1105, %select_n3A_1101 : vector<512x128xf32>
    %lt3A_1107 = arith.cmpf olt, %slice3A_1105, %select_n3A_1096 : vector<512x128xf32>
    %lt3A_1108 = arith.cmpf olt, %slice3A_1105, %select_n3A_1090 : vector<512x128xf32>
    %select_n3A_1109 = arith.select %lt3A_1108, %slice3A_1105, %select_n3A_1090 : vector<512x128xi1>, vector<512x128xf32>
    %select_n3A_1110 = arith.select %lt3A_1107, %select_n3A_1096, %select_n3A_1109 : vector<512x128xi1>, vector<512x128xf32>
    %jit3A_1111 = arith.constant 55 : i32
    %broadcast_in_dim3A_1112 = vector.broadcast %jit3A_1111 : i32 to vector<512x128xi32>
    %select_n3A_1113 = arith.select %lt3A_1108, %broadcast_in_dim3A_1112, %select_n3A_1094 : vector<512x128xi1>, vector<512x128xi32>
    %select_n3A_1114 = arith.select %lt3A_1107, %select_n3A_1100, %select_n3A_1113 : vector<512x128xi1>, vector<512x128xi32>
    %select_n3A_1115 = arith.select %lt3A_1107, %slice3A_1105, %select_n3A_1096 : vector<512x128xi1>, vector<512x128xf32>
    %select_n3A_1116 = arith.select %lt3A_1106, %select_n3A_1101, %select_n3A_1115 : vector<512x128xi1>, vector<512x128xf32>
    %jit3A_1117 = arith.constant 55 : i32
    %broadcast_in_dim3A_1118 = vector.broadcast %jit3A_1117 : i32 to vector<512x128xi32>
    %select_n3A_1119 = arith.select %lt3A_1107, %broadcast_in_dim3A_1118, %select_n3A_1100 : vector<512x128xi1>, vector<512x128xi32>
    %select_n3A_1120 = arith.select %lt3A_1106, %select_n3A_1104, %select_n3A_1119 : vector<512x128xi1>, vector<512x128xi32>
    %select_n3A_1121 = arith.select %lt3A_1106, %slice3A_1105, %select_n3A_1101 : vector<512x128xi1>, vector<512x128xf32>
    %jit3A_1122 = arith.constant 55 : i32
    %broadcast_in_dim3A_1123 = vector.broadcast %jit3A_1122 : i32 to vector<512x128xi32>
    %select_n3A_1124 = arith.select %lt3A_1106, %broadcast_in_dim3A_1123, %select_n3A_1104 : vector<512x128xi1>, vector<512x128xi32>
    %slice3A_1125 = vector.extract_strided_slice %add3A_17 {offsets = [0, 7168], sizes = [512, 128], strides = [1, 1]} : vector<512x8192xf32> to vector<512x128xf32>
    %lt3A_1126 = arith.cmpf olt, %slice3A_1125, %select_n3A_1121 : vector<512x128xf32>
    %lt3A_1127 = arith.cmpf olt, %slice3A_1125, %select_n3A_1116 : vector<512x128xf32>
    %lt3A_1128 = arith.cmpf olt, %slice3A_1125, %select_n3A_1110 : vector<512x128xf32>
    %select_n3A_1129 = arith.select %lt3A_1128, %slice3A_1125, %select_n3A_1110 : vector<512x128xi1>, vector<512x128xf32>
    %select_n3A_1130 = arith.select %lt3A_1127, %select_n3A_1116, %select_n3A_1129 : vector<512x128xi1>, vector<512x128xf32>
    %jit3A_1131 = arith.constant 56 : i32
    %broadcast_in_dim3A_1132 = vector.broadcast %jit3A_1131 : i32 to vector<512x128xi32>
    %select_n3A_1133 = arith.select %lt3A_1128, %broadcast_in_dim3A_1132, %select_n3A_1114 : vector<512x128xi1>, vector<512x128xi32>
    %select_n3A_1134 = arith.select %lt3A_1127, %select_n3A_1120, %select_n3A_1133 : vector<512x128xi1>, vector<512x128xi32>
    %select_n3A_1135 = arith.select %lt3A_1127, %slice3A_1125, %select_n3A_1116 : vector<512x128xi1>, vector<512x128xf32>
    %select_n3A_1136 = arith.select %lt3A_1126, %select_n3A_1121, %select_n3A_1135 : vector<512x128xi1>, vector<512x128xf32>
    %jit3A_1137 = arith.constant 56 : i32
    %broadcast_in_dim3A_1138 = vector.broadcast %jit3A_1137 : i32 to vector<512x128xi32>
    %select_n3A_1139 = arith.select %lt3A_1127, %broadcast_in_dim3A_1138, %select_n3A_1120 : vector<512x128xi1>, vector<512x128xi32>
    %select_n3A_1140 = arith.select %lt3A_1126, %select_n3A_1124, %select_n3A_1139 : vector<512x128xi1>, vector<512x128xi32>
    %select_n3A_1141 = arith.select %lt3A_1126, %slice3A_1125, %select_n3A_1121 : vector<512x128xi1>, vector<512x128xf32>
    %jit3A_1142 = arith.constant 56 : i32
    %broadcast_in_dim3A_1143 = vector.broadcast %jit3A_1142 : i32 to vector<512x128xi32>
    %select_n3A_1144 = arith.select %lt3A_1126, %broadcast_in_dim3A_1143, %select_n3A_1124 : vector<512x128xi1>, vector<512x128xi32>
    %slice3A_1145 = vector.extract_strided_slice %add3A_17 {offsets = [0, 7296], sizes = [512, 128], strides = [1, 1]} : vector<512x8192xf32> to vector<512x128xf32>
    %lt3A_1146 = arith.cmpf olt, %slice3A_1145, %select_n3A_1141 : vector<512x128xf32>
    %lt3A_1147 = arith.cmpf olt, %slice3A_1145, %select_n3A_1136 : vector<512x128xf32>
    %lt3A_1148 = arith.cmpf olt, %slice3A_1145, %select_n3A_1130 : vector<512x128xf32>
    %select_n3A_1149 = arith.select %lt3A_1148, %slice3A_1145, %select_n3A_1130 : vector<512x128xi1>, vector<512x128xf32>
    %select_n3A_1150 = arith.select %lt3A_1147, %select_n3A_1136, %select_n3A_1149 : vector<512x128xi1>, vector<512x128xf32>
    %jit3A_1151 = arith.constant 57 : i32
    %broadcast_in_dim3A_1152 = vector.broadcast %jit3A_1151 : i32 to vector<512x128xi32>
    %select_n3A_1153 = arith.select %lt3A_1148, %broadcast_in_dim3A_1152, %select_n3A_1134 : vector<512x128xi1>, vector<512x128xi32>
    %select_n3A_1154 = arith.select %lt3A_1147, %select_n3A_1140, %select_n3A_1153 : vector<512x128xi1>, vector<512x128xi32>
    %select_n3A_1155 = arith.select %lt3A_1147, %slice3A_1145, %select_n3A_1136 : vector<512x128xi1>, vector<512x128xf32>
    %select_n3A_1156 = arith.select %lt3A_1146, %select_n3A_1141, %select_n3A_1155 : vector<512x128xi1>, vector<512x128xf32>
    %jit3A_1157 = arith.constant 57 : i32
    %broadcast_in_dim3A_1158 = vector.broadcast %jit3A_1157 : i32 to vector<512x128xi32>
    %select_n3A_1159 = arith.select %lt3A_1147, %broadcast_in_dim3A_1158, %select_n3A_1140 : vector<512x128xi1>, vector<512x128xi32>
    %select_n3A_1160 = arith.select %lt3A_1146, %select_n3A_1144, %select_n3A_1159 : vector<512x128xi1>, vector<512x128xi32>
    %select_n3A_1161 = arith.select %lt3A_1146, %slice3A_1145, %select_n3A_1141 : vector<512x128xi1>, vector<512x128xf32>
    %jit3A_1162 = arith.constant 57 : i32
    %broadcast_in_dim3A_1163 = vector.broadcast %jit3A_1162 : i32 to vector<512x128xi32>
    %select_n3A_1164 = arith.select %lt3A_1146, %broadcast_in_dim3A_1163, %select_n3A_1144 : vector<512x128xi1>, vector<512x128xi32>
    %slice3A_1165 = vector.extract_strided_slice %add3A_17 {offsets = [0, 7424], sizes = [512, 128], strides = [1, 1]} : vector<512x8192xf32> to vector<512x128xf32>
    %lt3A_1166 = arith.cmpf olt, %slice3A_1165, %select_n3A_1161 : vector<512x128xf32>
    %lt3A_1167 = arith.cmpf olt, %slice3A_1165, %select_n3A_1156 : vector<512x128xf32>
    %lt3A_1168 = arith.cmpf olt, %slice3A_1165, %select_n3A_1150 : vector<512x128xf32>
    %select_n3A_1169 = arith.select %lt3A_1168, %slice3A_1165, %select_n3A_1150 : vector<512x128xi1>, vector<512x128xf32>
    %select_n3A_1170 = arith.select %lt3A_1167, %select_n3A_1156, %select_n3A_1169 : vector<512x128xi1>, vector<512x128xf32>
    %jit3A_1171 = arith.constant 58 : i32
    %broadcast_in_dim3A_1172 = vector.broadcast %jit3A_1171 : i32 to vector<512x128xi32>
    %select_n3A_1173 = arith.select %lt3A_1168, %broadcast_in_dim3A_1172, %select_n3A_1154 : vector<512x128xi1>, vector<512x128xi32>
    %select_n3A_1174 = arith.select %lt3A_1167, %select_n3A_1160, %select_n3A_1173 : vector<512x128xi1>, vector<512x128xi32>
    %select_n3A_1175 = arith.select %lt3A_1167, %slice3A_1165, %select_n3A_1156 : vector<512x128xi1>, vector<512x128xf32>
    %select_n3A_1176 = arith.select %lt3A_1166, %select_n3A_1161, %select_n3A_1175 : vector<512x128xi1>, vector<512x128xf32>
    %jit3A_1177 = arith.constant 58 : i32
    %broadcast_in_dim3A_1178 = vector.broadcast %jit3A_1177 : i32 to vector<512x128xi32>
    %select_n3A_1179 = arith.select %lt3A_1167, %broadcast_in_dim3A_1178, %select_n3A_1160 : vector<512x128xi1>, vector<512x128xi32>
    %select_n3A_1180 = arith.select %lt3A_1166, %select_n3A_1164, %select_n3A_1179 : vector<512x128xi1>, vector<512x128xi32>
    %select_n3A_1181 = arith.select %lt3A_1166, %slice3A_1165, %select_n3A_1161 : vector<512x128xi1>, vector<512x128xf32>
    %jit3A_1182 = arith.constant 58 : i32
    %broadcast_in_dim3A_1183 = vector.broadcast %jit3A_1182 : i32 to vector<512x128xi32>
    %select_n3A_1184 = arith.select %lt3A_1166, %broadcast_in_dim3A_1183, %select_n3A_1164 : vector<512x128xi1>, vector<512x128xi32>
    %slice3A_1185 = vector.extract_strided_slice %add3A_17 {offsets = [0, 7552], sizes = [512, 128], strides = [1, 1]} : vector<512x8192xf32> to vector<512x128xf32>
    %lt3A_1186 = arith.cmpf olt, %slice3A_1185, %select_n3A_1181 : vector<512x128xf32>
    %lt3A_1187 = arith.cmpf olt, %slice3A_1185, %select_n3A_1176 : vector<512x128xf32>
    %lt3A_1188 = arith.cmpf olt, %slice3A_1185, %select_n3A_1170 : vector<512x128xf32>
    %select_n3A_1189 = arith.select %lt3A_1188, %slice3A_1185, %select_n3A_1170 : vector<512x128xi1>, vector<512x128xf32>
    %select_n3A_1190 = arith.select %lt3A_1187, %select_n3A_1176, %select_n3A_1189 : vector<512x128xi1>, vector<512x128xf32>
    %jit3A_1191 = arith.constant 59 : i32
    %broadcast_in_dim3A_1192 = vector.broadcast %jit3A_1191 : i32 to vector<512x128xi32>
    %select_n3A_1193 = arith.select %lt3A_1188, %broadcast_in_dim3A_1192, %select_n3A_1174 : vector<512x128xi1>, vector<512x128xi32>
    %select_n3A_1194 = arith.select %lt3A_1187, %select_n3A_1180, %select_n3A_1193 : vector<512x128xi1>, vector<512x128xi32>
    %select_n3A_1195 = arith.select %lt3A_1187, %slice3A_1185, %select_n3A_1176 : vector<512x128xi1>, vector<512x128xf32>
    %select_n3A_1196 = arith.select %lt3A_1186, %select_n3A_1181, %select_n3A_1195 : vector<512x128xi1>, vector<512x128xf32>
    %jit3A_1197 = arith.constant 59 : i32
    %broadcast_in_dim3A_1198 = vector.broadcast %jit3A_1197 : i32 to vector<512x128xi32>
    %select_n3A_1199 = arith.select %lt3A_1187, %broadcast_in_dim3A_1198, %select_n3A_1180 : vector<512x128xi1>, vector<512x128xi32>
    %select_n3A_1200 = arith.select %lt3A_1186, %select_n3A_1184, %select_n3A_1199 : vector<512x128xi1>, vector<512x128xi32>
    %select_n3A_1201 = arith.select %lt3A_1186, %slice3A_1185, %select_n3A_1181 : vector<512x128xi1>, vector<512x128xf32>
    %jit3A_1202 = arith.constant 59 : i32
    %broadcast_in_dim3A_1203 = vector.broadcast %jit3A_1202 : i32 to vector<512x128xi32>
    %select_n3A_1204 = arith.select %lt3A_1186, %broadcast_in_dim3A_1203, %select_n3A_1184 : vector<512x128xi1>, vector<512x128xi32>
    %slice3A_1205 = vector.extract_strided_slice %add3A_17 {offsets = [0, 7680], sizes = [512, 128], strides = [1, 1]} : vector<512x8192xf32> to vector<512x128xf32>
    %lt3A_1206 = arith.cmpf olt, %slice3A_1205, %select_n3A_1201 : vector<512x128xf32>
    %lt3A_1207 = arith.cmpf olt, %slice3A_1205, %select_n3A_1196 : vector<512x128xf32>
    %lt3A_1208 = arith.cmpf olt, %slice3A_1205, %select_n3A_1190 : vector<512x128xf32>
    %select_n3A_1209 = arith.select %lt3A_1208, %slice3A_1205, %select_n3A_1190 : vector<512x128xi1>, vector<512x128xf32>
    %select_n3A_1210 = arith.select %lt3A_1207, %select_n3A_1196, %select_n3A_1209 : vector<512x128xi1>, vector<512x128xf32>
    %jit3A_1211 = arith.constant 60 : i32
    %broadcast_in_dim3A_1212 = vector.broadcast %jit3A_1211 : i32 to vector<512x128xi32>
    %select_n3A_1213 = arith.select %lt3A_1208, %broadcast_in_dim3A_1212, %select_n3A_1194 : vector<512x128xi1>, vector<512x128xi32>
    %select_n3A_1214 = arith.select %lt3A_1207, %select_n3A_1200, %select_n3A_1213 : vector<512x128xi1>, vector<512x128xi32>
    %select_n3A_1215 = arith.select %lt3A_1207, %slice3A_1205, %select_n3A_1196 : vector<512x128xi1>, vector<512x128xf32>
    %select_n3A_1216 = arith.select %lt3A_1206, %select_n3A_1201, %select_n3A_1215 : vector<512x128xi1>, vector<512x128xf32>
    %jit3A_1217 = arith.constant 60 : i32
    %broadcast_in_dim3A_1218 = vector.broadcast %jit3A_1217 : i32 to vector<512x128xi32>
    %select_n3A_1219 = arith.select %lt3A_1207, %broadcast_in_dim3A_1218, %select_n3A_1200 : vector<512x128xi1>, vector<512x128xi32>
    %select_n3A_1220 = arith.select %lt3A_1206, %select_n3A_1204, %select_n3A_1219 : vector<512x128xi1>, vector<512x128xi32>
    %select_n3A_1221 = arith.select %lt3A_1206, %slice3A_1205, %select_n3A_1201 : vector<512x128xi1>, vector<512x128xf32>
    %jit3A_1222 = arith.constant 60 : i32
    %broadcast_in_dim3A_1223 = vector.broadcast %jit3A_1222 : i32 to vector<512x128xi32>
    %select_n3A_1224 = arith.select %lt3A_1206, %broadcast_in_dim3A_1223, %select_n3A_1204 : vector<512x128xi1>, vector<512x128xi32>
    %slice3A_1225 = vector.extract_strided_slice %add3A_17 {offsets = [0, 7808], sizes = [512, 128], strides = [1, 1]} : vector<512x8192xf32> to vector<512x128xf32>
    %lt3A_1226 = arith.cmpf olt, %slice3A_1225, %select_n3A_1221 : vector<512x128xf32>
    %lt3A_1227 = arith.cmpf olt, %slice3A_1225, %select_n3A_1216 : vector<512x128xf32>
    %lt3A_1228 = arith.cmpf olt, %slice3A_1225, %select_n3A_1210 : vector<512x128xf32>
    %select_n3A_1229 = arith.select %lt3A_1228, %slice3A_1225, %select_n3A_1210 : vector<512x128xi1>, vector<512x128xf32>
    %select_n3A_1230 = arith.select %lt3A_1227, %select_n3A_1216, %select_n3A_1229 : vector<512x128xi1>, vector<512x128xf32>
    %jit3A_1231 = arith.constant 61 : i32
    %broadcast_in_dim3A_1232 = vector.broadcast %jit3A_1231 : i32 to vector<512x128xi32>
    %select_n3A_1233 = arith.select %lt3A_1228, %broadcast_in_dim3A_1232, %select_n3A_1214 : vector<512x128xi1>, vector<512x128xi32>
    %select_n3A_1234 = arith.select %lt3A_1227, %select_n3A_1220, %select_n3A_1233 : vector<512x128xi1>, vector<512x128xi32>
    %select_n3A_1235 = arith.select %lt3A_1227, %slice3A_1225, %select_n3A_1216 : vector<512x128xi1>, vector<512x128xf32>
    %select_n3A_1236 = arith.select %lt3A_1226, %select_n3A_1221, %select_n3A_1235 : vector<512x128xi1>, vector<512x128xf32>
    %jit3A_1237 = arith.constant 61 : i32
    %broadcast_in_dim3A_1238 = vector.broadcast %jit3A_1237 : i32 to vector<512x128xi32>
    %select_n3A_1239 = arith.select %lt3A_1227, %broadcast_in_dim3A_1238, %select_n3A_1220 : vector<512x128xi1>, vector<512x128xi32>
    %select_n3A_1240 = arith.select %lt3A_1226, %select_n3A_1224, %select_n3A_1239 : vector<512x128xi1>, vector<512x128xi32>
    %select_n3A_1241 = arith.select %lt3A_1226, %slice3A_1225, %select_n3A_1221 : vector<512x128xi1>, vector<512x128xf32>
    %jit3A_1242 = arith.constant 61 : i32
    %broadcast_in_dim3A_1243 = vector.broadcast %jit3A_1242 : i32 to vector<512x128xi32>
    %select_n3A_1244 = arith.select %lt3A_1226, %broadcast_in_dim3A_1243, %select_n3A_1224 : vector<512x128xi1>, vector<512x128xi32>
    %slice3A_1245 = vector.extract_strided_slice %add3A_17 {offsets = [0, 7936], sizes = [512, 128], strides = [1, 1]} : vector<512x8192xf32> to vector<512x128xf32>
    %lt3A_1246 = arith.cmpf olt, %slice3A_1245, %select_n3A_1241 : vector<512x128xf32>
    %lt3A_1247 = arith.cmpf olt, %slice3A_1245, %select_n3A_1236 : vector<512x128xf32>
    %lt3A_1248 = arith.cmpf olt, %slice3A_1245, %select_n3A_1230 : vector<512x128xf32>
    %select_n3A_1249 = arith.select %lt3A_1248, %slice3A_1245, %select_n3A_1230 : vector<512x128xi1>, vector<512x128xf32>
    %select_n3A_1250 = arith.select %lt3A_1247, %select_n3A_1236, %select_n3A_1249 : vector<512x128xi1>, vector<512x128xf32>
    %jit3A_1251 = arith.constant 62 : i32
    %broadcast_in_dim3A_1252 = vector.broadcast %jit3A_1251 : i32 to vector<512x128xi32>
    %select_n3A_1253 = arith.select %lt3A_1248, %broadcast_in_dim3A_1252, %select_n3A_1234 : vector<512x128xi1>, vector<512x128xi32>
    %select_n3A_1254 = arith.select %lt3A_1247, %select_n3A_1240, %select_n3A_1253 : vector<512x128xi1>, vector<512x128xi32>
    %select_n3A_1255 = arith.select %lt3A_1247, %slice3A_1245, %select_n3A_1236 : vector<512x128xi1>, vector<512x128xf32>
    %select_n3A_1256 = arith.select %lt3A_1246, %select_n3A_1241, %select_n3A_1255 : vector<512x128xi1>, vector<512x128xf32>
    %jit3A_1257 = arith.constant 62 : i32
    %broadcast_in_dim3A_1258 = vector.broadcast %jit3A_1257 : i32 to vector<512x128xi32>
    %select_n3A_1259 = arith.select %lt3A_1247, %broadcast_in_dim3A_1258, %select_n3A_1240 : vector<512x128xi1>, vector<512x128xi32>
    %select_n3A_1260 = arith.select %lt3A_1246, %select_n3A_1244, %select_n3A_1259 : vector<512x128xi1>, vector<512x128xi32>
    %select_n3A_1261 = arith.select %lt3A_1246, %slice3A_1245, %select_n3A_1241 : vector<512x128xi1>, vector<512x128xf32>
    %jit3A_1262 = arith.constant 62 : i32
    %broadcast_in_dim3A_1263 = vector.broadcast %jit3A_1262 : i32 to vector<512x128xi32>
    %select_n3A_1264 = arith.select %lt3A_1246, %broadcast_in_dim3A_1263, %select_n3A_1244 : vector<512x128xi1>, vector<512x128xi32>
    %slice3A_1265 = vector.extract_strided_slice %add3A_17 {offsets = [0, 8064], sizes = [512, 128], strides = [1, 1]} : vector<512x8192xf32> to vector<512x128xf32>
    %lt3A_1266 = arith.cmpf olt, %slice3A_1265, %select_n3A_1261 : vector<512x128xf32>
    %lt3A_1267 = arith.cmpf olt, %slice3A_1265, %select_n3A_1256 : vector<512x128xf32>
    %lt3A_1268 = arith.cmpf olt, %slice3A_1265, %select_n3A_1250 : vector<512x128xf32>
    %select_n3A_1269 = arith.select %lt3A_1268, %slice3A_1265, %select_n3A_1250 : vector<512x128xi1>, vector<512x128xf32>
    %select_n3A_1270 = arith.select %lt3A_1267, %select_n3A_1256, %select_n3A_1269 : vector<512x128xi1>, vector<512x128xf32>
    %jit3A_1271 = arith.constant 63 : i32
    %broadcast_in_dim3A_1272 = vector.broadcast %jit3A_1271 : i32 to vector<512x128xi32>
    %select_n3A_1273 = arith.select %lt3A_1268, %broadcast_in_dim3A_1272, %select_n3A_1254 : vector<512x128xi1>, vector<512x128xi32>
    %select_n3A_1274 = arith.select %lt3A_1267, %select_n3A_1260, %select_n3A_1273 : vector<512x128xi1>, vector<512x128xi32>
    %select_n3A_1275 = arith.select %lt3A_1267, %slice3A_1265, %select_n3A_1256 : vector<512x128xi1>, vector<512x128xf32>
    %select_n3A_1276 = arith.select %lt3A_1266, %select_n3A_1261, %select_n3A_1275 : vector<512x128xi1>, vector<512x128xf32>
    %jit3A_1277 = arith.constant 63 : i32
    %broadcast_in_dim3A_1278 = vector.broadcast %jit3A_1277 : i32 to vector<512x128xi32>
    %select_n3A_1279 = arith.select %lt3A_1267, %broadcast_in_dim3A_1278, %select_n3A_1260 : vector<512x128xi1>, vector<512x128xi32>
    %select_n3A_1280 = arith.select %lt3A_1266, %select_n3A_1264, %select_n3A_1279 : vector<512x128xi1>, vector<512x128xi32>
    %select_n3A_1281 = arith.select %lt3A_1266, %slice3A_1265, %select_n3A_1261 : vector<512x128xi1>, vector<512x128xf32>
    %jit3A_1282 = arith.constant 63 : i32
    %broadcast_in_dim3A_1283 = vector.broadcast %jit3A_1282 : i32 to vector<512x128xi32>
    %select_n3A_1284 = arith.select %lt3A_1266, %broadcast_in_dim3A_1283, %select_n3A_1264 : vector<512x128xi1>, vector<512x128xi32>
    %iota3A = tpu.iota {dimensions = array<i32: 1>} : vector<512x128xi32>
    %mul3A_1285 = arith.constant 128 : i32
    %mul3A_1286 = vector.broadcast %mul3A_1285 : i32 to vector<512x128xi32>
    %mul3A_1287 = arith.muli %select_n3A_1284, %mul3A_1286 : vector<512x128xi32>
    %add3A_1288 = arith.addi %mul3A_1287, %iota3A : vector<512x128xi32>
    %mul3A_1289 = arith.constant 128 : i32
    %mul3A_1290 = vector.broadcast %mul3A_1289 : i32 to vector<512x128xi32>
    %mul3A_1291 = arith.muli %select_n3A_1280, %mul3A_1290 : vector<512x128xi32>
    %add3A_1292 = arith.addi %mul3A_1291, %iota3A : vector<512x128xi32>
    %mul3A_1293 = arith.constant 128 : i32
    %mul3A_1294 = vector.broadcast %mul3A_1293 : i32 to vector<512x128xi32>
    %mul3A_1295 = arith.muli %select_n3A_1274, %mul3A_1294 : vector<512x128xi32>
    %add3A_1296 = arith.addi %mul3A_1295, %iota3A : vector<512x128xi32>
    %reduce_min3A = arith.constant dense<0x7F800000> : vector<512xf32>
    %reduce_min3A_1297 = vector.multi_reduction <minimumf>, %select_n3A_1281, %reduce_min3A [1] : vector<512x128xf32> to vector<512xf32>
    %broadcast_in_dim3A_1298 = vector.shape_cast %reduce_min3A_1297 : vector<512xf32> to vector<512x1xf32>
    %eq3A_1299 = vector.broadcast %broadcast_in_dim3A_1298 : vector<512x1xf32> to vector<512x128xf32>
    %eq3A_1300 = arith.cmpf oeq, %select_n3A_1281, %eq3A_1299 : vector<512x128xf32>
    %jit3A_1301 = arith.constant 1073741824 : i32
    %broadcast_in_dim3A_1302 = vector.broadcast %jit3A_1301 : i32 to vector<512x128xi32>
    %select_n3A_1303 = arith.select %eq3A_1300, %add3A_1288, %broadcast_in_dim3A_1302 : vector<512x128xi1>, vector<512x128xi32>
    %reduce_min3A_1304 = arith.constant dense<2147483647> : vector<512xi32>
    %reduce_min3A_1305 = vector.multi_reduction <minsi>, %select_n3A_1303, %reduce_min3A_1304 [1] : vector<512x128xi32> to vector<512xi32>
    %broadcast_in_dim3A_1306 = vector.shape_cast %reduce_min3A_1305 : vector<512xi32> to vector<512x1xi32>
    %reduce_sum3A_1307 = vector.shape_cast %broadcast_in_dim3A_1298 : vector<512x1xf32> to vector<1x512x1xf32>
    %reduce_sum3A_1308 = arith.constant dense<0.000000e+00> : vector<1xf32>
    %reduce_sum3A_1309 = vector.multi_reduction <add>, %reduce_sum3A_1307, %reduce_sum3A_1308 [1, 2] : vector<1x512x1xf32> to vector<1xf32>
    %reduce_sum3A_1310 = vector.shape_cast %reduce_sum3A_1309 : vector<1xf32> to vector<1x1x1xf32>
    %reduce_sum3A_1311 = vector.extract %reduce_sum3A_1310[0, 0, 0] : f32 from vector<1x1x1xf32>
    %add3A_1312 = arith.constant 0.000000e+00 : f32
    %add3A_1313 = arith.addf %add3A_1312, %reduce_sum3A_1311 : f32
    %eq3A_1314 = vector.broadcast %broadcast_in_dim3A_1306 : vector<512x1xi32> to vector<512x128xi32>
    %eq3A_1315 = arith.cmpi eq, %add3A_1288, %eq3A_1314 : vector<512x128xi32>
    %select_n3A_1316 = arith.select %eq3A_1315, %select_n3A_1276, %select_n3A_1281 : vector<512x128xi1>, vector<512x128xf32>
    %select_n3A_1317 = arith.select %eq3A_1315, %add3A_1292, %add3A_1288 : vector<512x128xi1>, vector<512x128xi32>
    %select_n3A_1318 = arith.select %eq3A_1315, %select_n3A_1270, %select_n3A_1276 : vector<512x128xi1>, vector<512x128xf32>
    %select_n3A_1319 = arith.select %eq3A_1315, %add3A_1296, %add3A_1292 : vector<512x128xi1>, vector<512x128xi32>
    %reduce_min3A_1320 = arith.constant dense<0x7F800000> : vector<512xf32>
    %reduce_min3A_1321 = vector.multi_reduction <minimumf>, %select_n3A_1316, %reduce_min3A_1320 [1] : vector<512x128xf32> to vector<512xf32>
    %broadcast_in_dim3A_1322 = vector.shape_cast %reduce_min3A_1321 : vector<512xf32> to vector<512x1xf32>
    %eq3A_1323 = vector.broadcast %broadcast_in_dim3A_1322 : vector<512x1xf32> to vector<512x128xf32>
    %eq3A_1324 = arith.cmpf oeq, %select_n3A_1316, %eq3A_1323 : vector<512x128xf32>
    %jit3A_1325 = arith.constant 1073741824 : i32
    %broadcast_in_dim3A_1326 = vector.broadcast %jit3A_1325 : i32 to vector<512x128xi32>
    %select_n3A_1327 = arith.select %eq3A_1324, %select_n3A_1317, %broadcast_in_dim3A_1326 : vector<512x128xi1>, vector<512x128xi32>
    %reduce_min3A_1328 = arith.constant dense<2147483647> : vector<512xi32>
    %reduce_min3A_1329 = vector.multi_reduction <minsi>, %select_n3A_1327, %reduce_min3A_1328 [1] : vector<512x128xi32> to vector<512xi32>
    %broadcast_in_dim3A_1330 = vector.shape_cast %reduce_min3A_1329 : vector<512xi32> to vector<512x1xi32>
    %reduce_sum3A_1331 = vector.shape_cast %broadcast_in_dim3A_1322 : vector<512x1xf32> to vector<1x512x1xf32>
    %reduce_sum3A_1332 = arith.constant dense<0.000000e+00> : vector<1xf32>
    %reduce_sum3A_1333 = vector.multi_reduction <add>, %reduce_sum3A_1331, %reduce_sum3A_1332 [1, 2] : vector<1x512x1xf32> to vector<1xf32>
    %reduce_sum3A_1334 = vector.shape_cast %reduce_sum3A_1333 : vector<1xf32> to vector<1x1x1xf32>
    %reduce_sum3A_1335 = vector.extract %reduce_sum3A_1334[0, 0, 0] : f32 from vector<1x1x1xf32>
    %add3A_1336 = arith.addf %add3A_1313, %reduce_sum3A_1335 : f32
    %eq3A_1337 = vector.broadcast %broadcast_in_dim3A_1330 : vector<512x1xi32> to vector<512x128xi32>
    %eq3A_1338 = arith.cmpi eq, %select_n3A_1317, %eq3A_1337 : vector<512x128xi32>
    %select_n3A_1339 = arith.select %eq3A_1338, %select_n3A_1318, %select_n3A_1316 : vector<512x128xi1>, vector<512x128xf32>
    %select_n3A_1340 = arith.select %eq3A_1338, %select_n3A_1319, %select_n3A_1317 : vector<512x128xi1>, vector<512x128xi32>
    %reduce_min3A_1341 = arith.constant dense<0x7F800000> : vector<512xf32>
    %reduce_min3A_1342 = vector.multi_reduction <minimumf>, %select_n3A_1339, %reduce_min3A_1341 [1] : vector<512x128xf32> to vector<512xf32>
    %broadcast_in_dim3A_1343 = vector.shape_cast %reduce_min3A_1342 : vector<512xf32> to vector<512x1xf32>
    %eq3A_1344 = vector.broadcast %broadcast_in_dim3A_1343 : vector<512x1xf32> to vector<512x128xf32>
    %eq3A_1345 = arith.cmpf oeq, %select_n3A_1339, %eq3A_1344 : vector<512x128xf32>
    %jit3A_1346 = arith.constant 1073741824 : i32
    %broadcast_in_dim3A_1347 = vector.broadcast %jit3A_1346 : i32 to vector<512x128xi32>
    %select_n3A_1348 = arith.select %eq3A_1345, %select_n3A_1340, %broadcast_in_dim3A_1347 : vector<512x128xi1>, vector<512x128xi32>
    %reduce_min3A_1349 = arith.constant dense<2147483647> : vector<512xi32>
    %reduce_min3A_1350 = vector.multi_reduction <minsi>, %select_n3A_1348, %reduce_min3A_1349 [1] : vector<512x128xi32> to vector<512xi32>
    %broadcast_in_dim3A_1351 = vector.shape_cast %reduce_min3A_1350 : vector<512xi32> to vector<512x1xi32>
    %reduce_sum3A_1352 = vector.shape_cast %broadcast_in_dim3A_1343 : vector<512x1xf32> to vector<1x512x1xf32>
    %reduce_sum3A_1353 = arith.constant dense<0.000000e+00> : vector<1xf32>
    %reduce_sum3A_1354 = vector.multi_reduction <add>, %reduce_sum3A_1352, %reduce_sum3A_1353 [1, 2] : vector<1x512x1xf32> to vector<1xf32>
    %reduce_sum3A_1355 = vector.shape_cast %reduce_sum3A_1354 : vector<1xf32> to vector<1x1x1xf32>
    %reduce_sum3A_1356 = vector.extract %reduce_sum3A_1355[0, 0, 0] : f32 from vector<1x1x1xf32>
    %add3A_1357 = arith.addf %add3A_1336, %reduce_sum3A_1356 : f32
    %concatenate3A = tpu.concatenate %broadcast_in_dim3A_1306, %broadcast_in_dim3A_1330, %broadcast_in_dim3A_1351 in 1 : vector<512x1xi32>, vector<512x1xi32>, vector<512x1xi32> -> vector<512x3xi32>
    %swap3A = arith.constant 0 : index
    %swap3A_1358 = arith.constant 0 : index
    %swap3A_1359 = vector.load %arg3[%swap3A, %swap3A_1358] : memref<512x3xi32, #tpu.memory_space<vmem>>, vector<512x3xi32>
    tpu.vector_store %arg3[%swap3A, %swap3A_1358], %concatenate3A {strides = array<i32>} : memref<512x3xi32, #tpu.memory_space<vmem>>, vector<512x3xi32>,
    %get3A_1360 = arith.constant 0 : index
    %get3A_1361 = arith.constant 0 : index
    %get3A_1362 = memref.load %arg4[%get3A_1360, %get3A_1361] : memref<1x1xf32, #tpu.memory_space<smem>>
    %add3A_1363 = arith.addf %get3A_1362, %add3A_1357 : f32
    %swap3A_1364 = arith.constant 0 : index
    %swap3A_1365 = arith.constant 0 : index
    %swap3A_1366 = memref.load %arg4[%swap3A_1364, %swap3A_1365] : memref<1x1xf32, #tpu.memory_space<smem>>
    memref.store %add3A_1363, %arg4[%swap3A_1364, %swap3A_1365] : memref<1x1xf32, #tpu.memory_space<smem>>
    return
  }
  func.func @transform_0(%arg0: i32) -> (i32, i32) {
    %c0_i32 = arith.constant 0 : i32
    %c0_i32_0 = arith.constant 0 : i32
    return %arg0, %c0_i32 : i32, i32
  }
  func.func @transform_1(%arg0: i32) -> (i32, i32) {
    %c0_i32 = arith.constant 0 : i32
    %c0_i32_0 = arith.constant 0 : i32
    %c0_i32_1 = arith.constant 0 : i32
    return %c0_i32, %c0_i32_0 : i32, i32
  }
  func.func @transform_2(%arg0: i32) -> (i32, i32) {
    %c0_i32 = arith.constant 0 : i32
    %c0_i32_0 = arith.constant 0 : i32
    return %arg0, %c0_i32 : i32, i32
  }
  func.func @transform_3(%arg0: i32) -> (i32, i32) {
    %c0_i32 = arith.constant 0 : i32
    %c0_i32_0 = arith.constant 0 : i32
    %c0_i32_1 = arith.constant 0 : i32
    return %c0_i32, %c0_i32_0 : i32, i32
  }
}

module attributes {stable_mosaic.version = 14 : i64} {
  func.func @_scalars_body(%arg0: memref<64x128xf32, #tpu.memory_space<vmem>>, %arg1: memref<1x1xf32, #tpu.memory_space<smem>>, %arg2: memref<1x1xf32, #tpu.memory_space<smem>>, %arg3: memref<1x1xf32, #tpu.memory_space<smem>>) attributes {dimension_semantics = [], scalar_prefetch = 0 : i64, scratch_operands = 0 : i64, tpu.core_type = #tpu.core_type<tc>} {
    %get3A = arith.constant 0 : index
    %get3A_0 = arith.constant 0 : index
    %get3A_1 = vector.load %arg0[%get3A, %get3A_0] : memref<64x128xf32, #tpu.memory_space<vmem>>, vector<64x128xf32>
    %mul3A = arith.constant 1.22070313E-4 : f32
    %mul3A_2 = vector.broadcast %mul3A : f32 to vector<64x128xf32>
    %mul3A_3 = arith.mulf %get3A_1, %mul3A_2 : vector<64x128xf32>
    %add3A = arith.constant 1.000000e-10 : f32
    %add3A_4 = vector.broadcast %add3A : f32 to vector<64x128xf32>
    %add3A_5 = arith.addf %mul3A_3, %add3A_4 : vector<64x128xf32>
    %log3A = math.log %add3A_5 : vector<64x128xf32>
    %mul3A_6 = arith.mulf %mul3A_3, %log3A : vector<64x128xf32>
    %reduce_sum3A = vector.shape_cast %mul3A_6 : vector<64x128xf32> to vector<1x64x128xf32>
    %reduce_sum3A_7 = arith.constant dense<0.000000e+00> : vector<1xf32>
    %reduce_sum3A_8 = vector.multi_reduction <add>, %reduce_sum3A, %reduce_sum3A_7 [1, 2] : vector<1x64x128xf32> to vector<1xf32>
    %reduce_sum3A_9 = vector.shape_cast %reduce_sum3A_8 : vector<1xf32> to vector<1x1x1xf32>
    %reduce_sum3A_10 = vector.extract %reduce_sum3A_9[0, 0, 0] : f32 from vector<1x1x1xf32>
    %neg3A = arith.constant 0.000000e+00 : f32
    %neg3A_11 = arith.subf %neg3A, %reduce_sum3A_10 : f32
    %exp3A = math.exp %neg3A_11 : f32
    %swap3A = arith.constant 0 : index
    %swap3A_12 = arith.constant 0 : index
    %swap3A_13 = memref.load %arg3[%swap3A, %swap3A_12] : memref<1x1xf32, #tpu.memory_space<smem>>
    memref.store %exp3A, %arg3[%swap3A, %swap3A_12] : memref<1x1xf32, #tpu.memory_space<smem>>
    %get3A_14 = arith.constant 0 : index
    %get3A_15 = arith.constant 0 : index
    %get3A_16 = memref.load %arg1[%get3A_14, %get3A_15] : memref<1x1xf32, #tpu.memory_space<smem>>
    %mul3A_17 = arith.constant 1.27156579E-6 : f32
    %mul3A_18 = arith.mulf %get3A_16, %mul3A_17 : f32
    %mul3A_19 = arith.constant 2.500000e-01 : f32
    %mul3A_20 = arith.mulf %mul3A_19, %mul3A_18 : f32
    %add3A_21 = arith.addf %mul3A_18, %mul3A_20 : f32
    %swap3A_22 = arith.constant 0 : index
    %swap3A_23 = arith.constant 0 : index
    %swap3A_24 = memref.load %arg2[%swap3A_22, %swap3A_23] : memref<1x1xf32, #tpu.memory_space<smem>>
    memref.store %add3A_21, %arg2[%swap3A_22, %swap3A_23] : memref<1x1xf32, #tpu.memory_space<smem>>
    return
  }
}

</mosaic_0001>

<sc_bundles>
// kernel: kernel.5.cloned.1.call-start
scs
__scs_entry_jumppad:
0x0: {  	(pc) =	sbr.rel $0x88, $3  }
0x1: {  	(tag) =	ssettag $0x0;
	lr =	simm.s32 $0x1  }
0x2: {  	[smem:$0x3F9F] =	sst lr;
	_ =	strace $0xD0000000  }
0x3: {  	_ = 	snop  }
0x4: {  	_ = 	snop  }
0x5: {  	_ = 	snop  }
0x6: {  	_ = 	snop  }
0x7: {  	_ = 	snop  }
__scs_overlays_trampoline_lowered:
0x8: {  	[smem:$0x3FAE] =	sst s0  }
0x9: {  	[smem:$0x3FAF] =	sst s1  }
0xa: {  	[smem:$0x3FB0] =	sst s2  }
0xb: {  	[smem:$0x3FB1] =	sst s3  }
0xc: {  	[smem:$0x3FB2] =	sst s4  }
0xd: {  	[smem:$0x3FB3] =	sst s5  }
0xe: {  	[smem:$0x3FB4] =	sst s6  }
0xf: {  	[smem:$0x3FB5] =	sst s7  }
0x10: {  	[smem:$0x3FB6] =	sst s8  }
0x11: {  	[smem:$0x3FB7] =	sst s9;
	s0 =	simm.s32 @!p0 $0x0  }
0x12: {  	s1 =	sld [smem:$0x3F9D];
	s0 =	simm.s32 @p0 $0x1  }
0x13: {  	[smem:$0x3FB8] =	sst s0;
	s0 =	simm.s32 @!p1 $0x0  }
0x14: {  	s2 =	sld [smem:$0x3F9C];
	s0 =	simm.s32 @p1 $0x1  }
0x15: {  	[smem:$0x3FB9] =	sst s0;
	s0 =	simm.s32 @!p2 $0x0  }
0x16: {  	s3 =	sld [smem:$0x3FDB];
	s0 =	simm.s32 @p2 $0x1  }
0x17: {  	s4 =	simm.s32 $0x1BF5;
	[smem:$0x3FBB] =	sst s0  }
0x18: {  	s0 =	sld [smem:$0x3F9E];
	_ =	swait.ge [sflag:s4], $0x0  }
0x19: {  	s7 =	sld [smem:$0x3F9F]  }
0x1a: {  	s8 =	sadd.s32 $0xFFFFE003, lr  }
0x1b: {  	s9 =	sadd.s32 $0xFFFFFEF7, lr;
	s5 =	simm.s32 $0xFFFFFFFF;
	p2 =	slt.u32 s8, $0xFFFFF086  }
0x1c: {  	p1 =	slt.u32 s9, $0xF7A;
	s5 =	simm.s32 @!p2 $0x0  }
0x1d: {  	s5 =	simm.s32 @p1 $0x1;
	p0 =	seq.s32 s7, s2  }
0x1e: {  	s7 =	smul.u32 @!p0 $0xF7A, s2;
	p2 =	seq.s32 @!p0 s5, $0x0  }
0x1f: {  	s9 =	smul.u32 $0xF7A, s1;
	s8 =	simm.s32 @!p0 $0x1BF5;
	p2 =	por !p2, p0  }
0x20: {  	[sflag:s8] =	ssyncset.s32 @!p0 $0xFFFFF086;
	s6 =	sadd.s32 @!p0 s3, s7;
	s7 =	simm.s32 @!p0 $0x108  }
0x21: {  	s3 =	sadd.s32 s3, s9;
	s6 =	sadd.s32 @!p0 $0x88, s6;
	s7 =	simm.s32 @p2 $0x1082  }
0x22: {  	[simem:s7], [sflag:s8] =	dma.local @!p0 [hbm:s6], $0xF7A  }
0x23: {  	s9 =	sor.u32 $0xD0000000, s2;
	s6 =	simm.s32 $0x108;
	_ =	swait.ge @!p0 [sflag:s8], $0x0  }
0x24: {  	s3 =	sadd.s32 $0x88, s3;
	s6 =	simm.s32 @!p1 $0x1082;
	[sflag:s4] =	ssyncset.s32 $0xFFFFF086  }
0x25: {  	[simem:s6], [sflag:s4] =	dma.local [hbm:s3], $0xF7A  }
0x26: {  	[smem:$0x3F9F] =	sst s1;
	(tag) =	ssettag s2;
	_ =	strace s9  }
0x27: {  	s1 =	sld [smem:$0x3FAF]  }
0x28: {  	s2 =	sld [smem:$0x3FB0]  }
0x29: {  	s4 =	sld [smem:$0x3FB2]  }
0x2a: {  	p0 =	seq.s32 s5, $0x0;
	s5 =	sld [smem:$0x3FB3]  }
0x2b: {  	s6 =	sld [smem:$0x3FB4]  }
0x2c: {  	s7 =	sld [smem:$0x3FB5]  }
0x2d: {  	s3 =	simm.s32 $0x108;
	s8 =	sld [smem:$0x3FB6]  }
0x2e: {  	s3 =	simm.s32 @!p0 $0x1082;
	s9 =	sld [smem:$0x3FB7]  }
0x2f: {  	lr =	sadd.s32 s0, s3;
	s0 =	sld [smem:$0x3FAE]  }
0x30: {  	s3 =	sld [smem:$0x3FB1]  }
0x31: {  	[smem:$0x3FBA] =	sst s10  }
0x32: {  	s10 =	sld [smem:$0x3FB8];
	_ =	sdelay $0x3  }
0x33: {  	p0 =	seq.s32 s10, $0x1;
	s10 =	sld [smem:$0x3FBA];
	_ =	sdelay $0x3  }
0x34: {  	[smem:$0x3FBA] =	sst s10  }
0x35: {  	s10 =	sld [smem:$0x3FB9];
	_ =	sdelay $0x3  }
0x36: {  	p1 =	seq.s32 s10, $0x1;
	s10 =	sld [smem:$0x3FBA];
	_ =	sdelay $0x3  }
0x37: {  	[smem:$0x3FBA] =	sst s10  }
0x38: {  	s10 =	sld [smem:$0x3FBB]  }
0x39: {  	_ = 	snop;
	(pc) =	sbr.ind lr, $3  }
0x3a: {  	_ = 	snop  }
0x3b: {  	_ = 	snop  }
0x3c: {  	p2 =	seq.s32 s10, $0x1;
	s10 =	sld [smem:$0x3FBA]  }
0x3d: {  	_ =	shalt  }
0x3e: {  	_ =	shalt  }
0x3f: {  	_ =	shalt  }
0x40: {  	_ =	shalt  }
0x41: {  	_ =	shalt  }
0x42: {  	_ =	shalt  }
0x43: {  	_ =	shalt  }
0x44: {  	_ =	shalt  }
0x45: {  	_ =	shalt  }
0x46: {  	_ =	shalt  }
0x47: {  	_ =	shalt  }
0x48: {  	_ =	shalt  }
0x49: {  	_ =	shalt  }
0x4a: {  	_ =	shalt  }
0x4b: {  	_ =	shalt  }
0x4c: {  	_ =	shalt  }
0x4d: {  	_ =	shalt  }
0x4e: {  	_ =	shalt  }
0x4f: {  	_ =	shalt  }
0x50: {  	_ =	shalt  }
0x51: {  	_ =	shalt  }
0x52: {  	_ =	shalt  }
0x53: {  	_ =	shalt  }
0x54: {  	_ =	shalt  }
0x55: {  	_ =	shalt  }
0x56: {  	_ =	shalt  }
0x57: {  	_ =	shalt  }
0x58: {  	_ =	shalt  }
0x59: {  	_ =	shalt  }
0x5a: {  	_ =	shalt  }
0x5b: {  	_ =	shalt  }
0x5c: {  	_ =	shalt  }
0x5d: {  	_ =	shalt  }
0x5e: {  	_ =	shalt  }
0x5f: {  	_ =	shalt  }
0x60: {  	_ =	shalt  }
0x61: {  	_ =	shalt  }
0x62: {  	_ =	shalt  }
0x63: {  	_ =	shalt  }
0x64: {  	_ =	shalt  }
0x65: {  	_ =	shalt  }
0x66: {  	_ =	shalt  }
0x67: {  	_ =	shalt  }
0x68: {  	_ =	shalt  }
0x69: {  	_ =	shalt  }
0x6a: {  	_ =	shalt  }
0x6b: {  	_ =	shalt  }
0x6c: {  	_ =	shalt  }
0x6d: {  	_ =	shalt  }
0x6e: {  	_ =	shalt  }
0x6f: {  	_ =	shalt  }
0x70: {  	_ =	shalt  }
0x71: {  	_ =	shalt  }
0x72: {  	_ =	shalt  }
0x73: {  	_ =	shalt  }
0x74: {  	_ =	shalt  }
0x75: {  	_ =	shalt  }
0x76: {  	_ =	shalt  }
0x77: {  	_ =	shalt  }
0x78: {  	_ =	shalt  }
0x79: {  	_ =	shalt  }
0x7a: {  	_ =	shalt  }
0x7b: {  	_ =	shalt  }
0x7c: {  	_ =	shalt  }
0x7d: {  	_ =	shalt  }
0x7e: {  	_ =	shalt  }
0x7f: {  	_ =	shalt  }
0x80: {  	_ =	shalt  }
0x81: {  	_ =	shalt  }
0x82: {  	_ =	shalt  }
0x83: {  	_ =	shalt  }
0x84: {  	_ =	shalt  }
0x85: {  	_ =	shalt  }
0x86: {  	_ =	shalt  }
0x87: {  	_ =	shalt  }
.Lfunc_end0:
.L_simem_size_0:
called_computation_lowered:
.L_overlay_start_0:
0x88: {  	s0 =	sld [smem:$0x3FD9]  }
0x89: {  	s1 =	sld [smem:$0x3FFE];
	_ =	sdelay $0x3  }
0x8a: {  	s0 =	sadd.s32 s1, s0  }
0x8b: {  	[smem:$0x3FC6] =	sst s0  }
0x8c: {  	_ = 	snop  }
0x8d: {  	s0 =	sld [smem:$0x3FD0];
	_ =	sdelay $0x2  }
0x8e: {  	s13 =	simm.s32 $0xA;
	s2 =	simm.s32 $0x10  }
0x8f: {  	[smem:s2], [sflag:s13] =	dma.local [hbm:s0], $0x1  }
0x90: {  	_ =	swait.eq [sflag:s13], $0x1  }
0x91: {  	[sflag:s13] =	ssyncset.done $0x0  }
0x92: {  	[sflag:s13] =	ssyncadd.s32 $0xFFFFFFFF  }
0x93: {  	s14 =	sld [smem:$0x11];
	(tm) =	ssettm $0x1  }
0x94: {  	s15 =	sld [smem:$0x3FFB];
	_ =	sdelay $0x3  }
0x95: {  	_ =	strace s15  }
0x96: {  	s1 =	sld [smem:$0x3FFC];
	_ =	sdelay $0x3  }
0x97: {  	_ =	strace s1  }
0x98: {  	s1 =	sld [smem:$0x3FFD];
	_ =	sdelay $0x3  }
0x99: {  	_ =	strace s1  }
0x9a: {  	_ =	strace $0x8FFFFFFF  }
0x9b: {  	s16 =	sld [smem:$0x3FDB];
	_ =	sdelay $0x1  }
0x9c: {  	s17 =	simm.s32 $_scs_section_size  }
0x9d: {  	s3 =	simm.s32 $_size__tile_overlayer_lowered;
	s4 =	simm.s32 $_tile_overlayer_lowered  }
0x9e: {  	s20 =	simm.s32 $0x1BFF;
	s19 =	sshll.u32 s4, $0x1;
	s1 =	sadd.s32 s17, s16  }
0x9f: {  	s5 =	simm.s32 $0x0;
	s18 =	sshll.u32 s3, $0x1;
	s3 =	sadd.s32 s19, s1  }
0xa0: {  	[timem:s5], [sflag:s20] =	dma.local [hbm:s3], s18  }
0xa1: {  	_ =	swait.ge [sflag:s20], s18  }
0xa2: {  	s2 =	ssub.s32 $0x0, s18;
	[sflag:s20] =	ssyncset.done $0x0  }
0xa3: {  	[sflag:s20] =	ssyncadd.s32 s2;
	_ =	sdelay $0x1  }
0xa4: {  	s21 =	simm.s32 $0x1B8B  }
0xa5: {  	_ =	swait.ge [sflag:s21], $0x1  }
0xa6: {  	[sflag:s21] =	ssyncset.done $0x0  }
0xa7: {  	s23 =	simm.s32 $0x1B8E;
	s22 =	sld [smem:$0x3FFE];
	[sflag:s21] =	ssyncadd.s32 $0xFFFFFFFF  }
0xa8: {  	s24 =	simm.s32 $execute0_lowered;
	[smem:$0x3FD2] =	sst s23  }
0xa9: {  	s3 =	sshll.u32 s24, $0x1;
	_ =	strace $0x80000046;
	[dreg:$0x1] =	wrdreg $0xFFFFFFFF  }
0xaa: {  	s25 =	simm.s32 $_size_execute0_lowered;
	s1 =	sadd.s32 s1, s3;
	[dreg:$0x0] =	wrdreg $0x0  }
0xab: {  	s3 =	sshll.u32 s25, $0x1;
	[dreg:$0x2] =	wrdreg s1  }
0xac: {  	[dreg:$0x3] =	wrdreg s3  }
0xad: {  	[dreg:$0x4] =	wrdreg $0xC0  }
0xae: {  	_ =	task [dreg:s5], $0x5FFFF  }
0xaf: {  	[dreg:$0x1] =	wrdreg $0xFFFFFFFF  }
0xb0: {  	[dreg:$0x0] =	wrdreg $0x60  }
0xb1: {  	[dreg:$0x2] =	wrdreg s22  }
0xb2: {  	[dreg:$0x3] =	wrdreg s14  }
0xb3: {  	[dreg:$0x4] =	wrdreg $0xC8800  }
0xb4: {  	[dreg:$0x5] =	wrdreg $0x9  }
0xb5: {  	_ =	task.clear_ibuf [dreg:s5], $0x6FFFF;
	_ =	strace $0x90000046  }
0xb6: {  	s26 =	simm.s32 $0x9;
	_ =	strace $0x80000048  }
0xb7: {  	_ =	swait.ge [sflag:s26], $0x1  }
0xb8: {  	[sflag:s26] =	ssyncadd.s32 $0xFFFFFFFF  }
0xb9: {  	_ =	strace $0x90000048  }
0xba: {  	_ =	sfence  }
0xbb: {  	s28 =	sld [smem:$0x0];
	_ =	sdelay $0x1  }
0xbc: {  	s29 =	srdreg.scid  }
0xbd: {  	s30 =	sshll.u32 s29, $0xD;
	s31 =	sshrl.u32 s29, $0x2  }
0xbe: {  	s2 =	sand.u32 $0x4000, s30;
	s1 =	sand.u32 $0x1, s29;
	s0 =	sadd.s32 s31, s28  }
0xbf: {  	s1 =	sor.u32 s2, s1;
	s0 =	sshll.u32 s0, $0x11  }
0xc0: {  	s0 =	sor.u32 s0, s1  }
0xc1: {  	s0 =	sadd.s32 $0x8F2B, s0  }
0xc2: {  	[sflag:s0] =	ssyncadd.remote.s32 $0x1  }
0xc3: {  	_ =	sfence.sel $0xFFFF  }
0xc4: {  	[dreg:$0x0] =	wrdreg $0xFFFFFFFF;
	(pc) =	sbr.abs _section_cstart, $3  }
0xc5: {  	[dreg:$0x1] =	wrdreg $0xFFFFFFFF  }
0xc6: {  	_ =	task.clear_ibuf [dreg:s5], $0x2FFFF;
	_ =	strace $0x9FFFFFFF  }
0xc7: {  	(tm) =	ssettm $0x7FFFFFFF  }
tec
execute0_lowered:
.L_overlay_start_1:
0x0: {  	(tag) =	ssettag $0x1  }
0x1: {  	s2 =	rddreg [dreg:$0x0]  }
0x2: {  	s3 =	rddreg [dreg:$0x1]  }
0x3: {  	s7 =	rddreg [dreg:$0x2]  }
0x4: {  	s0 =	rddreg [dreg:$0x3];
	s4 =	simm.s32 $0x0;
	s1 =	stileid.u32  }
0x5: {  	[smem:$0x7FF] =	sst s4;
	s5 =	sshll.u32 s1, $0x8  }
0x6: {  	s31 =	simm.s32 $0x2;
	_ =	strace $0x80000047;
	s3 =	sadd.s32 s3, s5  }
0x7: {  	[tilespmem:s4], [sflag:$0x2] =	stream.linear.gather [hbm4b:s3+s4], $0x600, $0x38;
	[tilespmem:$0x1C880] =	vst v63  }
0x8: {  	s13 =	sadd.s32 $0x1200, s2;
	_ =	swait.ge [sflag:s31], $0x600  }
0x9: {  	s16 =	sadd.s32 $0x21200, s2;
	s2 =	sadd.s32 $0x81200, s2;
	[sflag:s31] =	ssyncset.done $0x0  }
0xa: {  	v0 =	vimm.f32 $1.000000000e+00;
	v1 =	vimm.f32 $0.0e+00;
	s3 =	simm.s32 $0x0;
	s4 =	simm.s32 $0x200;
	[sflag:s31] =	ssyncadd.s32 $0xFFFFFA00  }
.LBB2_1:
0xb: {  	p0 =	sne.s32 s4, $0xFE00;
	[tilespmem:s3+$0x8870] =	vst v1  }
0xc: {  	[tilespmem:s3+$0x4800] =	vst v0  }
0xd: {  	[tilespmem:s3+$0x8800] =	vst v1  }
0xe: {  	[tilespmem:s3+$0x4810] =	vst v0  }
0xf: {  	[tilespmem:s3+$0x8810] =	vst v1  }
0x10: {  	[tilespmem:s3+$0x4820] =	vst v0  }
0x11: {  	[tilespmem:s3+$0x8820] =	vst v1  }
0x12: {  	[tilespmem:s3+$0x4830] =	vst v0  }
0x13: {  	[tilespmem:s3+$0x8830] =	vst v1  }
0x14: {  	[tilespmem:s3+$0x4840] =	vst v0  }
0x15: {  	[tilespmem:s3+$0x8840] =	vst v1  }
.Ltmp0:
0x16: {  	[tilespmem:s3+$0x4850] =	vst v0;
	(pc) =	sbr.rel @p0 .LBB2_1-.Ltmp0, $4  }
0x17: {  	[tilespmem:s3+$0x8850] =	vst v1  }
0x18: {  	[tilespmem:s3+$0x4860] =	vst v0  }
0x19: {  	[tilespmem:s3+$0x8860] =	vst v1  }
0x1a: {  	[tilespmem:s3+$0x4870] =	vst v0;
	s3 =	sshra.s32 s4, $0x2;
	s4 =	sadd.s32 $0x200, s4  }
0x1b: {  	[tilespmem:s3+$0x8870] =	vst v1  }
0x1c: {  	[tilespmem:s3+$0x4800] =	vst v0  }
0x1d: {  	[tilespmem:s3+$0x8800] =	vst v1  }
0x1e: {  	[tilespmem:s3+$0x4810] =	vst v0  }
0x1f: {  	[tilespmem:s3+$0x8810] =	vst v1  }
0x20: {  	[tilespmem:s3+$0x4820] =	vst v0  }
0x21: {  	[tilespmem:s3+$0x8820] =	vst v1  }
0x22: {  	[tilespmem:s3+$0x4830] =	vst v0  }
0x23: {  	[tilespmem:s3+$0x8830] =	vst v1  }
0x24: {  	[tilespmem:s3+$0x4840] =	vst v0  }
0x25: {  	[tilespmem:s3+$0x8840] =	vst v1  }
0x26: {  	[tilespmem:s3+$0x4850] =	vst v0  }
0x27: {  	[tilespmem:s3+$0x8850] =	vst v1  }
0x28: {  	[tilespmem:s3+$0x4860] =	vst v0  }
0x29: {  	[tilespmem:s3+$0x8860] =	vst v1;
	s4 =	sshll.u32 s1, $0x10;
	s5 =	sshll.u32 s1, $0x9  }
0x2a: {  	[tilespmem:s3+$0x4870] =	vst v0;
	s3 =	simm.s32 $0x2;
	s14 =	sadd.s32 s4, s7;
	s4 =	simm.s32 $0x8800  }
0x2b: {  	[spmem:s14] =	stream.linear.scatter [tilespmem:s4], [sflag:$0x2], $0x4000, $0x38;
	[tilespmem:$0x1C880] =	vst v63  }
0x2c: {  	s10 =	sor.u32 $0x80, s5;
	_ =	swait.ge [sflag:s3], $0x4000  }
0x2d: {  	s6 =	sshll.u32 s10, $0x7;
	[sflag:s3] =	ssyncset.done $0x0  }
0x2e: {  	s12 =	sadd.s32 s6, s7;
	[sflag:s3] =	ssyncadd.s32 $0xFFFFC000  }
0x2f: {  	[spmem:s12] =	stream.linear.scatter [tilespmem:s4], [sflag:$0x2], $0x4000, $0x38;
	[tilespmem:$0x1C880] =	vst v63  }
0x30: {  	s8 =	sor.u32 $0x100, s5;
	_ =	swait.ge [sflag:s3], $0x4000  }
0x31: {  	s28 =	sshll.u32 s8, $0x7;
	[sflag:s3] =	ssyncset.done $0x0  }
0x32: {  	s11 =	sadd.s32 s28, s7;
	[sflag:s3] =	ssyncadd.s32 $0xFFFFC000  }
0x33: {  	[spmem:s11] =	stream.linear.scatter [tilespmem:s4], [sflag:$0x2], $0x4000, $0x38;
	[tilespmem:$0x1C880] =	vst v63  }
0x34: {  	s5 =	sor.u32 $0x180, s5;
	_ =	swait.ge [sflag:s3], $0x4000  }
0x35: {  	s29 =	sshll.u32 s5, $0x7;
	[sflag:s3] =	ssyncset.done $0x0  }
0x36: {  	s9 =	sadd.s32 s29, s7;
	[sflag:s3] =	ssyncadd.s32 $0xFFFFC000  }
0x37: {  	[spmem:s9] =	stream.linear.scatter [tilespmem:s4], [sflag:$0x2], $0x4000, $0x38;
	[tilespmem:$0x1C880] =	vst v63  }
0x38: {  	_ =	swait.ge [sflag:s3], $0x4000  }
0x39: {  	s15 =	simm.s32 $0x80;
	s17 =	simm.s32 $0x800;
	[sflag:s3] =	ssyncset.done $0x0  }
0x3a: {  	s18 =	simm.s32 $0x1;
	s6 =	simm.s32 $0x0;
	[sflag:s3] =	ssyncadd.s32 $0xFFFFC000  }
0x3b: {  	[tilespmem:s17], [sflag:$0x1] =	stream.indirect.gather [hbm4b:s13+s15], $0x80, s6, s15, $0xb8;
	[tilespmem:$0x1C880] =	vst v63  }
0x3c: {  	s19 =	smul.u32 $0x6000, s1;
	_ =	swait.ge [sflag:s18], $0x4000  }
0x3d: {  	[sflag:s18] =	ssyncset.done $0x0  }
0x3e: {  	s21 =	sadd.s32 s16, s19;
	[sflag:s18] =	ssyncadd.s32 $0xFFFFC000  }
0x3f: {  	[hbm4b:s21+s6] =	stream.linear.scatter [tilespmem:s17], [sflag:$0x2], $0x4000, $0x38;
	[tilespmem:$0x1C880] =	vst v63  }
0x40: {  	_ =	swait.ge [sflag:s3], $0x4000  }
0x41: {  	[sflag:s3] =	ssyncset.done $0x0  }
0x42: {  	[sflag:s3] =	ssyncadd.s32 $0xFFFFC000  }
0x43: {  	[tilespmem:s17], [sflag:$0x1] =	stream.indirect.gather [hbm4b:s13+s15], $0x80, s15, s15, $0xb8;
	[tilespmem:$0x1C880] =	vst v63  }
0x44: {  	_ =	swait.ge [sflag:s18], $0x4000  }
0x45: {  	[sflag:s18] =	ssyncset.done $0x0  }
0x46: {  	s19 =	sadd.s32 $0x800, s21;
	[sflag:s18] =	ssyncadd.s32 $0xFFFFC000  }
0x47: {  	[hbm4b:s19+s6] =	stream.linear.scatter [tilespmem:s17], [sflag:$0x2], $0x4000, $0x38;
	[tilespmem:$0x1C880] =	vst v63  }
0x48: {  	_ =	swait.ge [sflag:s3], $0x4000  }
0x49: {  	[sflag:s3] =	ssyncset.done $0x0  }
0x4a: {  	s19 =	simm.s32 $0x100;
	[sflag:s3] =	ssyncadd.s32 $0xFFFFC000  }
0x4b: {  	[tilespmem:s17], [sflag:$0x1] =	stream.indirect.gather [hbm4b:s13+s15], $0x80, s19, s15, $0xb8;
	[tilespmem:$0x1C880] =	vst v63  }
0x4c: {  	_ =	swait.ge [sflag:s18], $0x4000  }
0x4d: {  	[sflag:s18] =	ssyncset.done $0x0  }
0x4e: {  	s20 =	sadd.s32 $0x1000, s21;
	[sflag:s18] =	ssyncadd.s32 $0xFFFFC000  }
0x4f: {  	[hbm4b:s20+s6] =	stream.linear.scatter [tilespmem:s17], [sflag:$0x2], $0x4000, $0x38;
	[tilespmem:$0x1C880] =	vst v63  }
0x50: {  	_ =	swait.ge [sflag:s3], $0x4000  }
0x51: {  	[sflag:s3] =	ssyncset.done $0x0  }
0x52: {  	s20 =	simm.s32 $0x180;
	[sflag:s3] =	ssyncadd.s32 $0xFFFFC000  }
0x53: {  	[tilespmem:s17], [sflag:$0x1] =	stream.indirect.gather [hbm4b:s13+s15], $0x80, s20, s15, $0xb8;
	[tilespmem:$0x1C880] =	vst v63  }
0x54: {  	_ =	swait.ge [sflag:s18], $0x4000  }
0x55: {  	[sflag:s18] =	ssyncset.done $0x0  }
0x56: {  	s21 =	sadd.s32 $0x1800, s21;
	[sflag:s18] =	ssyncadd.s32 $0xFFFFC000  }
0x57: {  	[hbm4b:s21+s6] =	stream.linear.scatter [tilespmem:s17], [sflag:$0x2], $0x4000, $0x38;
	[tilespmem:$0x1C880] =	vst v63  }
0x58: {  	_ =	swait.ge [sflag:s3], $0x4000  }
0x59: {  	[sflag:s3] =	ssyncset.done $0x0  }
0x5a: {  	s22 =	smul.u32 $0x30000, s1;
	s21 =	simm.s32 $0x200;
	[sflag:s3] =	ssyncadd.s32 $0xFFFFC000  }
0x5b: {  	[tilespmem:s17], [sflag:$0x1] =	stream.indirect.gather [hbm4b:s13+s15], $0x80, s21, s15, $0xb8;
	[tilespmem:$0x1C880] =	vst v63  }
0x5c: {  	s22 =	sshrl.u32 s22, $0x3;
	_ =	swait.ge [sflag:s18], $0x4000  }
0x5d: {  	s25 =	sadd.s32 s16, s22;
	[sflag:s18] =	ssyncset.done $0x0  }
0x5e: {  	s16 =	sadd.s32 $0x2000, s25;
	[sflag:s18] =	ssyncadd.s32 $0xFFFFC000  }
0x5f: {  	[hbm4b:s16+s6] =	stream.linear.scatter [tilespmem:s17], [sflag:$0x2], $0x4000, $0x38;
	[tilespmem:$0x1C880] =	vst v63  }
0x60: {  	_ =	swait.ge [sflag:s3], $0x4000  }
0x61: {  	[sflag:s3] =	ssyncset.done $0x0  }
0x62: {  	s16 =	simm.s32 $0x280;
	[sflag:s3] =	ssyncadd.s32 $0xFFFFC000  }
0x63: {  	[tilespmem:s17], [sflag:$0x1] =	stream.indirect.gather [hbm4b:s13+s15], $0x80, s16, s15, $0xb8;
	[tilespmem:$0x1C880] =	vst v63  }
0x64: {  	_ =	swait.ge [sflag:s18], $0x4000  }
0x65: {  	[sflag:s18] =	ssyncset.done $0x0  }
0x66: {  	s22 =	sadd.s32 $0x2800, s25;
	[sflag:s18] =	ssyncadd.s32 $0xFFFFC000  }
0x67: {  	[hbm4b:s22+s6] =	stream.linear.scatter [tilespmem:s17], [sflag:$0x2], $0x4000, $0x38;
	[tilespmem:$0x1C880] =	vst v63  }
0x68: {  	_ =	swait.ge [sflag:s3], $0x4000  }
0x69: {  	[sflag:s3] =	ssyncset.done $0x0  }
0x6a: {  	s22 =	simm.s32 $0x300;
	[sflag:s3] =	ssyncadd.s32 $0xFFFFC000  }
0x6b: {  	[tilespmem:s17], [sflag:$0x1] =	stream.indirect.gather [hbm4b:s13+s15], $0x80, s22, s15, $0xb8;
	[tilespmem:$0x1C880] =	vst v63  }
0x6c: {  	_ =	swait.ge [sflag:s18], $0x4000  }
0x6d: {  	[sflag:s18] =	ssyncset.done $0x0  }
0x6e: {  	s23 =	sadd.s32 $0x3000, s25;
	[sflag:s18] =	ssyncadd.s32 $0xFFFFC000  }
0x6f: {  	[hbm4b:s23+s6] =	stream.linear.scatter [tilespmem:s17], [sflag:$0x2], $0x4000, $0x38;
	[tilespmem:$0x1C880] =	vst v63  }
0x70: {  	_ =	swait.ge [sflag:s3], $0x4000  }
0x71: {  	[sflag:s3] =	ssyncset.done $0x0  }
0x72: {  	s23 =	simm.s32 $0x380;
	[sflag:s3] =	ssyncadd.s32 $0xFFFFC000  }
0x73: {  	[tilespmem:s17], [sflag:$0x1] =	stream.indirect.gather [hbm4b:s13+s15], $0x80, s23, s15, $0xb8;
	[tilespmem:$0x1C880] =	vst v63  }
0x74: {  	_ =	swait.ge [sflag:s18], $0x4000  }
0x75: {  	[sflag:s18] =	ssyncset.done $0x0  }
0x76: {  	s24 =	sadd.s32 $0x3800, s25;
	[sflag:s18] =	ssyncadd.s32 $0xFFFFC000  }
0x77: {  	[hbm4b:s24+s6] =	stream.linear.scatter [tilespmem:s17], [sflag:$0x2], $0x4000, $0x38;
	[tilespmem:$0x1C880] =	vst v63  }
0x78: {  	_ =	swait.ge [sflag:s3], $0x4000  }
0x79: {  	[sflag:s3] =	ssyncset.done $0x0  }
0x7a: {  	s24 =	simm.s32 $0x400;
	[sflag:s3] =	ssyncadd.s32 $0xFFFFC000  }
0x7b: {  	[tilespmem:s17], [sflag:$0x1] =	stream.indirect.gather [hbm4b:s13+s15], $0x80, s24, s15, $0xb8;
	[tilespmem:$0x1C880] =	vst v63  }
0x7c: {  	_ =	swait.ge [sflag:s18], $0x4000  }
0x7d: {  	[sflag:s18] =	ssyncset.done $0x0  }
0x7e: {  	s26 =	sadd.s32 $0x4000, s25;
	[sflag:s18] =	ssyncadd.s32 $0xFFFFC000  }
0x7f: {  	[hbm4b:s26+s6] =	stream.linear.scatter [tilespmem:s17], [sflag:$0x2], $0x4000, $0x38;
	[tilespmem:$0x1C880] =	vst v63  }
0x80: {  	_ =	swait.ge [sflag:s3], $0x4000  }
0x81: {  	[sflag:s3] =	ssyncset.done $0x0  }
0x82: {  	s26 =	simm.s32 $0x480;
	[sflag:s3] =	ssyncadd.s32 $0xFFFFC000  }
0x83: {  	[tilespmem:s17], [sflag:$0x1] =	stream.indirect.gather [hbm4b:s13+s15], $0x80, s26, s15, $0xb8;
	[tilespmem:$0x1C880] =	vst v63  }
0x84: {  	_ =	swait.ge [sflag:s18], $0x4000  }
0x85: {  	[sflag:s18] =	ssyncset.done $0x0  }
0x86: {  	s28 =	sadd.s32 $0x4800, s25;
	[sflag:s18] =	ssyncadd.s32 $0xFFFFC000  }
0x87: {  	[hbm4b:s28+s6] =	stream.linear.scatter [tilespmem:s17], [sflag:$0x2], $0x4000, $0x38;
	[tilespmem:$0x1C880] =	vst v63  }
0x88: {  	_ =	swait.ge [sflag:s3], $0x4000  }
0x89: {  	[sflag:s3] =	ssyncset.done $0x0  }
0x8a: {  	s30 =	simm.s32 $0x500;
	[sflag:s3] =	ssyncadd.s32 $0xFFFFC000  }
0x8b: {  	[tilespmem:s17], [sflag:$0x1] =	stream.indirect.gather [hbm4b:s13+s15], $0x80, s30, s15, $0xb8;
	[tilespmem:$0x1C880] =	vst v63  }
0x8c: {  	_ =	swait.ge [sflag:s18], $0x4000  }
0x8d: {  	[sflag:s18] =	ssyncset.done $0x0  }
0x8e: {  	s29 =	sadd.s32 $0x5000, s25;
	[sflag:s18] =	ssyncadd.s32 $0xFFFFC000  }
0x8f: {  	[hbm4b:s29+s6] =	stream.linear.scatter [tilespmem:s17], [sflag:$0x2], $0x4000, $0x38;
	[tilespmem:$0x1C880] =	vst v63  }
0x90: {  	_ =	swait.ge [sflag:s3], $0x4000  }
0x91: {  	[sflag:s3] =	ssyncset.done $0x0  }
0x92: {  	s31 =	simm.s32 $0x580;
	[sflag:s3] =	ssyncadd.s32 $0xFFFFC000  }
0x93: {  	[tilespmem:s17], [sflag:$0x1] =	stream.indirect.gather [hbm4b:s13+s15], $0x80, s31, s15, $0xb8;
	[tilespmem:$0x1C880] =	vst v63  }
0x94: {  	_ =	swait.ge [sflag:s18], $0x4000  }
0x95: {  	[sflag:s18] =	ssyncset.done $0x0  }
0x96: {  	[sflag:s18] =	ssyncadd.s32 $0xFFFFC000;
	s18 =	sadd.s32 $0x5800, s25  }
0x97: {  	[hbm4b:s18+s6] =	stream.linear.scatter [tilespmem:s17], [sflag:$0x2], $0x4000, $0x38;
	[tilespmem:$0x1C880] =	vst v63  }
0x98: {  	_ =	swait.ge [sflag:s3], $0x4000  }
0x99: {  	[sflag:s3] =	ssyncset.done $0x0  }
0x9a: {  	[sflag:s3] =	ssyncadd.s32 $0xFFFFC000  }
0x9b: {  	s25 =	simm.s32 $0x4800;
	[bflag:$0x0] =	sbarrier.arrive $0xFFFF  }
0x9c: {  	[spmem:s7] =	stream.indirect.scatter.add.f32 [tilespmem:s25], [sflag:$0x2], $0x80, s6, s15, $0xb8;
	[tilespmem:$0x1C880] =	vst v63  }
0x9d: {  	_ =	swait.ge [sflag:s3], $0x4000  }
0x9e: {  	[sflag:s3] =	ssyncset.done $0x0  }
0x9f: {  	[sflag:s3] =	ssyncadd.s32 $0xFFFFC000  }
0xa0: {  	[spmem:s7] =	stream.indirect.scatter.add.f32 [tilespmem:s25], [sflag:$0x2], $0x80, s15, s15, $0xb8;
	[tilespmem:$0x1C880] =	vst v63  }
0xa1: {  	_ =	swait.ge [sflag:s3], $0x4000  }
0xa2: {  	[sflag:s3] =	ssyncset.done $0x0  }
0xa3: {  	[sflag:s3] =	ssyncadd.s32 $0xFFFFC000  }
0xa4: {  	[spmem:s7] =	stream.indirect.scatter.add.f32 [tilespmem:s25], [sflag:$0x2], $0x80, s19, s15, $0xb8;
	[tilespmem:$0x1C880] =	vst v63  }
0xa5: {  	_ =	swait.ge [sflag:s3], $0x4000  }
0xa6: {  	[sflag:s3] =	ssyncset.done $0x0  }
0xa7: {  	[sflag:s3] =	ssyncadd.s32 $0xFFFFC000  }
0xa8: {  	[spmem:s7] =	stream.indirect.scatter.add.f32 [tilespmem:s25], [sflag:$0x2], $0x80, s20, s15, $0xb8;
	[tilespmem:$0x1C880] =	vst v63  }
0xa9: {  	_ =	swait.ge [sflag:s3], $0x4000  }
0xaa: {  	[sflag:s3] =	ssyncset.done $0x0  }
0xab: {  	[sflag:s3] =	ssyncadd.s32 $0xFFFFC000  }
0xac: {  	[spmem:s7] =	stream.indirect.scatter.add.f32 [tilespmem:s25], [sflag:$0x2], $0x80, s21, s15, $0xb8;
	[tilespmem:$0x1C880] =	vst v63  }
0xad: {  	_ =	swait.ge [sflag:s3], $0x4000  }
0xae: {  	[sflag:s3] =	ssyncset.done $0x0  }
0xaf: {  	[sflag:s3] =	ssyncadd.s32 $0xFFFFC000  }
0xb0: {  	[spmem:s7] =	stream.indirect.scatter.add.f32 [tilespmem:s25], [sflag:$0x2], $0x80, s16, s15, $0xb8;
	[tilespmem:$0x1C880] =	vst v63  }
0xb1: {  	_ =	swait.ge [sflag:s3], $0x4000  }
0xb2: {  	[sflag:s3] =	ssyncset.done $0x0  }
0xb3: {  	[sflag:s3] =	ssyncadd.s32 $0xFFFFC000  }
0xb4: {  	[spmem:s7] =	stream.indirect.scatter.add.f32 [tilespmem:s25], [sflag:$0x2], $0x80, s22, s15, $0xb8;
	[tilespmem:$0x1C880] =	vst v63  }
0xb5: {  	_ =	swait.ge [sflag:s3], $0x4000  }
0xb6: {  	[sflag:s3] =	ssyncset.done $0x0  }
0xb7: {  	[sflag:s3] =	ssyncadd.s32 $0xFFFFC000  }
0xb8: {  	[spmem:s7] =	stream.indirect.scatter.add.f32 [tilespmem:s25], [sflag:$0x2], $0x80, s23, s15, $0xb8;
	[tilespmem:$0x1C880] =	vst v63  }
0xb9: {  	_ =	swait.ge [sflag:s3], $0x4000  }
0xba: {  	[sflag:s3] =	ssyncset.done $0x0  }
0xbb: {  	[sflag:s3] =	ssyncadd.s32 $0xFFFFC000  }
0xbc: {  	[spmem:s7] =	stream.indirect.scatter.add.f32 [tilespmem:s25], [sflag:$0x2], $0x80, s24, s15, $0xb8;
	[tilespmem:$0x1C880] =	vst v63  }
0xbd: {  	_ =	swait.ge [sflag:s3], $0x4000  }
0xbe: {  	[sflag:s3] =	ssyncset.done $0x0  }
0xbf: {  	[sflag:s3] =	ssyncadd.s32 $0xFFFFC000  }
0xc0: {  	[spmem:s7] =	stream.indirect.scatter.add.f32 [tilespmem:s25], [sflag:$0x2], $0x80, s26, s15, $0xb8;
	[tilespmem:$0x1C880] =	vst v63  }
0xc1: {  	_ =	swait.ge [sflag:s3], $0x4000  }
0xc2: {  	[sflag:s3] =	ssyncset.done $0x0  }
0xc3: {  	[sflag:s3] =	ssyncadd.s32 $0xFFFFC000  }
0xc4: {  	[spmem:s7] =	stream.indirect.scatter.add.f32 [tilespmem:s25], [sflag:$0x2], $0x80, s30, s15, $0xb8;
	[tilespmem:$0x1C880] =	vst v63  }
0xc5: {  	_ =	swait.ge [sflag:s3], $0x4000  }
0xc6: {  	[sflag:s3] =	ssyncset.done $0x0  }
0xc7: {  	[sflag:s3] =	ssyncadd.s32 $0xFFFFC000  }
0xc8: {  	[spmem:s7] =	stream.indirect.scatter.add.f32 [tilespmem:s25], [sflag:$0x2], $0x80, s31, s15, $0xb8;
	[tilespmem:$0x1C880] =	vst v63  }
0xc9: {  	_ =	swait.ge [sflag:s3], $0x4000  }
0xca: {  	v60 =	vlaneseq.u32;
	[sflag:s3] =	ssyncset.done $0x0  }
0xcb: {  	v0 =	vmul.u32 $0x80, v60;
	[sflag:s3] =	ssyncadd.s32 $0xFFFFC000  }
0xcc: {  	[bflag:$0x0] =	sbarrier.arrive $0xFFFF  }
0xcd: {  	[tilespmem:s4], [sflag:$0x2] =	stream.linear.gather [spmem:s14], $0x4000, $0x38;
	[tilespmem:$0x1C880] =	vst v63  }
0xce: {  	_ =	swait.ge [sflag:s3], $0x4000  }
0xcf: {  	[sflag:s3] =	ssyncset.done $0x0  }
0xd0: {  	[sflag:s3] =	ssyncadd.s32 $0xFFFFC000  }
0xd1: {  	v61 =	vld.idx.msk [tilespmem:v0+s4+$0x0], $0xffff  }
0xd2: {  	v2 =	vor.u32 $0x800, v0;
	_ =	sdelay $0x3  }
0xd3: {  	[tilespmem:$0xC800] =	vst v61  }
0xd4: {  	v1 =	vld.idx.msk [tilespmem:v2+s4+$0x0], $0xffff  }
0xd5: {  	v3 =	vor.u32 $0x1000, v0;
	_ =	sdelay $0x3  }
0xd6: {  	[tilespmem:$0xC810] =	vst v1  }
0xd7: {  	v1 =	vld.idx.msk [tilespmem:v3+s4+$0x0], $0xffff  }
0xd8: {  	v4 =	vor.u32 $0x1800, v0;
	_ =	sdelay $0x3  }
0xd9: {  	[tilespmem:$0xC820] =	vst v1  }
0xda: {  	v1 =	vld.idx.msk [tilespmem:v4+s4+$0x0], $0xffff  }
0xdb: {  	v5 =	vor.u32 $0x2000, v0;
	_ =	sdelay $0x3  }
0xdc: {  	[tilespmem:$0xC830] =	vst v1  }
0xdd: {  	v1 =	vld.idx.msk [tilespmem:v5+s4+$0x0], $0xffff  }
0xde: {  	v6 =	vor.u32 $0x2800, v0;
	_ =	sdelay $0x3  }
0xdf: {  	[tilespmem:$0xC840] =	vst v1  }
0xe0: {  	v1 =	vld.idx.msk [tilespmem:v6+s4+$0x0], $0xffff  }
0xe1: {  	v7 =	vor.u32 $0x3000, v0;
	_ =	sdelay $0x3  }
0xe2: {  	[tilespmem:$0xC850] =	vst v1  }
0xe3: {  	v1 =	vld.idx.msk [tilespmem:v7+s4+$0x0], $0xffff  }
0xe4: {  	v8 =	vor.u32 $0x3800, v0;
	_ =	sdelay $0x3  }
0xe5: {  	[tilespmem:$0xC860] =	vst v1  }
0xe6: {  	v1 =	vld.idx.msk [tilespmem:v8+s4+$0x0], $0xffff;
	_ =	sdelay $0x3  }
0xe7: {  	s26 =	sshll.u32 s1, $0x6  }
0xe8: {  	s29 =	simm.s32 $0xC800;
	s28 =	sadd.s32 s2, s26;
	[tilespmem:$0xC870] =	vst v1  }
0xe9: {  	[hbm4b:s28+s6] =	stream.linear.scatter [tilespmem:s29], [sflag:$0x2], $0x80, $0x38;
	[tilespmem:$0x1C880] =	vst v63  }
0xea: {  	_ =	swait.ge [sflag:s3], $0x80  }
0xeb: {  	[sflag:s3] =	ssyncset.done $0x0  }
0xec: {  	[sflag:s3] =	ssyncadd.s32 $0xFFFFFF80  }
0xed: {  	[tilespmem:s4], [sflag:$0x2] =	stream.linear.gather [spmem:s12], $0x4000, $0x38;
	[tilespmem:$0x1C880] =	vst v63  }
0xee: {  	_ =	swait.ge [sflag:s3], $0x4000  }
0xef: {  	[sflag:s3] =	ssyncset.done $0x0  }
0xf0: {  	[sflag:s3] =	ssyncadd.s32 $0xFFFFC000  }
0xf1: {  	v62 =	vld.idx.msk [tilespmem:v0+s4+$0x0], $0xffff;
	_ =	sdelay $0x4  }
0xf2: {  	[tilespmem:$0xC800] =	vst v62  }
0xf3: {  	v1 =	vld.idx.msk [tilespmem:v2+s4+$0x0], $0xffff;
	_ =	sdelay $0x4  }
0xf4: {  	[tilespmem:$0xC810] =	vst v1  }
0xf5: {  	v1 =	vld.idx.msk [tilespmem:v3+s4+$0x0], $0xffff;
	_ =	sdelay $0x4  }
0xf6: {  	[tilespmem:$0xC820] =	vst v1  }
0xf7: {  	v1 =	vld.idx.msk [tilespmem:v4+s4+$0x0], $0xffff;
	_ =	sdelay $0x4  }
0xf8: {  	[tilespmem:$0xC830] =	vst v1  }
0xf9: {  	v1 =	vld.idx.msk [tilespmem:v5+s4+$0x0], $0xffff;
	_ =	sdelay $0x4  }
0xfa: {  	[tilespmem:$0xC840] =	vst v1  }
0xfb: {  	v1 =	vld.idx.msk [tilespmem:v6+s4+$0x0], $0xffff;
	_ =	sdelay $0x4  }
0xfc: {  	[tilespmem:$0xC850] =	vst v1  }
0xfd: {  	v1 =	vld.idx.msk [tilespmem:v7+s4+$0x0], $0xffff;
	_ =	sdelay $0x4  }
0xfe: {  	[tilespmem:$0xC860] =	vst v1  }
0xff: {  	v1 =	vld.idx.msk [tilespmem:v8+s4+$0x0], $0xffff;
	_ =	sdelay $0x3  }
0x100: {  	s10 =	sshrl.u32 s10, $0x3  }
0x101: {  	s10 =	sadd.s32 s2, s10;
	[tilespmem:$0xC870] =	vst v1  }
0x102: {  	[hbm4b:s10+s6] =	stream.linear.scatter [tilespmem:s29], [sflag:$0x2], $0x80, $0x38;
	[tilespmem:$0x1C880] =	vst v63  }
0x103: {  	_ =	swait.ge [sflag:s3], $0x80  }
0x104: {  	[sflag:s3] =	ssyncset.done $0x0  }
0x105: {  	[sflag:s3] =	ssyncadd.s32 $0xFFFFFF80  }
0x106: {  	[tilespmem:s4], [sflag:$0x2] =	stream.linear.gather [spmem:s11], $0x4000, $0x38;
	[tilespmem:$0x1C880] =	vst v63  }
0x107: {  	_ =	swait.ge [sflag:s3], $0x4000  }
0x108: {  	[sflag:s3] =	ssyncset.done $0x0  }
0x109: {  	[sflag:s3] =	ssyncadd.s32 $0xFFFFC000  }
0x10a: {  	v63 =	vld.idx.msk [tilespmem:v0+s4+$0x0], $0xffff;
	_ =	sdelay $0x4  }
0x10b: {  	[tilespmem:$0xC800] =	vst v63  }
0x10c: {  	v1 =	vld.idx.msk [tilespmem:v2+s4+$0x0], $0xffff;
	_ =	sdelay $0x4  }
0x10d: {  	[tilespmem:$0xC810] =	vst v1  }
0x10e: {  	v1 =	vld.idx.msk [tilespmem:v3+s4+$0x0], $0xffff;
	_ =	sdelay $0x4  }
0x10f: {  	[tilespmem:$0xC820] =	vst v1  }
0x110: {  	v1 =	vld.idx.msk [tilespmem:v4+s4+$0x0], $0xffff;
	_ =	sdelay $0x4  }
0x111: {  	[tilespmem:$0xC830] =	vst v1  }
0x112: {  	v1 =	vld.idx.msk [tilespmem:v5+s4+$0x0], $0xffff;
	_ =	sdelay $0x4  }
0x113: {  	[tilespmem:$0xC840] =	vst v1  }
0x114: {  	v1 =	vld.idx.msk [tilespmem:v6+s4+$0x0], $0xffff;
	_ =	sdelay $0x4  }
0x115: {  	[tilespmem:$0xC850] =	vst v1  }
0x116: {  	v1 =	vld.idx.msk [tilespmem:v7+s4+$0x0], $0xffff;
	_ =	sdelay $0x4  }
0x117: {  	[tilespmem:$0xC860] =	vst v1  }
0x118: {  	v1 =	vld.idx.msk [tilespmem:v8+s4+$0x0], $0xffff;
	_ =	sdelay $0x3  }
0x119: {  	s8 =	sshrl.u32 s8, $0x3  }
0x11a: {  	s8 =	sadd.s32 s2, s8;
	[tilespmem:$0xC870] =	vst v1  }
0x11b: {  	[hbm4b:s8+s6] =	stream.linear.scatter [tilespmem:s29], [sflag:$0x2], $0x80, $0x38;
	[tilespmem:$0x1C880] =	vst v63  }
0x11c: {  	_ =	swait.ge [sflag:s3], $0x80  }
0x11d: {  	[sflag:s3] =	ssyncset.done $0x0  }
0x11e: {  	[sflag:s3] =	ssyncadd.s32 $0xFFFFFF80  }
0x11f: {  	[tilespmem:s4], [sflag:$0x2] =	stream.linear.gather [spmem:s9], $0x4000, $0x38;
	[tilespmem:$0x1C880] =	vst v63  }
0x120: {  	_ =	swait.ge [sflag:s3], $0x4000  }
0x121: {  	[sflag:s3] =	ssyncset.done $0x0  }
0x122: {  	[sflag:s3] =	ssyncadd.s32 $0xFFFFC000  }
0x123: {  	v0 =	vld.idx.msk [tilespmem:v0+s4+$0x0], $0xffff;
	_ =	sdelay $0x4  }
0x124: {  	[tilespmem:$0xC800] =	vst v0  }
0x125: {  	v0 =	vld.idx.msk [tilespmem:v2+s4+$0x0], $0xffff;
	_ =	sdelay $0x4  }
0x126: {  	[tilespmem:$0xC810] =	vst v0  }
0x127: {  	v0 =	vld.idx.msk [tilespmem:v3+s4+$0x0], $0xffff;
	_ =	sdelay $0x4  }
0x128: {  	[tilespmem:$0xC820] =	vst v0  }
0x129: {  	v0 =	vld.idx.msk [tilespmem:v4+s4+$0x0], $0xffff;
	_ =	sdelay $0x4  }
0x12a: {  	[tilespmem:$0xC830] =	vst v0  }
0x12b: {  	v0 =	vld.idx.msk [tilespmem:v5+s4+$0x0], $0xffff;
	_ =	sdelay $0x4  }
0x12c: {  	[tilespmem:$0xC840] =	vst v0  }
0x12d: {  	v0 =	vld.idx.msk [tilespmem:v6+s4+$0x0], $0xffff;
	_ =	sdelay $0x4  }
0x12e: {  	[tilespmem:$0xC850] =	vst v0  }
0x12f: {  	v0 =	vld.idx.msk [tilespmem:v7+s4+$0x0], $0xffff;
	_ =	sdelay $0x4  }
0x130: {  	[tilespmem:$0xC860] =	vst v0  }
0x131: {  	v0 =	vld.idx.msk [tilespmem:v8+s4+$0x0], $0xffff;
	_ =	sdelay $0x3  }
0x132: {  	s30 =	sshrl.u32 s5, $0x3  }
0x133: {  	s31 =	sadd.s32 s2, s30;
	[tilespmem:$0xC870] =	vst v0  }
0x134: {  	[hbm4b:s31+s6] =	stream.linear.scatter [tilespmem:s29], [sflag:$0x2], $0x80, $0x38;
	[tilespmem:$0x1C880] =	vst v63  }
0x135: {  	_ =	swait.ge [sflag:s3], $0x80  }
0x136: {  	[sflag:s3] =	ssyncset.done $0x0  }
0x137: {  	[sflag:s3] =	ssyncadd.s32 $0xFFFFFF80  }
0x138: {  	_ =	sfence.sel $0x180000  }
0x139: {  	[bflag:$0x0] =	sbarrier.arrive $0xFFFF  }
0x13a: {  	p0 =	sne.s32 s1, $0x0;
	_ =	strace $0x90000047  }
0x13b: {  	s0 =	sadd.s32 @!p0 $0x100000, s0;
	[bflag:$0x2] =	sbarrier.arrive $0xFFFF  }
0x13c: {  	[sflag:s0] =	ssyncadd.tile.s32 @!p0 $0x1;
	_ =	shalt  }
.Lfunc_end2:
_tile_overlayer_lowered:
.L_overlay_start_2:
0x13d: {  	(tag) =	ssettag $0x2  }
0x13e: {  	s0 =	rddreg [dreg:$0x0];
	s2 =	stileid.u32  }
0x13f: {  	s1 =	rddreg [dreg:$0x1];
	p0 =	sne.s32 s2, $0x0  }
0x140: {  	s3 =	rddreg [dreg:$0x2];
	[bflag:$0x3] =	sbarrier.arrive $0xFFFF;
	s2 =	simm.s32 @!p0 $0x1C02  }
0x141: {  	[timem:s3], [sflag:s2] =	dma.local @!p0 [hbm:s0], s1  }
0x142: {  	s0 =	simm.s32 @!p0 $0x2  }
0x143: {  	_ =	swait.ge @!p0 [sflag:s0], s1  }
0x144: {  	s1 =	ssub.s32 @!p0 $0x0, s1;
	[sflag:s0] =	ssyncset.done @!p0 $0x0  }
0x145: {  	[sflag:s0] =	ssyncadd.s32 @!p0 s1  }
0x146: {  	[bflag:$0x3] =	sbarrier.arrive $0xFFFF  }
0x147: {  	_ =	shalt  }

</sc_bundles>
